<compile_context>
chip_gen: v7x
topology: tpu7x:2x2x1
jax: 0.10.2.dev20260603
libtpu: 0.0.44.dev20260713+nightly
codegen_flags: <defaults>
</compile_context>

<pallas_src>
import functools
import math

import jax
import jax.numpy as jnp
from jax import lax
from jax.experimental import pallas as pl
from jax.experimental.pallas import tpu as pltpu
from jax.experimental.pallas import tpu_sc as plsc

_EMBED = 64
_DEPTHS = 16
_NTOK = 819200



def _table_body(emb_ref, fb_ref, w1_ref, w2_ref, w3_ref, b_ref, g_ref,
                beta_ref, out_ref):
    depth = lax.broadcasted_iota(jnp.int32, (_DEPTHS, 1), 0).astype(
        jnp.float32) * (1.0 / (_DEPTHS - 1))
    ang = depth * fb_ref[...] * math.pi
    sin_f = jnp.sin(ang)
    cos_f = jnp.cos(ang)
    dn = (((1,), (1,)), ((), ()))
    y = lax.dot_general(emb_ref[...], w1_ref[...], dn,
                        preferred_element_type=jnp.float32)
    y = y + lax.dot_general(sin_f, w2_ref[...], dn,
                            preferred_element_type=jnp.float32)
    y = y + lax.dot_general(cos_f, w3_ref[...], dn,
                            preferred_element_type=jnp.float32)
    y = y + b_ref[...]
    mean = jnp.mean(y, axis=1, keepdims=True)
    var = jnp.mean((y - mean) ** 2, axis=1, keepdims=True)
    yn = (y - mean) * lax.rsqrt(var + 1e-5)
    yn = yn * g_ref[...] + beta_ref[...]
    enc = 0.5 * yn * (1.0 + lax.erf(yn * (1.0 / math.sqrt(2.0))))
    out_ref[...] = enc


def _build_table(embed_table, freq_bands, W, b, gamma, beta):
    w1 = W[:, : _EMBED // 2]
    w2 = W[:, _EMBED // 2: _EMBED // 2 + _EMBED // 4]
    w3 = W[:, _EMBED // 2 + _EMBED // 4:]
    return pl.pallas_call(
        _table_body,
        out_shape=jax.ShapeDtypeStruct((_DEPTHS, _EMBED), jnp.float32),
    )(embed_table, freq_bands.reshape(1, -1), w1, w2, w3,
      b.reshape(1, -1), gamma.reshape(1, -1), beta.reshape(1, -1))


_NC = 2
_NS = 16
_NW = _NC * _NS
_BLK = 640
_BLOCKS = _NTOK // _BLK
_BPW = _BLOCKS // _NW

_sc_mesh = plsc.VectorSubcoreMesh(core_axis_name="c", subcore_axis_name="s")


_LANES = 16
_CHUNKS = _EMBED // _LANES
_BW = _BLK * _EMBED


@functools.partial(
    pl.kernel,
    mesh=_sc_mesh,
    out_type=jax.ShapeDtypeStruct((_NTOK * _EMBED,), jnp.float32),
    scratch_types=[
        pltpu.VMEM((_DEPTHS * _EMBED,), jnp.float32),
        pltpu.VMEM((_BLK,), jnp.int32),
        pltpu.VMEM((_BLK,), jnp.int32),
        pltpu.VMEM((_BW,), jnp.float32),
        pltpu.VMEM((_BW,), jnp.float32),
        pltpu.SemaphoreType.DMA,
        pltpu.SemaphoreType.DMA,
        pltpu.SemaphoreType.DMA,
        pltpu.SemaphoreType.DMA,
    ],
    compiler_params=pltpu.CompilerParams(
        use_tc_tiling_on_sc=False, needs_layout_passes=False),
)
def _sc_gather(table_hbm, idx_hbm, out_hbm, tab_v, idx0, idx1, rows0, rows1,
               sw0, sw1, si0, si1):
    wid = lax.axis_index("s") * _NC + lax.axis_index("c")
    idx_v = [idx0, idx1]
    rows_v = [rows0, rows1]
    sem_w = [sw0, sw1]
    sem_i = [si0, si1]

    pltpu.sync_copy(table_hbm, tab_v)

    def expand_block(idx_ref, rows_ref):
        @plsc.parallel_loop(0, _BLK, step=_LANES)
        def _body(t0):
            srcs = idx_ref[pl.ds(t0, _LANES)] * _EMBED
            for k in range(_LANES):
                src = srcs[k]
                dst = (t0 + k) * _EMBED
                for c in range(_CHUNKS):
                    rows_ref[pl.ds(dst + c * _LANES, _LANES)] = (
                        tab_v[pl.ds(src + c * _LANES, _LANES)])

    def wait_write(b):
        pltpu.make_async_copy(
            rows_v[b], out_hbm.at[pl.ds(0, _BW)], sem_w[b]).wait()

    def wait_idx(b):
        pltpu.make_async_copy(
            idx_hbm.at[pl.ds(0, _BLK)], idx_v[b], sem_i[b]).wait()

    pltpu.async_copy(
        idx_hbm.at[pl.ds(wid * _BPW * _BLK, _BLK)], idx_v[0], sem_i[0])

    def superstep(s, carry):
        for b in range(2):
            i = s * 2 + b
            blk = wid * _BPW + i
            wait_idx(b)

            @pl.when(i + 1 < _BPW)
            def _():
                pltpu.async_copy(
                    idx_hbm.at[pl.ds((blk + 1) * _BLK, _BLK)],
                    idx_v[1 - b], sem_i[1 - b])

            @pl.when(s > 0)
            def _():
                wait_write(b)

            expand_block(idx_v[b], rows_v[b])
            pltpu.async_copy(
                rows_v[b], out_hbm.at[pl.ds(blk * _BW, _BW)], sem_w[b])
        return carry

    lax.fori_loop(0, _BPW // 2, superstep, 0)
    wait_write(0)
    wait_write(1)


def kernel(depth_indices, embed_table, freq_bands, W, b, gamma, beta):
    table = _build_table(embed_table, freq_bands, W, b, gamma, beta)
    flat = _sc_gather(table.reshape(-1), depth_indices.astype(jnp.int32))
    return flat.reshape(_NTOK, _EMBED)

# --- scband reference (transcript-rebuilt; emitter-appended) ---
"""Pipeline reference for scband-simple-depth-encoding-85925115724447 (READ-ONLY COPY).

The authoritative reference and input builder live on the scoring server;
editing this copy changes nothing except your own understanding.
"""

import jax, jax.numpy as jnp
import numpy as np
import math

EMBED_DIM = 64
NUM_DEPTHS = 16
N = 819200


def setup_inputs(seed: int = 0) -> dict:
    key = jax.random.key(seed)
    k1, k2, k3 = jax.random.split(key, 3)
    depth_indices = jax.random.randint(k1, (N,), 0, NUM_DEPTHS, dtype=jnp.int64) if jax.config.jax_enable_x64 else jax.random.randint(k1, (N,), 0, NUM_DEPTHS, dtype=jnp.int32)
    embed_table = jax.random.normal(k2, (NUM_DEPTHS, EMBED_DIM // 2), dtype=jnp.float32)
    freq_bands = jnp.linspace(1.0, NUM_DEPTHS / 2.0, EMBED_DIM // 4, dtype=jnp.float32)
    W = jax.random.normal(k3, (EMBED_DIM, EMBED_DIM), dtype=jnp.float32) * 0.05
    b = jnp.zeros((EMBED_DIM,), dtype=jnp.float32)
    gamma = jnp.ones((EMBED_DIM,), dtype=jnp.float32)
    beta = jnp.zeros((EMBED_DIM,), dtype=jnp.float32)
    return {"depth_indices": depth_indices, "embed_table": embed_table, "freq_bands": freq_bands, "W": W, "b": b, "gamma": gamma, "beta": beta}


def reference(depth_indices, embed_table, freq_bands, W, b, gamma, beta):
    depth_normalized = depth_indices.astype(jnp.float32) / (NUM_DEPTHS - 1)
    learned = jnp.take(embed_table, depth_indices, axis=0)  # [N, embed_dim//2]
    depth_expanded = depth_normalized[:, None]  # [N, 1]
    sin_features = jnp.sin(depth_expanded * freq_bands * math.pi)  # [N, embed_dim//4]
    cos_features = jnp.cos(depth_expanded * freq_bands * math.pi)  # [N, embed_dim//4]
    sinusoidal = jnp.concatenate([sin_features, cos_features], axis=-1)  # [N, embed_dim//2]
    combined = jnp.concatenate([learned, sinusoidal], axis=-1)  # [N, embed_dim]
    y = combined @ W.T + b  # Linear
    mean = jnp.mean(y, axis=-1, keepdims=True)
    var = jnp.var(y, axis=-1, keepdims=True)
    y_norm = (y - mean) / jnp.sqrt(var + 1e-5)
    y_norm = y_norm * gamma + beta
    encoding = jax.nn.gelu(y_norm, approximate=False)
    return encoding

if __name__ == "__main__":
    import jax
    _d = setup_inputs()
    print(jax.jit(kernel)(*tuple(_d.values())))

</pallas_src>

<mosaic_0001>
#map = affine_map<(d0, d1) -> (0)>
module attributes {stable_mosaic.version = 14 : i64} {
  func.func @_sc_gather(%arg0: i32, %arg1: i32, %arg2: memref<1024xf32, #tpu.memory_space<hbm>>, %arg3: memref<819200xi32, #tpu.memory_space<hbm>>, %arg4: memref<52428800xf32, #tpu.memory_space<hbm>>, %arg5: memref<1024xf32, #tpu.memory_space<vmem>>, %arg6: memref<640xi32, #tpu.memory_space<vmem>>, %arg7: memref<640xi32, #tpu.memory_space<vmem>>, %arg8: memref<40960xf32, #tpu.memory_space<vmem>>, %arg9: memref<40960xf32, #tpu.memory_space<vmem>>, %arg10: memref<!tpu.dma_semaphore, #tpu.memory_space<semaphore_mem>>, %arg11: memref<!tpu.dma_semaphore, #tpu.memory_space<semaphore_mem>>, %arg12: memref<!tpu.dma_semaphore, #tpu.memory_space<semaphore_mem>>, %arg13: memref<!tpu.dma_semaphore, #tpu.memory_space<semaphore_mem>>) attributes {dimension_semantics = [#tpu.dimension_semantics<core_parallel>, #tpu.dimension_semantics<subcore_parallel>], iteration_bounds = array<i64: 2, 16>, scalar_prefetch = 0 : i64, scratch_operands = 9 : i64, tpu.core_type = #tpu.core_type<sc_vector_subcore>, window_params = [{transform_indices = #map}, {transform_indices = #map}, {transform_indices = #map}]} {
    %mul3A = arith.constant 2 : i32
    %mul3A_0 = arith.muli %arg1, %mul3A : i32
    %add3A = arith.addi %mul3A_0, %arg0 : i32
    "tpu.region"() ({
      %run_scoped3A = tpu.sem_alloc : memref<!tpu.dma_semaphore, #tpu.memory_space<semaphore_mem>>
      tpu.enqueue_dma source(%arg2 : memref<1024xf32, #tpu.memory_space<hbm>>) target(%arg5 : memref<1024xf32, #tpu.memory_space<vmem>>) target_semaphore(%run_scoped3A : memref<!tpu.dma_semaphore, #tpu.memory_space<semaphore_mem>>)
      tpu.wait_dma2 semaphore(%run_scoped3A : memref<!tpu.dma_semaphore, #tpu.memory_space<semaphore_mem>>) src(%arg2 : memref<1024xf32, #tpu.memory_space<hbm>>) dst(%arg5 : memref<1024xf32, #tpu.memory_space<vmem>>)
      tpu.yield
    }) : () -> ()
    %mul3A_1 = arith.constant 40 : i32
    %mul3A_2 = arith.muli %add3A, %mul3A_1 : i32
    %mul3A_3 = arith.constant 640 : i32
    %mul3A_4 = arith.muli %mul3A_2, %mul3A_3 : i32
    %dma_start3A = tpu.memref_slice %arg3[%mul3A_4] : memref<819200xi32, #tpu.memory_space<hbm>> -> memref<640xi32, #tpu.memory_space<hbm>>
    %dma_start3A_5 = tpu.memref_slice %arg3[%mul3A_4] : memref<819200xi32, #tpu.memory_space<hbm>> -> memref<640xi32, #tpu.memory_space<hbm>>
    tpu.enqueue_dma source(%dma_start3A_5 : memref<640xi32, #tpu.memory_space<hbm>>) target(%arg6 : memref<640xi32, #tpu.memory_space<vmem>>) target_semaphore(%arg12 : memref<!tpu.dma_semaphore, #tpu.memory_space<semaphore_mem>>)
    %scan3A = arith.constant 0 : i32
    %scan3A_6 = arith.constant 0 : i32
    %scan3A_7 = arith.constant 20 : i32
    %scan3A_8 = arith.addi %scan3A_6, %scan3A_7 : i32
    %scan3A_9 = arith.constant 1 : i32
    scf.for %scan3A_18 = %scan3A_6 to %scan3A_8 step %scan3A_9  : i32 {
      %mul3A_19 = arith.constant 2 : i32
      %mul3A_20 = arith.muli %scan3A_18, %mul3A_19 : i32
      %add3A_21 = arith.constant 0 : i32
      %add3A_22 = arith.addi %mul3A_20, %add3A_21 : i32
      %mul3A_23 = arith.constant 40 : i32
      %mul3A_24 = arith.muli %add3A, %mul3A_23 : i32
      %add3A_25 = arith.addi %mul3A_24, %add3A_22 : i32
      %dma_wait3A_26 = arith.constant 0 : i32
      %dma_wait3A_27 = tpu.memref_slice %arg3[%dma_wait3A_26] : memref<819200xi32, #tpu.memory_space<hbm>> -> memref<640xi32, #tpu.memory_space<hbm>>
      %dma_wait3A_28 = arith.constant 0 : i32
      %dma_wait3A_29 = tpu.memref_slice %arg3[%dma_wait3A_28] : memref<819200xi32, #tpu.memory_space<hbm>> -> memref<640xi32, #tpu.memory_space<hbm>>
      tpu.wait_dma2 semaphore(%arg12 : memref<!tpu.dma_semaphore, #tpu.memory_space<semaphore_mem>>) src(%dma_wait3A_29 : memref<640xi32, #tpu.memory_space<hbm>>) dst(%arg6 : memref<640xi32, #tpu.memory_space<vmem>>)
      %add3A_30 = arith.constant 1 : i32
      %add3A_31 = arith.addi %add3A_22, %add3A_30 : i32
      %lt3A = arith.constant 40 : i32
      %lt3A_32 = arith.cmpi slt, %add3A_31, %lt3A : i32
      %convert_element_type3A = arith.extui %lt3A_32 : i1 to i32
      %cond3A = arith.constant 0 : i32
      %cond3A_33 = arith.cmpi ne, %convert_element_type3A, %cond3A : i32
      scf.if %cond3A_33 {
        %add3A_74 = arith.constant 1 : i32
        %add3A_75 = arith.addi %add3A_25, %add3A_74 : i32
        %mul3A_76 = arith.constant 640 : i32
        %mul3A_77 = arith.muli %add3A_75, %mul3A_76 : i32
        %dma_start3A_78 = tpu.memref_slice %arg3[%mul3A_77] : memref<819200xi32, #tpu.memory_space<hbm>> -> memref<640xi32, #tpu.memory_space<hbm>>
        %dma_start3A_79 = tpu.memref_slice %arg3[%mul3A_77] : memref<819200xi32, #tpu.memory_space<hbm>> -> memref<640xi32, #tpu.memory_space<hbm>>
        tpu.enqueue_dma source(%dma_start3A_79 : memref<640xi32, #tpu.memory_space<hbm>>) target(%arg7 : memref<640xi32, #tpu.memory_space<vmem>>) target_semaphore(%arg13 : memref<!tpu.dma_semaphore, #tpu.memory_space<semaphore_mem>>)
      } else {
      }
      %gt3A = arith.constant 0 : i32
      %gt3A_34 = arith.cmpi sgt, %scan3A_18, %gt3A : i32
      %convert_element_type3A_35 = arith.extui %gt3A_34 : i1 to i32
      %cond3A_36 = arith.constant 0 : i32
      %cond3A_37 = arith.cmpi ne, %convert_element_type3A_35, %cond3A_36 : i32
      scf.if %cond3A_37 {
        %dma_wait3A_74 = arith.constant 0 : i32
        %dma_wait3A_75 = tpu.memref_slice %arg4[%dma_wait3A_74] : memref<52428800xf32, #tpu.memory_space<hbm>> -> memref<40960xf32, #tpu.memory_space<hbm>>
        %dma_wait3A_76 = arith.constant 0 : i32
        %dma_wait3A_77 = tpu.memref_slice %arg4[%dma_wait3A_76] : memref<52428800xf32, #tpu.memory_space<hbm>> -> memref<40960xf32, #tpu.memory_space<hbm>>
        tpu.wait_dma2 semaphore(%arg10 : memref<!tpu.dma_semaphore, #tpu.memory_space<semaphore_mem>>) src(%arg8 : memref<40960xf32, #tpu.memory_space<vmem>>) dst(%dma_wait3A_77 : memref<40960xf32, #tpu.memory_space<hbm>>)
      } else {
      }
      %parallel_loop3A = arith.constant 0 : i32
      %parallel_loop3A_38 = arith.constant 640 : i32
      %parallel_loop3A_39 = arith.constant 16 : i32
      scf.for %parallel_loop3A_74 = %parallel_loop3A to %parallel_loop3A_38 step %parallel_loop3A_39  : i32 {
        %parallel_loop3A_75 = arith.index_cast %parallel_loop3A_74 : i32 to index
        %parallel_loop3A_76 = tpu.vector_load %arg6[%parallel_loop3A_75] {strides = array<i32>} : memref<640xi32, #tpu.memory_space<vmem>>, vector<16xi32>,
        %parallel_loop3A_77 = arith.constant 64 : i32
        %parallel_loop3A_78 = vector.broadcast %parallel_loop3A_77 : i32 to vector<16xi32>
        %parallel_loop3A_79 = arith.muli %parallel_loop3A_76, %parallel_loop3A_78 : vector<16xi32>
        %parallel_loop3A_80 = vector.extract_strided_slice %parallel_loop3A_79 {offsets = [0], sizes = [1], strides = [1]} : vector<16xi32> to vector<1xi32>
        %parallel_loop3A_81 = vector.extract %parallel_loop3A_80[0] : i32 from vector<1xi32>
        %parallel_loop3A_82 = arith.constant 0 : i32
        %parallel_loop3A_83 = arith.addi %parallel_loop3A_74, %parallel_loop3A_82 : i32
        %parallel_loop3A_84 = arith.constant 64 : i32
        %parallel_loop3A_85 = arith.muli %parallel_loop3A_83, %parallel_loop3A_84 : i32
        %parallel_loop3A_86 = arith.constant 0 : i32
        %parallel_loop3A_87 = arith.addi %parallel_loop3A_81, %parallel_loop3A_86 : i32
        %parallel_loop3A_88 = arith.index_cast %parallel_loop3A_87 : i32 to index
        %parallel_loop3A_89 = tpu.vector_load %arg5[%parallel_loop3A_88] {strides = array<i32>} : memref<1024xf32, #tpu.memory_space<vmem>>, vector<16xf32>,
        %parallel_loop3A_90 = arith.constant 0 : i32
        %parallel_loop3A_91 = arith.addi %parallel_loop3A_85, %parallel_loop3A_90 : i32
        %parallel_loop3A_92 = arith.index_cast %parallel_loop3A_91 : i32 to index
        %parallel_loop3A_93 = tpu.vector_load %arg8[%parallel_loop3A_92] {strides = array<i32>} : memref<40960xf32, #tpu.memory_space<vmem>>, vector<16xf32>,
        tpu.vector_store %arg8[%parallel_loop3A_92], %parallel_loop3A_89 {strides = array<i32>} : memref<40960xf32, #tpu.memory_space<vmem>>, vector<16xf32>,
        %parallel_loop3A_94 = arith.constant 16 : i32
        %parallel_loop3A_95 = arith.addi %parallel_loop3A_81, %parallel_loop3A_94 : i32
        %parallel_loop3A_96 = arith.index_cast %parallel_loop3A_95 : i32 to index
        %parallel_loop3A_97 = tpu.vector_load %arg5[%parallel_loop3A_96] {strides = array<i32>} : memref<1024xf32, #tpu.memory_space<vmem>>, vector<16xf32>,
        %parallel_loop3A_98 = arith.constant 16 : i32
        %parallel_loop3A_99 = arith.addi %parallel_loop3A_85, %parallel_loop3A_98 : i32
        %parallel_loop3A_100 = arith.index_cast %parallel_loop3A_99 : i32 to index
        %parallel_loop3A_101 = tpu.vector_load %arg8[%parallel_loop3A_100] {strides = array<i32>} : memref<40960xf32, #tpu.memory_space<vmem>>, vector<16xf32>,
        tpu.vector_store %arg8[%parallel_loop3A_100], %parallel_loop3A_97 {strides = array<i32>} : memref<40960xf32, #tpu.memory_space<vmem>>, vector<16xf32>,
        %parallel_loop3A_102 = arith.constant 32 : i32
        %parallel_loop3A_103 = arith.addi %parallel_loop3A_81, %parallel_loop3A_102 : i32
        %parallel_loop3A_104 = arith.index_cast %parallel_loop3A_103 : i32 to index
        %parallel_loop3A_105 = tpu.vector_load %arg5[%parallel_loop3A_104] {strides = array<i32>} : memref<1024xf32, #tpu.memory_space<vmem>>, vector<16xf32>,
        %parallel_loop3A_106 = arith.constant 32 : i32
        %parallel_loop3A_107 = arith.addi %parallel_loop3A_85, %parallel_loop3A_106 : i32
        %parallel_loop3A_108 = arith.index_cast %parallel_loop3A_107 : i32 to index
        %parallel_loop3A_109 = tpu.vector_load %arg8[%parallel_loop3A_108] {strides = array<i32>} : memref<40960xf32, #tpu.memory_space<vmem>>, vector<16xf32>,
        tpu.vector_store %arg8[%parallel_loop3A_108], %parallel_loop3A_105 {strides = array<i32>} : memref<40960xf32, #tpu.memory_space<vmem>>, vector<16xf32>,
        %parallel_loop3A_110 = arith.constant 48 : i32
        %parallel_loop3A_111 = arith.addi %parallel_loop3A_81, %parallel_loop3A_110 : i32
        %parallel_loop3A_112 = arith.index_cast %parallel_loop3A_111 : i32 to index
        %parallel_loop3A_113 = tpu.vector_load %arg5[%parallel_loop3A_112] {strides = array<i32>} : memref<1024xf32, #tpu.memory_space<vmem>>, vector<16xf32>,
        %parallel_loop3A_114 = arith.constant 48 : i32
        %parallel_loop3A_115 = arith.addi %parallel_loop3A_85, %parallel_loop3A_114 : i32
        %parallel_loop3A_116 = arith.index_cast %parallel_loop3A_115 : i32 to index
        %parallel_loop3A_117 = tpu.vector_load %arg8[%parallel_loop3A_116] {strides = array<i32>} : memref<40960xf32, #tpu.memory_space<vmem>>, vector<16xf32>,
        tpu.vector_store %arg8[%parallel_loop3A_116], %parallel_loop3A_113 {strides = array<i32>} : memref<40960xf32, #tpu.memory_space<vmem>>, vector<16xf32>,
        %parallel_loop3A_118 = vector.extract_strided_slice %parallel_loop3A_79 {offsets = [1], sizes = [1], strides = [1]} : vector<16xi32> to vector<1xi32>
        %parallel_loop3A_119 = vector.extract %parallel_loop3A_118[0] : i32 from vector<1xi32>
        %parallel_loop3A_120 = arith.constant 1 : i32
        %parallel_loop3A_121 = arith.addi %parallel_loop3A_74, %parallel_loop3A_120 : i32
        %parallel_loop3A_122 = arith.constant 64 : i32
        %parallel_loop3A_123 = arith.muli %parallel_loop3A_121, %parallel_loop3A_122 : i32
        %parallel_loop3A_124 = arith.constant 0 : i32
        %parallel_loop3A_125 = arith.addi %parallel_loop3A_119, %parallel_loop3A_124 : i32
        %parallel_loop3A_126 = arith.index_cast %parallel_loop3A_125 : i32 to index
        %parallel_loop3A_127 = tpu.vector_load %arg5[%parallel_loop3A_126] {strides = array<i32>} : memref<1024xf32, #tpu.memory_space<vmem>>, vector<16xf32>,
        %parallel_loop3A_128 = arith.constant 0 : i32
        %parallel_loop3A_129 = arith.addi %parallel_loop3A_123, %parallel_loop3A_128 : i32
        %parallel_loop3A_130 = arith.index_cast %parallel_loop3A_129 : i32 to index
        %parallel_loop3A_131 = tpu.vector_load %arg8[%parallel_loop3A_130] {strides = array<i32>} : memref<40960xf32, #tpu.memory_space<vmem>>, vector<16xf32>,
        tpu.vector_store %arg8[%parallel_loop3A_130], %parallel_loop3A_127 {strides = array<i32>} : memref<40960xf32, #tpu.memory_space<vmem>>, vector<16xf32>,
        %parallel_loop3A_132 = arith.constant 16 : i32
        %parallel_loop3A_133 = arith.addi %parallel_loop3A_119, %parallel_loop3A_132 : i32
        %parallel_loop3A_134 = arith.index_cast %parallel_loop3A_133 : i32 to index
        %parallel_loop3A_135 = tpu.vector_load %arg5[%parallel_loop3A_134] {strides = array<i32>} : memref<1024xf32, #tpu.memory_space<vmem>>, vector<16xf32>,
        %parallel_loop3A_136 = arith.constant 16 : i32
        %parallel_loop3A_137 = arith.addi %parallel_loop3A_123, %parallel_loop3A_136 : i32
        %parallel_loop3A_138 = arith.index_cast %parallel_loop3A_137 : i32 to index
        %parallel_loop3A_139 = tpu.vector_load %arg8[%parallel_loop3A_138] {strides = array<i32>} : memref<40960xf32, #tpu.memory_space<vmem>>, vector<16xf32>,
        tpu.vector_store %arg8[%parallel_loop3A_138], %parallel_loop3A_135 {strides = array<i32>} : memref<40960xf32, #tpu.memory_space<vmem>>, vector<16xf32>,
        %parallel_loop3A_140 = arith.constant 32 : i32
        %parallel_loop3A_141 = arith.addi %parallel_loop3A_119, %parallel_loop3A_140 : i32
        %parallel_loop3A_142 = arith.index_cast %parallel_loop3A_141 : i32 to index
        %parallel_loop3A_143 = tpu.vector_load %arg5[%parallel_loop3A_142] {strides = array<i32>} : memref<1024xf32, #tpu.memory_space<vmem>>, vector<16xf32>,
        %parallel_loop3A_144 = arith.constant 32 : i32
        %parallel_loop3A_145 = arith.addi %parallel_loop3A_123, %parallel_loop3A_144 : i32
        %parallel_loop3A_146 = arith.index_cast %parallel_loop3A_145 : i32 to index
        %parallel_loop3A_147 = tpu.vector_load %arg8[%parallel_loop3A_146] {strides = array<i32>} : memref<40960xf32, #tpu.memory_space<vmem>>, vector<16xf32>,
        tpu.vector_store %arg8[%parallel_loop3A_146], %parallel_loop3A_143 {strides = array<i32>} : memref<40960xf32, #tpu.memory_space<vmem>>, vector<16xf32>,
        %parallel_loop3A_148 = arith.constant 48 : i32
        %parallel_loop3A_149 = arith.addi %parallel_loop3A_119, %parallel_loop3A_148 : i32
        %parallel_loop3A_150 = arith.index_cast %parallel_loop3A_149 : i32 to index
        %parallel_loop3A_151 = tpu.vector_load %arg5[%parallel_loop3A_150] {strides = array<i32>} : memref<1024xf32, #tpu.memory_space<vmem>>, vector<16xf32>,
        %parallel_loop3A_152 = arith.constant 48 : i32
        %parallel_loop3A_153 = arith.addi %parallel_loop3A_123, %parallel_loop3A_152 : i32
        %parallel_loop3A_154 = arith.index_cast %parallel_loop3A_153 : i32 to index
        %parallel_loop3A_155 = tpu.vector_load %arg8[%parallel_loop3A_154] {strides = array<i32>} : memref<40960xf32, #tpu.memory_space<vmem>>, vector<16xf32>,
        tpu.vector_store %arg8[%parallel_loop3A_154], %parallel_loop3A_151 {strides = array<i32>} : memref<40960xf32, #tpu.memory_space<vmem>>, vector<16xf32>,
        %parallel_loop3A_156 = vector.extract_strided_slice %parallel_loop3A_79 {offsets = [2], sizes = [1], strides = [1]} : vector<16xi32> to vector<1xi32>
        %parallel_loop3A_157 = vector.extract %parallel_loop3A_156[0] : i32 from vector<1xi32>
        %parallel_loop3A_158 = arith.constant 2 : i32
        %parallel_loop3A_159 = arith.addi %parallel_loop3A_74, %parallel_loop3A_158 : i32
        %parallel_loop3A_160 = arith.constant 64 : i32
        %parallel_loop3A_161 = arith.muli %parallel_loop3A_159, %parallel_loop3A_160 : i32
        %parallel_loop3A_162 = arith.constant 0 : i32
        %parallel_loop3A_163 = arith.addi %parallel_loop3A_157, %parallel_loop3A_162 : i32
        %parallel_loop3A_164 = arith.index_cast %parallel_loop3A_163 : i32 to index
        %parallel_loop3A_165 = tpu.vector_load %arg5[%parallel_loop3A_164] {strides = array<i32>} : memref<1024xf32, #tpu.memory_space<vmem>>, vector<16xf32>,
        %parallel_loop3A_166 = arith.constant 0 : i32
        %parallel_loop3A_167 = arith.addi %parallel_loop3A_161, %parallel_loop3A_166 : i32
        %parallel_loop3A_168 = arith.index_cast %parallel_loop3A_167 : i32 to index
        %parallel_loop3A_169 = tpu.vector_load %arg8[%parallel_loop3A_168] {strides = array<i32>} : memref<40960xf32, #tpu.memory_space<vmem>>, vector<16xf32>,
        tpu.vector_store %arg8[%parallel_loop3A_168], %parallel_loop3A_165 {strides = array<i32>} : memref<40960xf32, #tpu.memory_space<vmem>>, vector<16xf32>,
        %parallel_loop3A_170 = arith.constant 16 : i32
        %parallel_loop3A_171 = arith.addi %parallel_loop3A_157, %parallel_loop3A_170 : i32
        %parallel_loop3A_172 = arith.index_cast %parallel_loop3A_171 : i32 to index
        %parallel_loop3A_173 = tpu.vector_load %arg5[%parallel_loop3A_172] {strides = array<i32>} : memref<1024xf32, #tpu.memory_space<vmem>>, vector<16xf32>,
        %parallel_loop3A_174 = arith.constant 16 : i32
        %parallel_loop3A_175 = arith.addi %parallel_loop3A_161, %parallel_loop3A_174 : i32
        %parallel_loop3A_176 = arith.index_cast %parallel_loop3A_175 : i32 to index
        %parallel_loop3A_177 = tpu.vector_load %arg8[%parallel_loop3A_176] {strides = array<i32>} : memref<40960xf32, #tpu.memory_space<vmem>>, vector<16xf32>,
        tpu.vector_store %arg8[%parallel_loop3A_176], %parallel_loop3A_173 {strides = array<i32>} : memref<40960xf32, #tpu.memory_space<vmem>>, vector<16xf32>,
        %parallel_loop3A_178 = arith.constant 32 : i32
        %parallel_loop3A_179 = arith.addi %parallel_loop3A_157, %parallel_loop3A_178 : i32
        %parallel_loop3A_180 = arith.index_cast %parallel_loop3A_179 : i32 to index
        %parallel_loop3A_181 = tpu.vector_load %arg5[%parallel_loop3A_180] {strides = array<i32>} : memref<1024xf32, #tpu.memory_space<vmem>>, vector<16xf32>,
        %parallel_loop3A_182 = arith.constant 32 : i32
        %parallel_loop3A_183 = arith.addi %parallel_loop3A_161, %parallel_loop3A_182 : i32
        %parallel_loop3A_184 = arith.index_cast %parallel_loop3A_183 : i32 to index
        %parallel_loop3A_185 = tpu.vector_load %arg8[%parallel_loop3A_184] {strides = array<i32>} : memref<40960xf32, #tpu.memory_space<vmem>>, vector<16xf32>,
        tpu.vector_store %arg8[%parallel_loop3A_184], %parallel_loop3A_181 {strides = array<i32>} : memref<40960xf32, #tpu.memory_space<vmem>>, vector<16xf32>,
        %parallel_loop3A_186 = arith.constant 48 : i32
        %parallel_loop3A_187 = arith.addi %parallel_loop3A_157, %parallel_loop3A_186 : i32
        %parallel_loop3A_188 = arith.index_cast %parallel_loop3A_187 : i32 to index
        %parallel_loop3A_189 = tpu.vector_load %arg5[%parallel_loop3A_188] {strides = array<i32>} : memref<1024xf32, #tpu.memory_space<vmem>>, vector<16xf32>,
        %parallel_loop3A_190 = arith.constant 48 : i32
        %parallel_loop3A_191 = arith.addi %parallel_loop3A_161, %parallel_loop3A_190 : i32
        %parallel_loop3A_192 = arith.index_cast %parallel_loop3A_191 : i32 to index
        %parallel_loop3A_193 = tpu.vector_load %arg8[%parallel_loop3A_192] {strides = array<i32>} : memref<40960xf32, #tpu.memory_space<vmem>>, vector<16xf32>,
        tpu.vector_store %arg8[%parallel_loop3A_192], %parallel_loop3A_189 {strides = array<i32>} : memref<40960xf32, #tpu.memory_space<vmem>>, vector<16xf32>,
        %parallel_loop3A_194 = vector.extract_strided_slice %parallel_loop3A_79 {offsets = [3], sizes = [1], strides = [1]} : vector<16xi32> to vector<1xi32>
        %parallel_loop3A_195 = vector.extract %parallel_loop3A_194[0] : i32 from vector<1xi32>
        %parallel_loop3A_196 = arith.constant 3 : i32
        %parallel_loop3A_197 = arith.addi %parallel_loop3A_74, %parallel_loop3A_196 : i32
        %parallel_loop3A_198 = arith.constant 64 : i32
        %parallel_loop3A_199 = arith.muli %parallel_loop3A_197, %parallel_loop3A_198 : i32
        %parallel_loop3A_200 = arith.constant 0 : i32
        %parallel_loop3A_201 = arith.addi %parallel_loop3A_195, %parallel_loop3A_200 : i32
        %parallel_loop3A_202 = arith.index_cast %parallel_loop3A_201 : i32 to index
        %parallel_loop3A_203 = tpu.vector_load %arg5[%parallel_loop3A_202] {strides = array<i32>} : memref<1024xf32, #tpu.memory_space<vmem>>, vector<16xf32>,
        %parallel_loop3A_204 = arith.constant 0 : i32
        %parallel_loop3A_205 = arith.addi %parallel_loop3A_199, %parallel_loop3A_204 : i32
        %parallel_loop3A_206 = arith.index_cast %parallel_loop3A_205 : i32 to index
        %parallel_loop3A_207 = tpu.vector_load %arg8[%parallel_loop3A_206] {strides = array<i32>} : memref<40960xf32, #tpu.memory_space<vmem>>, vector<16xf32>,
        tpu.vector_store %arg8[%parallel_loop3A_206], %parallel_loop3A_203 {strides = array<i32>} : memref<40960xf32, #tpu.memory_space<vmem>>, vector<16xf32>,
        %parallel_loop3A_208 = arith.constant 16 : i32
        %parallel_loop3A_209 = arith.addi %parallel_loop3A_195, %parallel_loop3A_208 : i32
        %parallel_loop3A_210 = arith.index_cast %parallel_loop3A_209 : i32 to index
        %parallel_loop3A_211 = tpu.vector_load %arg5[%parallel_loop3A_210] {strides = array<i32>} : memref<1024xf32, #tpu.memory_space<vmem>>, vector<16xf32>,
        %parallel_loop3A_212 = arith.constant 16 : i32
        %parallel_loop3A_213 = arith.addi %parallel_loop3A_199, %parallel_loop3A_212 : i32
        %parallel_loop3A_214 = arith.index_cast %parallel_loop3A_213 : i32 to index
        %parallel_loop3A_215 = tpu.vector_load %arg8[%parallel_loop3A_214] {strides = array<i32>} : memref<40960xf32, #tpu.memory_space<vmem>>, vector<16xf32>,
        tpu.vector_store %arg8[%parallel_loop3A_214], %parallel_loop3A_211 {strides = array<i32>} : memref<40960xf32, #tpu.memory_space<vmem>>, vector<16xf32>,
        %parallel_loop3A_216 = arith.constant 32 : i32
        %parallel_loop3A_217 = arith.addi %parallel_loop3A_195, %parallel_loop3A_216 : i32
        %parallel_loop3A_218 = arith.index_cast %parallel_loop3A_217 : i32 to index
        %parallel_loop3A_219 = tpu.vector_load %arg5[%parallel_loop3A_218] {strides = array<i32>} : memref<1024xf32, #tpu.memory_space<vmem>>, vector<16xf32>,
        %parallel_loop3A_220 = arith.constant 32 : i32
        %parallel_loop3A_221 = arith.addi %parallel_loop3A_199, %parallel_loop3A_220 : i32
        %parallel_loop3A_222 = arith.index_cast %parallel_loop3A_221 : i32 to index
        %parallel_loop3A_223 = tpu.vector_load %arg8[%parallel_loop3A_222] {strides = array<i32>} : memref<40960xf32, #tpu.memory_space<vmem>>, vector<16xf32>,
        tpu.vector_store %arg8[%parallel_loop3A_222], %parallel_loop3A_219 {strides = array<i32>} : memref<40960xf32, #tpu.memory_space<vmem>>, vector<16xf32>,
        %parallel_loop3A_224 = arith.constant 48 : i32
        %parallel_loop3A_225 = arith.addi %parallel_loop3A_195, %parallel_loop3A_224 : i32
        %parallel_loop3A_226 = arith.index_cast %parallel_loop3A_225 : i32 to index
        %parallel_loop3A_227 = tpu.vector_load %arg5[%parallel_loop3A_226] {strides = array<i32>} : memref<1024xf32, #tpu.memory_space<vmem>>, vector<16xf32>,
        %parallel_loop3A_228 = arith.constant 48 : i32
        %parallel_loop3A_229 = arith.addi %parallel_loop3A_199, %parallel_loop3A_228 : i32
        %parallel_loop3A_230 = arith.index_cast %parallel_loop3A_229 : i32 to index
        %parallel_loop3A_231 = tpu.vector_load %arg8[%parallel_loop3A_230] {strides = array<i32>} : memref<40960xf32, #tpu.memory_space<vmem>>, vector<16xf32>,
        tpu.vector_store %arg8[%parallel_loop3A_230], %parallel_loop3A_227 {strides = array<i32>} : memref<40960xf32, #tpu.memory_space<vmem>>, vector<16xf32>,
        %parallel_loop3A_232 = vector.extract_strided_slice %parallel_loop3A_79 {offsets = [4], sizes = [1], strides = [1]} : vector<16xi32> to vector<1xi32>
        %parallel_loop3A_233 = vector.extract %parallel_loop3A_232[0] : i32 from vector<1xi32>
        %parallel_loop3A_234 = arith.constant 4 : i32
        %parallel_loop3A_235 = arith.addi %parallel_loop3A_74, %parallel_loop3A_234 : i32
        %parallel_loop3A_236 = arith.constant 64 : i32
        %parallel_loop3A_237 = arith.muli %parallel_loop3A_235, %parallel_loop3A_236 : i32
        %parallel_loop3A_238 = arith.constant 0 : i32
        %parallel_loop3A_239 = arith.addi %parallel_loop3A_233, %parallel_loop3A_238 : i32
        %parallel_loop3A_240 = arith.index_cast %parallel_loop3A_239 : i32 to index
        %parallel_loop3A_241 = tpu.vector_load %arg5[%parallel_loop3A_240] {strides = array<i32>} : memref<1024xf32, #tpu.memory_space<vmem>>, vector<16xf32>,
        %parallel_loop3A_242 = arith.constant 0 : i32
        %parallel_loop3A_243 = arith.addi %parallel_loop3A_237, %parallel_loop3A_242 : i32
        %parallel_loop3A_244 = arith.index_cast %parallel_loop3A_243 : i32 to index
        %parallel_loop3A_245 = tpu.vector_load %arg8[%parallel_loop3A_244] {strides = array<i32>} : memref<40960xf32, #tpu.memory_space<vmem>>, vector<16xf32>,
        tpu.vector_store %arg8[%parallel_loop3A_244], %parallel_loop3A_241 {strides = array<i32>} : memref<40960xf32, #tpu.memory_space<vmem>>, vector<16xf32>,
        %parallel_loop3A_246 = arith.constant 16 : i32
        %parallel_loop3A_247 = arith.addi %parallel_loop3A_233, %parallel_loop3A_246 : i32
        %parallel_loop3A_248 = arith.index_cast %parallel_loop3A_247 : i32 to index
        %parallel_loop3A_249 = tpu.vector_load %arg5[%parallel_loop3A_248] {strides = array<i32>} : memref<1024xf32, #tpu.memory_space<vmem>>, vector<16xf32>,
        %parallel_loop3A_250 = arith.constant 16 : i32
        %parallel_loop3A_251 = arith.addi %parallel_loop3A_237, %parallel_loop3A_250 : i32
        %parallel_loop3A_252 = arith.index_cast %parallel_loop3A_251 : i32 to index
        %parallel_loop3A_253 = tpu.vector_load %arg8[%parallel_loop3A_252] {strides = array<i32>} : memref<40960xf32, #tpu.memory_space<vmem>>, vector<16xf32>,
        tpu.vector_store %arg8[%parallel_loop3A_252], %parallel_loop3A_249 {strides = array<i32>} : memref<40960xf32, #tpu.memory_space<vmem>>, vector<16xf32>,
        %parallel_loop3A_254 = arith.constant 32 : i32
        %parallel_loop3A_255 = arith.addi %parallel_loop3A_233, %parallel_loop3A_254 : i32
        %parallel_loop3A_256 = arith.index_cast %parallel_loop3A_255 : i32 to index
        %parallel_loop3A_257 = tpu.vector_load %arg5[%parallel_loop3A_256] {strides = array<i32>} : memref<1024xf32, #tpu.memory_space<vmem>>, vector<16xf32>,
        %parallel_loop3A_258 = arith.constant 32 : i32
        %parallel_loop3A_259 = arith.addi %parallel_loop3A_237, %parallel_loop3A_258 : i32
        %parallel_loop3A_260 = arith.index_cast %parallel_loop3A_259 : i32 to index
        %parallel_loop3A_261 = tpu.vector_load %arg8[%parallel_loop3A_260] {strides = array<i32>} : memref<40960xf32, #tpu.memory_space<vmem>>, vector<16xf32>,
        tpu.vector_store %arg8[%parallel_loop3A_260], %parallel_loop3A_257 {strides = array<i32>} : memref<40960xf32, #tpu.memory_space<vmem>>, vector<16xf32>,
        %parallel_loop3A_262 = arith.constant 48 : i32
        %parallel_loop3A_263 = arith.addi %parallel_loop3A_233, %parallel_loop3A_262 : i32
        %parallel_loop3A_264 = arith.index_cast %parallel_loop3A_263 : i32 to index
        %parallel_loop3A_265 = tpu.vector_load %arg5[%parallel_loop3A_264] {strides = array<i32>} : memref<1024xf32, #tpu.memory_space<vmem>>, vector<16xf32>,
        %parallel_loop3A_266 = arith.constant 48 : i32
        %parallel_loop3A_267 = arith.addi %parallel_loop3A_237, %parallel_loop3A_266 : i32
        %parallel_loop3A_268 = arith.index_cast %parallel_loop3A_267 : i32 to index
        %parallel_loop3A_269 = tpu.vector_load %arg8[%parallel_loop3A_268] {strides = array<i32>} : memref<40960xf32, #tpu.memory_space<vmem>>, vector<16xf32>,
        tpu.vector_store %arg8[%parallel_loop3A_268], %parallel_loop3A_265 {strides = array<i32>} : memref<40960xf32, #tpu.memory_space<vmem>>, vector<16xf32>,
        %parallel_loop3A_270 = vector.extract_strided_slice %parallel_loop3A_79 {offsets = [5], sizes = [1], strides = [1]} : vector<16xi32> to vector<1xi32>
        %parallel_loop3A_271 = vector.extract %parallel_loop3A_270[0] : i32 from vector<1xi32>
        %parallel_loop3A_272 = arith.constant 5 : i32
        %parallel_loop3A_273 = arith.addi %parallel_loop3A_74, %parallel_loop3A_272 : i32
        %parallel_loop3A_274 = arith.constant 64 : i32
        %parallel_loop3A_275 = arith.muli %parallel_loop3A_273, %parallel_loop3A_274 : i32
        %parallel_loop3A_276 = arith.constant 0 : i32
        %parallel_loop3A_277 = arith.addi %parallel_loop3A_271, %parallel_loop3A_276 : i32
        %parallel_loop3A_278 = arith.index_cast %parallel_loop3A_277 : i32 to index
        %parallel_loop3A_279 = tpu.vector_load %arg5[%parallel_loop3A_278] {strides = array<i32>} : memref<1024xf32, #tpu.memory_space<vmem>>, vector<16xf32>,
        %parallel_loop3A_280 = arith.constant 0 : i32
        %parallel_loop3A_281 = arith.addi %parallel_loop3A_275, %parallel_loop3A_280 : i32
        %parallel_loop3A_282 = arith.index_cast %parallel_loop3A_281 : i32 to index
        %parallel_loop3A_283 = tpu.vector_load %arg8[%parallel_loop3A_282] {strides = array<i32>} : memref<40960xf32, #tpu.memory_space<vmem>>, vector<16xf32>,
        tpu.vector_store %arg8[%parallel_loop3A_282], %parallel_loop3A_279 {strides = array<i32>} : memref<40960xf32, #tpu.memory_space<vmem>>, vector<16xf32>,
        %parallel_loop3A_284 = arith.constant 16 : i32
        %parallel_loop3A_285 = arith.addi %parallel_loop3A_271, %parallel_loop3A_284 : i32
        %parallel_loop3A_286 = arith.index_cast %parallel_loop3A_285 : i32 to index
        %parallel_loop3A_287 = tpu.vector_load %arg5[%parallel_loop3A_286] {strides = array<i32>} : memref<1024xf32, #tpu.memory_space<vmem>>, vector<16xf32>,
        %parallel_loop3A_288 = arith.constant 16 : i32
        %parallel_loop3A_289 = arith.addi %parallel_loop3A_275, %parallel_loop3A_288 : i32
        %parallel_loop3A_290 = arith.index_cast %parallel_loop3A_289 : i32 to index
        %parallel_loop3A_291 = tpu.vector_load %arg8[%parallel_loop3A_290] {strides = array<i32>} : memref<40960xf32, #tpu.memory_space<vmem>>, vector<16xf32>,
        tpu.vector_store %arg8[%parallel_loop3A_290], %parallel_loop3A_287 {strides = array<i32>} : memref<40960xf32, #tpu.memory_space<vmem>>, vector<16xf32>,
        %parallel_loop3A_292 = arith.constant 32 : i32
        %parallel_loop3A_293 = arith.addi %parallel_loop3A_271, %parallel_loop3A_292 : i32
        %parallel_loop3A_294 = arith.index_cast %parallel_loop3A_293 : i32 to index
        %parallel_loop3A_295 = tpu.vector_load %arg5[%parallel_loop3A_294] {strides = array<i32>} : memref<1024xf32, #tpu.memory_space<vmem>>, vector<16xf32>,
        %parallel_loop3A_296 = arith.constant 32 : i32
        %parallel_loop3A_297 = arith.addi %parallel_loop3A_275, %parallel_loop3A_296 : i32
        %parallel_loop3A_298 = arith.index_cast %parallel_loop3A_297 : i32 to index
        %parallel_loop3A_299 = tpu.vector_load %arg8[%parallel_loop3A_298] {strides = array<i32>} : memref<40960xf32, #tpu.memory_space<vmem>>, vector<16xf32>,
        tpu.vector_store %arg8[%parallel_loop3A_298], %parallel_loop3A_295 {strides = array<i32>} : memref<40960xf32, #tpu.memory_space<vmem>>, vector<16xf32>,
        %parallel_loop3A_300 = arith.constant 48 : i32
        %parallel_loop3A_301 = arith.addi %parallel_loop3A_271, %parallel_loop3A_300 : i32
        %parallel_loop3A_302 = arith.index_cast %parallel_loop3A_301 : i32 to index
        %parallel_loop3A_303 = tpu.vector_load %arg5[%parallel_loop3A_302] {strides = array<i32>} : memref<1024xf32, #tpu.memory_space<vmem>>, vector<16xf32>,
        %parallel_loop3A_304 = arith.constant 48 : i32
        %parallel_loop3A_305 = arith.addi %parallel_loop3A_275, %parallel_loop3A_304 : i32
        %parallel_loop3A_306 = arith.index_cast %parallel_loop3A_305 : i32 to index
        %parallel_loop3A_307 = tpu.vector_load %arg8[%parallel_loop3A_306] {strides = array<i32>} : memref<40960xf32, #tpu.memory_space<vmem>>, vector<16xf32>,
        tpu.vector_store %arg8[%parallel_loop3A_306], %parallel_loop3A_303 {strides = array<i32>} : memref<40960xf32, #tpu.memory_space<vmem>>, vector<16xf32>,
        %parallel_loop3A_308 = vector.extract_strided_slice %parallel_loop3A_79 {offsets = [6], sizes = [1], strides = [1]} : vector<16xi32> to vector<1xi32>
        %parallel_loop3A_309 = vector.extract %parallel_loop3A_308[0] : i32 from vector<1xi32>
        %parallel_loop3A_310 = arith.constant 6 : i32
        %parallel_loop3A_311 = arith.addi %parallel_loop3A_74, %parallel_loop3A_310 : i32
        %parallel_loop3A_312 = arith.constant 64 : i32
        %parallel_loop3A_313 = arith.muli %parallel_loop3A_311, %parallel_loop3A_312 : i32
        %parallel_loop3A_314 = arith.constant 0 : i32
        %parallel_loop3A_315 = arith.addi %parallel_loop3A_309, %parallel_loop3A_314 : i32
        %parallel_loop3A_316 = arith.index_cast %parallel_loop3A_315 : i32 to index
        %parallel_loop3A_317 = tpu.vector_load %arg5[%parallel_loop3A_316] {strides = array<i32>} : memref<1024xf32, #tpu.memory_space<vmem>>, vector<16xf32>,
        %parallel_loop3A_318 = arith.constant 0 : i32
        %parallel_loop3A_319 = arith.addi %parallel_loop3A_313, %parallel_loop3A_318 : i32
        %parallel_loop3A_320 = arith.index_cast %parallel_loop3A_319 : i32 to index
        %parallel_loop3A_321 = tpu.vector_load %arg8[%parallel_loop3A_320] {strides = array<i32>} : memref<40960xf32, #tpu.memory_space<vmem>>, vector<16xf32>,
        tpu.vector_store %arg8[%parallel_loop3A_320], %parallel_loop3A_317 {strides = array<i32>} : memref<40960xf32, #tpu.memory_space<vmem>>, vector<16xf32>,
        %parallel_loop3A_322 = arith.constant 16 : i32
        %parallel_loop3A_323 = arith.addi %parallel_loop3A_309, %parallel_loop3A_322 : i32
        %parallel_loop3A_324 = arith.index_cast %parallel_loop3A_323 : i32 to index
        %parallel_loop3A_325 = tpu.vector_load %arg5[%parallel_loop3A_324] {strides = array<i32>} : memref<1024xf32, #tpu.memory_space<vmem>>, vector<16xf32>,
        %parallel_loop3A_326 = arith.constant 16 : i32
        %parallel_loop3A_327 = arith.addi %parallel_loop3A_313, %parallel_loop3A_326 : i32
        %parallel_loop3A_328 = arith.index_cast %parallel_loop3A_327 : i32 to index
        %parallel_loop3A_329 = tpu.vector_load %arg8[%parallel_loop3A_328] {strides = array<i32>} : memref<40960xf32, #tpu.memory_space<vmem>>, vector<16xf32>,
        tpu.vector_store %arg8[%parallel_loop3A_328], %parallel_loop3A_325 {strides = array<i32>} : memref<40960xf32, #tpu.memory_space<vmem>>, vector<16xf32>,
        %parallel_loop3A_330 = arith.constant 32 : i32
        %parallel_loop3A_331 = arith.addi %parallel_loop3A_309, %parallel_loop3A_330 : i32
        %parallel_loop3A_332 = arith.index_cast %parallel_loop3A_331 : i32 to index
        %parallel_loop3A_333 = tpu.vector_load %arg5[%parallel_loop3A_332] {strides = array<i32>} : memref<1024xf32, #tpu.memory_space<vmem>>, vector<16xf32>,
        %parallel_loop3A_334 = arith.constant 32 : i32
        %parallel_loop3A_335 = arith.addi %parallel_loop3A_313, %parallel_loop3A_334 : i32
        %parallel_loop3A_336 = arith.index_cast %parallel_loop3A_335 : i32 to index
        %parallel_loop3A_337 = tpu.vector_load %arg8[%parallel_loop3A_336] {strides = array<i32>} : memref<40960xf32, #tpu.memory_space<vmem>>, vector<16xf32>,
        tpu.vector_store %arg8[%parallel_loop3A_336], %parallel_loop3A_333 {strides = array<i32>} : memref<40960xf32, #tpu.memory_space<vmem>>, vector<16xf32>,
        %parallel_loop3A_338 = arith.constant 48 : i32
        %parallel_loop3A_339 = arith.addi %parallel_loop3A_309, %parallel_loop3A_338 : i32
        %parallel_loop3A_340 = arith.index_cast %parallel_loop3A_339 : i32 to index
        %parallel_loop3A_341 = tpu.vector_load %arg5[%parallel_loop3A_340] {strides = array<i32>} : memref<1024xf32, #tpu.memory_space<vmem>>, vector<16xf32>,
        %parallel_loop3A_342 = arith.constant 48 : i32
        %parallel_loop3A_343 = arith.addi %parallel_loop3A_313, %parallel_loop3A_342 : i32
        %parallel_loop3A_344 = arith.index_cast %parallel_loop3A_343 : i32 to index
        %parallel_loop3A_345 = tpu.vector_load %arg8[%parallel_loop3A_344] {strides = array<i32>} : memref<40960xf32, #tpu.memory_space<vmem>>, vector<16xf32>,
        tpu.vector_store %arg8[%parallel_loop3A_344], %parallel_loop3A_341 {strides = array<i32>} : memref<40960xf32, #tpu.memory_space<vmem>>, vector<16xf32>,
        %parallel_loop3A_346 = vector.extract_strided_slice %parallel_loop3A_79 {offsets = [7], sizes = [1], strides = [1]} : vector<16xi32> to vector<1xi32>
        %parallel_loop3A_347 = vector.extract %parallel_loop3A_346[0] : i32 from vector<1xi32>
        %parallel_loop3A_348 = arith.constant 7 : i32
        %parallel_loop3A_349 = arith.addi %parallel_loop3A_74, %parallel_loop3A_348 : i32
        %parallel_loop3A_350 = arith.constant 64 : i32
        %parallel_loop3A_351 = arith.muli %parallel_loop3A_349, %parallel_loop3A_350 : i32
        %parallel_loop3A_352 = arith.constant 0 : i32
        %parallel_loop3A_353 = arith.addi %parallel_loop3A_347, %parallel_loop3A_352 : i32
        %parallel_loop3A_354 = arith.index_cast %parallel_loop3A_353 : i32 to index
        %parallel_loop3A_355 = tpu.vector_load %arg5[%parallel_loop3A_354] {strides = array<i32>} : memref<1024xf32, #tpu.memory_space<vmem>>, vector<16xf32>,
        %parallel_loop3A_356 = arith.constant 0 : i32
        %parallel_loop3A_357 = arith.addi %parallel_loop3A_351, %parallel_loop3A_356 : i32
        %parallel_loop3A_358 = arith.index_cast %parallel_loop3A_357 : i32 to index
        %parallel_loop3A_359 = tpu.vector_load %arg8[%parallel_loop3A_358] {strides = array<i32>} : memref<40960xf32, #tpu.memory_space<vmem>>, vector<16xf32>,
        tpu.vector_store %arg8[%parallel_loop3A_358], %parallel_loop3A_355 {strides = array<i32>} : memref<40960xf32, #tpu.memory_space<vmem>>, vector<16xf32>,
        %parallel_loop3A_360 = arith.constant 16 : i32
        %parallel_loop3A_361 = arith.addi %parallel_loop3A_347, %parallel_loop3A_360 : i32
        %parallel_loop3A_362 = arith.index_cast %parallel_loop3A_361 : i32 to index
        %parallel_loop3A_363 = tpu.vector_load %arg5[%parallel_loop3A_362] {strides = array<i32>} : memref<1024xf32, #tpu.memory_space<vmem>>, vector<16xf32>,
        %parallel_loop3A_364 = arith.constant 16 : i32
        %parallel_loop3A_365 = arith.addi %parallel_loop3A_351, %parallel_loop3A_364 : i32
        %parallel_loop3A_366 = arith.index_cast %parallel_loop3A_365 : i32 to index
        %parallel_loop3A_367 = tpu.vector_load %arg8[%parallel_loop3A_366] {strides = array<i32>} : memref<40960xf32, #tpu.memory_space<vmem>>, vector<16xf32>,
        tpu.vector_store %arg8[%parallel_loop3A_366], %parallel_loop3A_363 {strides = array<i32>} : memref<40960xf32, #tpu.memory_space<vmem>>, vector<16xf32>,
        %parallel_loop3A_368 = arith.constant 32 : i32
        %parallel_loop3A_369 = arith.addi %parallel_loop3A_347, %parallel_loop3A_368 : i32
        %parallel_loop3A_370 = arith.index_cast %parallel_loop3A_369 : i32 to index
        %parallel_loop3A_371 = tpu.vector_load %arg5[%parallel_loop3A_370] {strides = array<i32>} : memref<1024xf32, #tpu.memory_space<vmem>>, vector<16xf32>,
        %parallel_loop3A_372 = arith.constant 32 : i32
        %parallel_loop3A_373 = arith.addi %parallel_loop3A_351, %parallel_loop3A_372 : i32
        %parallel_loop3A_374 = arith.index_cast %parallel_loop3A_373 : i32 to index
        %parallel_loop3A_375 = tpu.vector_load %arg8[%parallel_loop3A_374] {strides = array<i32>} : memref<40960xf32, #tpu.memory_space<vmem>>, vector<16xf32>,
        tpu.vector_store %arg8[%parallel_loop3A_374], %parallel_loop3A_371 {strides = array<i32>} : memref<40960xf32, #tpu.memory_space<vmem>>, vector<16xf32>,
        %parallel_loop3A_376 = arith.constant 48 : i32
        %parallel_loop3A_377 = arith.addi %parallel_loop3A_347, %parallel_loop3A_376 : i32
        %parallel_loop3A_378 = arith.index_cast %parallel_loop3A_377 : i32 to index
        %parallel_loop3A_379 = tpu.vector_load %arg5[%parallel_loop3A_378] {strides = array<i32>} : memref<1024xf32, #tpu.memory_space<vmem>>, vector<16xf32>,
        %parallel_loop3A_380 = arith.constant 48 : i32
        %parallel_loop3A_381 = arith.addi %parallel_loop3A_351, %parallel_loop3A_380 : i32
        %parallel_loop3A_382 = arith.index_cast %parallel_loop3A_381 : i32 to index
        %parallel_loop3A_383 = tpu.vector_load %arg8[%parallel_loop3A_382] {strides = array<i32>} : memref<40960xf32, #tpu.memory_space<vmem>>, vector<16xf32>,
        tpu.vector_store %arg8[%parallel_loop3A_382], %parallel_loop3A_379 {strides = array<i32>} : memref<40960xf32, #tpu.memory_space<vmem>>, vector<16xf32>,
        %parallel_loop3A_384 = vector.extract_strided_slice %parallel_loop3A_79 {offsets = [8], sizes = [1], strides = [1]} : vector<16xi32> to vector<1xi32>
        %parallel_loop3A_385 = vector.extract %parallel_loop3A_384[0] : i32 from vector<1xi32>
        %parallel_loop3A_386 = arith.constant 8 : i32
        %parallel_loop3A_387 = arith.addi %parallel_loop3A_74, %parallel_loop3A_386 : i32
        %parallel_loop3A_388 = arith.constant 64 : i32
        %parallel_loop3A_389 = arith.muli %parallel_loop3A_387, %parallel_loop3A_388 : i32
        %parallel_loop3A_390 = arith.constant 0 : i32
        %parallel_loop3A_391 = arith.addi %parallel_loop3A_385, %parallel_loop3A_390 : i32
        %parallel_loop3A_392 = arith.index_cast %parallel_loop3A_391 : i32 to index
        %parallel_loop3A_393 = tpu.vector_load %arg5[%parallel_loop3A_392] {strides = array<i32>} : memref<1024xf32, #tpu.memory_space<vmem>>, vector<16xf32>,
        %parallel_loop3A_394 = arith.constant 0 : i32
        %parallel_loop3A_395 = arith.addi %parallel_loop3A_389, %parallel_loop3A_394 : i32
        %parallel_loop3A_396 = arith.index_cast %parallel_loop3A_395 : i32 to index
        %parallel_loop3A_397 = tpu.vector_load %arg8[%parallel_loop3A_396] {strides = array<i32>} : memref<40960xf32, #tpu.memory_space<vmem>>, vector<16xf32>,
        tpu.vector_store %arg8[%parallel_loop3A_396], %parallel_loop3A_393 {strides = array<i32>} : memref<40960xf32, #tpu.memory_space<vmem>>, vector<16xf32>,
        %parallel_loop3A_398 = arith.constant 16 : i32
        %parallel_loop3A_399 = arith.addi %parallel_loop3A_385, %parallel_loop3A_398 : i32
        %parallel_loop3A_400 = arith.index_cast %parallel_loop3A_399 : i32 to index
        %parallel_loop3A_401 = tpu.vector_load %arg5[%parallel_loop3A_400] {strides = array<i32>} : memref<1024xf32, #tpu.memory_space<vmem>>, vector<16xf32>,
        %parallel_loop3A_402 = arith.constant 16 : i32
        %parallel_loop3A_403 = arith.addi %parallel_loop3A_389, %parallel_loop3A_402 : i32
        %parallel_loop3A_404 = arith.index_cast %parallel_loop3A_403 : i32 to index
        %parallel_loop3A_405 = tpu.vector_load %arg8[%parallel_loop3A_404] {strides = array<i32>} : memref<40960xf32, #tpu.memory_space<vmem>>, vector<16xf32>,
        tpu.vector_store %arg8[%parallel_loop3A_404], %parallel_loop3A_401 {strides = array<i32>} : memref<40960xf32, #tpu.memory_space<vmem>>, vector<16xf32>,
        %parallel_loop3A_406 = arith.constant 32 : i32
        %parallel_loop3A_407 = arith.addi %parallel_loop3A_385, %parallel_loop3A_406 : i32
        %parallel_loop3A_408 = arith.index_cast %parallel_loop3A_407 : i32 to index
        %parallel_loop3A_409 = tpu.vector_load %arg5[%parallel_loop3A_408] {strides = array<i32>} : memref<1024xf32, #tpu.memory_space<vmem>>, vector<16xf32>,
        %parallel_loop3A_410 = arith.constant 32 : i32
        %parallel_loop3A_411 = arith.addi %parallel_loop3A_389, %parallel_loop3A_410 : i32
        %parallel_loop3A_412 = arith.index_cast %parallel_loop3A_411 : i32 to index
        %parallel_loop3A_413 = tpu.vector_load %arg8[%parallel_loop3A_412] {strides = array<i32>} : memref<40960xf32, #tpu.memory_space<vmem>>, vector<16xf32>,
        tpu.vector_store %arg8[%parallel_loop3A_412], %parallel_loop3A_409 {strides = array<i32>} : memref<40960xf32, #tpu.memory_space<vmem>>, vector<16xf32>,
        %parallel_loop3A_414 = arith.constant 48 : i32
        %parallel_loop3A_415 = arith.addi %parallel_loop3A_385, %parallel_loop3A_414 : i32
        %parallel_loop3A_416 = arith.index_cast %parallel_loop3A_415 : i32 to index
        %parallel_loop3A_417 = tpu.vector_load %arg5[%parallel_loop3A_416] {strides = array<i32>} : memref<1024xf32, #tpu.memory_space<vmem>>, vector<16xf32>,
        %parallel_loop3A_418 = arith.constant 48 : i32
        %parallel_loop3A_419 = arith.addi %parallel_loop3A_389, %parallel_loop3A_418 : i32
        %parallel_loop3A_420 = arith.index_cast %parallel_loop3A_419 : i32 to index
        %parallel_loop3A_421 = tpu.vector_load %arg8[%parallel_loop3A_420] {strides = array<i32>} : memref<40960xf32, #tpu.memory_space<vmem>>, vector<16xf32>,
        tpu.vector_store %arg8[%parallel_loop3A_420], %parallel_loop3A_417 {strides = array<i32>} : memref<40960xf32, #tpu.memory_space<vmem>>, vector<16xf32>,
        %parallel_loop3A_422 = vector.extract_strided_slice %parallel_loop3A_79 {offsets = [9], sizes = [1], strides = [1]} : vector<16xi32> to vector<1xi32>
        %parallel_loop3A_423 = vector.extract %parallel_loop3A_422[0] : i32 from vector<1xi32>
        %parallel_loop3A_424 = arith.constant 9 : i32
        %parallel_loop3A_425 = arith.addi %parallel_loop3A_74, %parallel_loop3A_424 : i32
        %parallel_loop3A_426 = arith.constant 64 : i32
        %parallel_loop3A_427 = arith.muli %parallel_loop3A_425, %parallel_loop3A_426 : i32
        %parallel_loop3A_428 = arith.constant 0 : i32
        %parallel_loop3A_429 = arith.addi %parallel_loop3A_423, %parallel_loop3A_428 : i32
        %parallel_loop3A_430 = arith.index_cast %parallel_loop3A_429 : i32 to index
        %parallel_loop3A_431 = tpu.vector_load %arg5[%parallel_loop3A_430] {strides = array<i32>} : memref<1024xf32, #tpu.memory_space<vmem>>, vector<16xf32>,
        %parallel_loop3A_432 = arith.constant 0 : i32
        %parallel_loop3A_433 = arith.addi %parallel_loop3A_427, %parallel_loop3A_432 : i32
        %parallel_loop3A_434 = arith.index_cast %parallel_loop3A_433 : i32 to index
        %parallel_loop3A_435 = tpu.vector_load %arg8[%parallel_loop3A_434] {strides = array<i32>} : memref<40960xf32, #tpu.memory_space<vmem>>, vector<16xf32>,
        tpu.vector_store %arg8[%parallel_loop3A_434], %parallel_loop3A_431 {strides = array<i32>} : memref<40960xf32, #tpu.memory_space<vmem>>, vector<16xf32>,
        %parallel_loop3A_436 = arith.constant 16 : i32
        %parallel_loop3A_437 = arith.addi %parallel_loop3A_423, %parallel_loop3A_436 : i32
        %parallel_loop3A_438 = arith.index_cast %parallel_loop3A_437 : i32 to index
        %parallel_loop3A_439 = tpu.vector_load %arg5[%parallel_loop3A_438] {strides = array<i32>} : memref<1024xf32, #tpu.memory_space<vmem>>, vector<16xf32>,
        %parallel_loop3A_440 = arith.constant 16 : i32
        %parallel_loop3A_441 = arith.addi %parallel_loop3A_427, %parallel_loop3A_440 : i32
        %parallel_loop3A_442 = arith.index_cast %parallel_loop3A_441 : i32 to index
        %parallel_loop3A_443 = tpu.vector_load %arg8[%parallel_loop3A_442] {strides = array<i32>} : memref<40960xf32, #tpu.memory_space<vmem>>, vector<16xf32>,
        tpu.vector_store %arg8[%parallel_loop3A_442], %parallel_loop3A_439 {strides = array<i32>} : memref<40960xf32, #tpu.memory_space<vmem>>, vector<16xf32>,
        %parallel_loop3A_444 = arith.constant 32 : i32
        %parallel_loop3A_445 = arith.addi %parallel_loop3A_423, %parallel_loop3A_444 : i32
        %parallel_loop3A_446 = arith.index_cast %parallel_loop3A_445 : i32 to index
        %parallel_loop3A_447 = tpu.vector_load %arg5[%parallel_loop3A_446] {strides = array<i32>} : memref<1024xf32, #tpu.memory_space<vmem>>, vector<16xf32>,
        %parallel_loop3A_448 = arith.constant 32 : i32
        %parallel_loop3A_449 = arith.addi %parallel_loop3A_427, %parallel_loop3A_448 : i32
        %parallel_loop3A_450 = arith.index_cast %parallel_loop3A_449 : i32 to index
        %parallel_loop3A_451 = tpu.vector_load %arg8[%parallel_loop3A_450] {strides = array<i32>} : memref<40960xf32, #tpu.memory_space<vmem>>, vector<16xf32>,
        tpu.vector_store %arg8[%parallel_loop3A_450], %parallel_loop3A_447 {strides = array<i32>} : memref<40960xf32, #tpu.memory_space<vmem>>, vector<16xf32>,
        %parallel_loop3A_452 = arith.constant 48 : i32
        %parallel_loop3A_453 = arith.addi %parallel_loop3A_423, %parallel_loop3A_452 : i32
        %parallel_loop3A_454 = arith.index_cast %parallel_loop3A_453 : i32 to index
        %parallel_loop3A_455 = tpu.vector_load %arg5[%parallel_loop3A_454] {strides = array<i32>} : memref<1024xf32, #tpu.memory_space<vmem>>, vector<16xf32>,
        %parallel_loop3A_456 = arith.constant 48 : i32
        %parallel_loop3A_457 = arith.addi %parallel_loop3A_427, %parallel_loop3A_456 : i32
        %parallel_loop3A_458 = arith.index_cast %parallel_loop3A_457 : i32 to index
        %parallel_loop3A_459 = tpu.vector_load %arg8[%parallel_loop3A_458] {strides = array<i32>} : memref<40960xf32, #tpu.memory_space<vmem>>, vector<16xf32>,
        tpu.vector_store %arg8[%parallel_loop3A_458], %parallel_loop3A_455 {strides = array<i32>} : memref<40960xf32, #tpu.memory_space<vmem>>, vector<16xf32>,
        %parallel_loop3A_460 = vector.extract_strided_slice %parallel_loop3A_79 {offsets = [10], sizes = [1], strides = [1]} : vector<16xi32> to vector<1xi32>
        %parallel_loop3A_461 = vector.extract %parallel_loop3A_460[0] : i32 from vector<1xi32>
        %parallel_loop3A_462 = arith.constant 10 : i32
        %parallel_loop3A_463 = arith.addi %parallel_loop3A_74, %parallel_loop3A_462 : i32
        %parallel_loop3A_464 = arith.constant 64 : i32
        %parallel_loop3A_465 = arith.muli %parallel_loop3A_463, %parallel_loop3A_464 : i32
        %parallel_loop3A_466 = arith.constant 0 : i32
        %parallel_loop3A_467 = arith.addi %parallel_loop3A_461, %parallel_loop3A_466 : i32
        %parallel_loop3A_468 = arith.index_cast %parallel_loop3A_467 : i32 to index
        %parallel_loop3A_469 = tpu.vector_load %arg5[%parallel_loop3A_468] {strides = array<i32>} : memref<1024xf32, #tpu.memory_space<vmem>>, vector<16xf32>,
        %parallel_loop3A_470 = arith.constant 0 : i32
        %parallel_loop3A_471 = arith.addi %parallel_loop3A_465, %parallel_loop3A_470 : i32
        %parallel_loop3A_472 = arith.index_cast %parallel_loop3A_471 : i32 to index
        %parallel_loop3A_473 = tpu.vector_load %arg8[%parallel_loop3A_472] {strides = array<i32>} : memref<40960xf32, #tpu.memory_space<vmem>>, vector<16xf32>,
        tpu.vector_store %arg8[%parallel_loop3A_472], %parallel_loop3A_469 {strides = array<i32>} : memref<40960xf32, #tpu.memory_space<vmem>>, vector<16xf32>,
        %parallel_loop3A_474 = arith.constant 16 : i32
        %parallel_loop3A_475 = arith.addi %parallel_loop3A_461, %parallel_loop3A_474 : i32
        %parallel_loop3A_476 = arith.index_cast %parallel_loop3A_475 : i32 to index
        %parallel_loop3A_477 = tpu.vector_load %arg5[%parallel_loop3A_476] {strides = array<i32>} : memref<1024xf32, #tpu.memory_space<vmem>>, vector<16xf32>,
        %parallel_loop3A_478 = arith.constant 16 : i32
        %parallel_loop3A_479 = arith.addi %parallel_loop3A_465, %parallel_loop3A_478 : i32
        %parallel_loop3A_480 = arith.index_cast %parallel_loop3A_479 : i32 to index
        %parallel_loop3A_481 = tpu.vector_load %arg8[%parallel_loop3A_480] {strides = array<i32>} : memref<40960xf32, #tpu.memory_space<vmem>>, vector<16xf32>,
        tpu.vector_store %arg8[%parallel_loop3A_480], %parallel_loop3A_477 {strides = array<i32>} : memref<40960xf32, #tpu.memory_space<vmem>>, vector<16xf32>,
        %parallel_loop3A_482 = arith.constant 32 : i32
        %parallel_loop3A_483 = arith.addi %parallel_loop3A_461, %parallel_loop3A_482 : i32
        %parallel_loop3A_484 = arith.index_cast %parallel_loop3A_483 : i32 to index
        %parallel_loop3A_485 = tpu.vector_load %arg5[%parallel_loop3A_484] {strides = array<i32>} : memref<1024xf32, #tpu.memory_space<vmem>>, vector<16xf32>,
        %parallel_loop3A_486 = arith.constant 32 : i32
        %parallel_loop3A_487 = arith.addi %parallel_loop3A_465, %parallel_loop3A_486 : i32
        %parallel_loop3A_488 = arith.index_cast %parallel_loop3A_487 : i32 to index
        %parallel_loop3A_489 = tpu.vector_load %arg8[%parallel_loop3A_488] {strides = array<i32>} : memref<40960xf32, #tpu.memory_space<vmem>>, vector<16xf32>,
        tpu.vector_store %arg8[%parallel_loop3A_488], %parallel_loop3A_485 {strides = array<i32>} : memref<40960xf32, #tpu.memory_space<vmem>>, vector<16xf32>,
        %parallel_loop3A_490 = arith.constant 48 : i32
        %parallel_loop3A_491 = arith.addi %parallel_loop3A_461, %parallel_loop3A_490 : i32
        %parallel_loop3A_492 = arith.index_cast %parallel_loop3A_491 : i32 to index
        %parallel_loop3A_493 = tpu.vector_load %arg5[%parallel_loop3A_492] {strides = array<i32>} : memref<1024xf32, #tpu.memory_space<vmem>>, vector<16xf32>,
        %parallel_loop3A_494 = arith.constant 48 : i32
        %parallel_loop3A_495 = arith.addi %parallel_loop3A_465, %parallel_loop3A_494 : i32
        %parallel_loop3A_496 = arith.index_cast %parallel_loop3A_495 : i32 to index
        %parallel_loop3A_497 = tpu.vector_load %arg8[%parallel_loop3A_496] {strides = array<i32>} : memref<40960xf32, #tpu.memory_space<vmem>>, vector<16xf32>,
        tpu.vector_store %arg8[%parallel_loop3A_496], %parallel_loop3A_493 {strides = array<i32>} : memref<40960xf32, #tpu.memory_space<vmem>>, vector<16xf32>,
        %parallel_loop3A_498 = vector.extract_strided_slice %parallel_loop3A_79 {offsets = [11], sizes = [1], strides = [1]} : vector<16xi32> to vector<1xi32>
        %parallel_loop3A_499 = vector.extract %parallel_loop3A_498[0] : i32 from vector<1xi32>
        %parallel_loop3A_500 = arith.constant 11 : i32
        %parallel_loop3A_501 = arith.addi %parallel_loop3A_74, %parallel_loop3A_500 : i32
        %parallel_loop3A_502 = arith.constant 64 : i32
        %parallel_loop3A_503 = arith.muli %parallel_loop3A_501, %parallel_loop3A_502 : i32
        %parallel_loop3A_504 = arith.constant 0 : i32
        %parallel_loop3A_505 = arith.addi %parallel_loop3A_499, %parallel_loop3A_504 : i32
        %parallel_loop3A_506 = arith.index_cast %parallel_loop3A_505 : i32 to index
        %parallel_loop3A_507 = tpu.vector_load %arg5[%parallel_loop3A_506] {strides = array<i32>} : memref<1024xf32, #tpu.memory_space<vmem>>, vector<16xf32>,
        %parallel_loop3A_508 = arith.constant 0 : i32
        %parallel_loop3A_509 = arith.addi %parallel_loop3A_503, %parallel_loop3A_508 : i32
        %parallel_loop3A_510 = arith.index_cast %parallel_loop3A_509 : i32 to index
        %parallel_loop3A_511 = tpu.vector_load %arg8[%parallel_loop3A_510] {strides = array<i32>} : memref<40960xf32, #tpu.memory_space<vmem>>, vector<16xf32>,
        tpu.vector_store %arg8[%parallel_loop3A_510], %parallel_loop3A_507 {strides = array<i32>} : memref<40960xf32, #tpu.memory_space<vmem>>, vector<16xf32>,
        %parallel_loop3A_512 = arith.constant 16 : i32
        %parallel_loop3A_513 = arith.addi %parallel_loop3A_499, %parallel_loop3A_512 : i32
        %parallel_loop3A_514 = arith.index_cast %parallel_loop3A_513 : i32 to index
        %parallel_loop3A_515 = tpu.vector_load %arg5[%parallel_loop3A_514] {strides = array<i32>} : memref<1024xf32, #tpu.memory_space<vmem>>, vector<16xf32>,
        %parallel_loop3A_516 = arith.constant 16 : i32
        %parallel_loop3A_517 = arith.addi %parallel_loop3A_503, %parallel_loop3A_516 : i32
        %parallel_loop3A_518 = arith.index_cast %parallel_loop3A_517 : i32 to index
        %parallel_loop3A_519 = tpu.vector_load %arg8[%parallel_loop3A_518] {strides = array<i32>} : memref<40960xf32, #tpu.memory_space<vmem>>, vector<16xf32>,
        tpu.vector_store %arg8[%parallel_loop3A_518], %parallel_loop3A_515 {strides = array<i32>} : memref<40960xf32, #tpu.memory_space<vmem>>, vector<16xf32>,
        %parallel_loop3A_520 = arith.constant 32 : i32
        %parallel_loop3A_521 = arith.addi %parallel_loop3A_499, %parallel_loop3A_520 : i32
        %parallel_loop3A_522 = arith.index_cast %parallel_loop3A_521 : i32 to index
        %parallel_loop3A_523 = tpu.vector_load %arg5[%parallel_loop3A_522] {strides = array<i32>} : memref<1024xf32, #tpu.memory_space<vmem>>, vector<16xf32>,
        %parallel_loop3A_524 = arith.constant 32 : i32
        %parallel_loop3A_525 = arith.addi %parallel_loop3A_503, %parallel_loop3A_524 : i32
        %parallel_loop3A_526 = arith.index_cast %parallel_loop3A_525 : i32 to index
        %parallel_loop3A_527 = tpu.vector_load %arg8[%parallel_loop3A_526] {strides = array<i32>} : memref<40960xf32, #tpu.memory_space<vmem>>, vector<16xf32>,
        tpu.vector_store %arg8[%parallel_loop3A_526], %parallel_loop3A_523 {strides = array<i32>} : memref<40960xf32, #tpu.memory_space<vmem>>, vector<16xf32>,
        %parallel_loop3A_528 = arith.constant 48 : i32
        %parallel_loop3A_529 = arith.addi %parallel_loop3A_499, %parallel_loop3A_528 : i32
        %parallel_loop3A_530 = arith.index_cast %parallel_loop3A_529 : i32 to index
        %parallel_loop3A_531 = tpu.vector_load %arg5[%parallel_loop3A_530] {strides = array<i32>} : memref<1024xf32, #tpu.memory_space<vmem>>, vector<16xf32>,
        %parallel_loop3A_532 = arith.constant 48 : i32
        %parallel_loop3A_533 = arith.addi %parallel_loop3A_503, %parallel_loop3A_532 : i32
        %parallel_loop3A_534 = arith.index_cast %parallel_loop3A_533 : i32 to index
        %parallel_loop3A_535 = tpu.vector_load %arg8[%parallel_loop3A_534] {strides = array<i32>} : memref<40960xf32, #tpu.memory_space<vmem>>, vector<16xf32>,
        tpu.vector_store %arg8[%parallel_loop3A_534], %parallel_loop3A_531 {strides = array<i32>} : memref<40960xf32, #tpu.memory_space<vmem>>, vector<16xf32>,
        %parallel_loop3A_536 = vector.extract_strided_slice %parallel_loop3A_79 {offsets = [12], sizes = [1], strides = [1]} : vector<16xi32> to vector<1xi32>
        %parallel_loop3A_537 = vector.extract %parallel_loop3A_536[0] : i32 from vector<1xi32>
        %parallel_loop3A_538 = arith.constant 12 : i32
        %parallel_loop3A_539 = arith.addi %parallel_loop3A_74, %parallel_loop3A_538 : i32
        %parallel_loop3A_540 = arith.constant 64 : i32
        %parallel_loop3A_541 = arith.muli %parallel_loop3A_539, %parallel_loop3A_540 : i32
        %parallel_loop3A_542 = arith.constant 0 : i32
        %parallel_loop3A_543 = arith.addi %parallel_loop3A_537, %parallel_loop3A_542 : i32
        %parallel_loop3A_544 = arith.index_cast %parallel_loop3A_543 : i32 to index
        %parallel_loop3A_545 = tpu.vector_load %arg5[%parallel_loop3A_544] {strides = array<i32>} : memref<1024xf32, #tpu.memory_space<vmem>>, vector<16xf32>,
        %parallel_loop3A_546 = arith.constant 0 : i32
        %parallel_loop3A_547 = arith.addi %parallel_loop3A_541, %parallel_loop3A_546 : i32
        %parallel_loop3A_548 = arith.index_cast %parallel_loop3A_547 : i32 to index
        %parallel_loop3A_549 = tpu.vector_load %arg8[%parallel_loop3A_548] {strides = array<i32>} : memref<40960xf32, #tpu.memory_space<vmem>>, vector<16xf32>,
        tpu.vector_store %arg8[%parallel_loop3A_548], %parallel_loop3A_545 {strides = array<i32>} : memref<40960xf32, #tpu.memory_space<vmem>>, vector<16xf32>,
        %parallel_loop3A_550 = arith.constant 16 : i32
        %parallel_loop3A_551 = arith.addi %parallel_loop3A_537, %parallel_loop3A_550 : i32
        %parallel_loop3A_552 = arith.index_cast %parallel_loop3A_551 : i32 to index
        %parallel_loop3A_553 = tpu.vector_load %arg5[%parallel_loop3A_552] {strides = array<i32>} : memref<1024xf32, #tpu.memory_space<vmem>>, vector<16xf32>,
        %parallel_loop3A_554 = arith.constant 16 : i32
        %parallel_loop3A_555 = arith.addi %parallel_loop3A_541, %parallel_loop3A_554 : i32
        %parallel_loop3A_556 = arith.index_cast %parallel_loop3A_555 : i32 to index
        %parallel_loop3A_557 = tpu.vector_load %arg8[%parallel_loop3A_556] {strides = array<i32>} : memref<40960xf32, #tpu.memory_space<vmem>>, vector<16xf32>,
        tpu.vector_store %arg8[%parallel_loop3A_556], %parallel_loop3A_553 {strides = array<i32>} : memref<40960xf32, #tpu.memory_space<vmem>>, vector<16xf32>,
        %parallel_loop3A_558 = arith.constant 32 : i32
        %parallel_loop3A_559 = arith.addi %parallel_loop3A_537, %parallel_loop3A_558 : i32
        %parallel_loop3A_560 = arith.index_cast %parallel_loop3A_559 : i32 to index
        %parallel_loop3A_561 = tpu.vector_load %arg5[%parallel_loop3A_560] {strides = array<i32>} : memref<1024xf32, #tpu.memory_space<vmem>>, vector<16xf32>,
        %parallel_loop3A_562 = arith.constant 32 : i32
        %parallel_loop3A_563 = arith.addi %parallel_loop3A_541, %parallel_loop3A_562 : i32
        %parallel_loop3A_564 = arith.index_cast %parallel_loop3A_563 : i32 to index
        %parallel_loop3A_565 = tpu.vector_load %arg8[%parallel_loop3A_564] {strides = array<i32>} : memref<40960xf32, #tpu.memory_space<vmem>>, vector<16xf32>,
        tpu.vector_store %arg8[%parallel_loop3A_564], %parallel_loop3A_561 {strides = array<i32>} : memref<40960xf32, #tpu.memory_space<vmem>>, vector<16xf32>,
        %parallel_loop3A_566 = arith.constant 48 : i32
        %parallel_loop3A_567 = arith.addi %parallel_loop3A_537, %parallel_loop3A_566 : i32
        %parallel_loop3A_568 = arith.index_cast %parallel_loop3A_567 : i32 to index
        %parallel_loop3A_569 = tpu.vector_load %arg5[%parallel_loop3A_568] {strides = array<i32>} : memref<1024xf32, #tpu.memory_space<vmem>>, vector<16xf32>,
        %parallel_loop3A_570 = arith.constant 48 : i32
        %parallel_loop3A_571 = arith.addi %parallel_loop3A_541, %parallel_loop3A_570 : i32
        %parallel_loop3A_572 = arith.index_cast %parallel_loop3A_571 : i32 to index
        %parallel_loop3A_573 = tpu.vector_load %arg8[%parallel_loop3A_572] {strides = array<i32>} : memref<40960xf32, #tpu.memory_space<vmem>>, vector<16xf32>,
        tpu.vector_store %arg8[%parallel_loop3A_572], %parallel_loop3A_569 {strides = array<i32>} : memref<40960xf32, #tpu.memory_space<vmem>>, vector<16xf32>,
        %parallel_loop3A_574 = vector.extract_strided_slice %parallel_loop3A_79 {offsets = [13], sizes = [1], strides = [1]} : vector<16xi32> to vector<1xi32>
        %parallel_loop3A_575 = vector.extract %parallel_loop3A_574[0] : i32 from vector<1xi32>
        %parallel_loop3A_576 = arith.constant 13 : i32
        %parallel_loop3A_577 = arith.addi %parallel_loop3A_74, %parallel_loop3A_576 : i32
        %parallel_loop3A_578 = arith.constant 64 : i32
        %parallel_loop3A_579 = arith.muli %parallel_loop3A_577, %parallel_loop3A_578 : i32
        %parallel_loop3A_580 = arith.constant 0 : i32
        %parallel_loop3A_581 = arith.addi %parallel_loop3A_575, %parallel_loop3A_580 : i32
        %parallel_loop3A_582 = arith.index_cast %parallel_loop3A_581 : i32 to index
        %parallel_loop3A_583 = tpu.vector_load %arg5[%parallel_loop3A_582] {strides = array<i32>} : memref<1024xf32, #tpu.memory_space<vmem>>, vector<16xf32>,
        %parallel_loop3A_584 = arith.constant 0 : i32
        %parallel_loop3A_585 = arith.addi %parallel_loop3A_579, %parallel_loop3A_584 : i32
        %parallel_loop3A_586 = arith.index_cast %parallel_loop3A_585 : i32 to index
        %parallel_loop3A_587 = tpu.vector_load %arg8[%parallel_loop3A_586] {strides = array<i32>} : memref<40960xf32, #tpu.memory_space<vmem>>, vector<16xf32>,
        tpu.vector_store %arg8[%parallel_loop3A_586], %parallel_loop3A_583 {strides = array<i32>} : memref<40960xf32, #tpu.memory_space<vmem>>, vector<16xf32>,
        %parallel_loop3A_588 = arith.constant 16 : i32
        %parallel_loop3A_589 = arith.addi %parallel_loop3A_575, %parallel_loop3A_588 : i32
        %parallel_loop3A_590 = arith.index_cast %parallel_loop3A_589 : i32 to index
        %parallel_loop3A_591 = tpu.vector_load %arg5[%parallel_loop3A_590] {strides = array<i32>} : memref<1024xf32, #tpu.memory_space<vmem>>, vector<16xf32>,
        %parallel_loop3A_592 = arith.constant 16 : i32
        %parallel_loop3A_593 = arith.addi %parallel_loop3A_579, %parallel_loop3A_592 : i32
        %parallel_loop3A_594 = arith.index_cast %parallel_loop3A_593 : i32 to index
        %parallel_loop3A_595 = tpu.vector_load %arg8[%parallel_loop3A_594] {strides = array<i32>} : memref<40960xf32, #tpu.memory_space<vmem>>, vector<16xf32>,
        tpu.vector_store %arg8[%parallel_loop3A_594], %parallel_loop3A_591 {strides = array<i32>} : memref<40960xf32, #tpu.memory_space<vmem>>, vector<16xf32>,
        %parallel_loop3A_596 = arith.constant 32 : i32
        %parallel_loop3A_597 = arith.addi %parallel_loop3A_575, %parallel_loop3A_596 : i32
        %parallel_loop3A_598 = arith.index_cast %parallel_loop3A_597 : i32 to index
        %parallel_loop3A_599 = tpu.vector_load %arg5[%parallel_loop3A_598] {strides = array<i32>} : memref<1024xf32, #tpu.memory_space<vmem>>, vector<16xf32>,
        %parallel_loop3A_600 = arith.constant 32 : i32
        %parallel_loop3A_601 = arith.addi %parallel_loop3A_579, %parallel_loop3A_600 : i32
        %parallel_loop3A_602 = arith.index_cast %parallel_loop3A_601 : i32 to index
        %parallel_loop3A_603 = tpu.vector_load %arg8[%parallel_loop3A_602] {strides = array<i32>} : memref<40960xf32, #tpu.memory_space<vmem>>, vector<16xf32>,
        tpu.vector_store %arg8[%parallel_loop3A_602], %parallel_loop3A_599 {strides = array<i32>} : memref<40960xf32, #tpu.memory_space<vmem>>, vector<16xf32>,
        %parallel_loop3A_604 = arith.constant 48 : i32
        %parallel_loop3A_605 = arith.addi %parallel_loop3A_575, %parallel_loop3A_604 : i32
        %parallel_loop3A_606 = arith.index_cast %parallel_loop3A_605 : i32 to index
        %parallel_loop3A_607 = tpu.vector_load %arg5[%parallel_loop3A_606] {strides = array<i32>} : memref<1024xf32, #tpu.memory_space<vmem>>, vector<16xf32>,
        %parallel_loop3A_608 = arith.constant 48 : i32
        %parallel_loop3A_609 = arith.addi %parallel_loop3A_579, %parallel_loop3A_608 : i32
        %parallel_loop3A_610 = arith.index_cast %parallel_loop3A_609 : i32 to index
        %parallel_loop3A_611 = tpu.vector_load %arg8[%parallel_loop3A_610] {strides = array<i32>} : memref<40960xf32, #tpu.memory_space<vmem>>, vector<16xf32>,
        tpu.vector_store %arg8[%parallel_loop3A_610], %parallel_loop3A_607 {strides = array<i32>} : memref<40960xf32, #tpu.memory_space<vmem>>, vector<16xf32>,
        %parallel_loop3A_612 = vector.extract_strided_slice %parallel_loop3A_79 {offsets = [14], sizes = [1], strides = [1]} : vector<16xi32> to vector<1xi32>
        %parallel_loop3A_613 = vector.extract %parallel_loop3A_612[0] : i32 from vector<1xi32>
        %parallel_loop3A_614 = arith.constant 14 : i32
        %parallel_loop3A_615 = arith.addi %parallel_loop3A_74, %parallel_loop3A_614 : i32
        %parallel_loop3A_616 = arith.constant 64 : i32
        %parallel_loop3A_617 = arith.muli %parallel_loop3A_615, %parallel_loop3A_616 : i32
        %parallel_loop3A_618 = arith.constant 0 : i32
        %parallel_loop3A_619 = arith.addi %parallel_loop3A_613, %parallel_loop3A_618 : i32
        %parallel_loop3A_620 = arith.index_cast %parallel_loop3A_619 : i32 to index
        %parallel_loop3A_621 = tpu.vector_load %arg5[%parallel_loop3A_620] {strides = array<i32>} : memref<1024xf32, #tpu.memory_space<vmem>>, vector<16xf32>,
        %parallel_loop3A_622 = arith.constant 0 : i32
        %parallel_loop3A_623 = arith.addi %parallel_loop3A_617, %parallel_loop3A_622 : i32
        %parallel_loop3A_624 = arith.index_cast %parallel_loop3A_623 : i32 to index
        %parallel_loop3A_625 = tpu.vector_load %arg8[%parallel_loop3A_624] {strides = array<i32>} : memref<40960xf32, #tpu.memory_space<vmem>>, vector<16xf32>,
        tpu.vector_store %arg8[%parallel_loop3A_624], %parallel_loop3A_621 {strides = array<i32>} : memref<40960xf32, #tpu.memory_space<vmem>>, vector<16xf32>,
        %parallel_loop3A_626 = arith.constant 16 : i32
        %parallel_loop3A_627 = arith.addi %parallel_loop3A_613, %parallel_loop3A_626 : i32
        %parallel_loop3A_628 = arith.index_cast %parallel_loop3A_627 : i32 to index
        %parallel_loop3A_629 = tpu.vector_load %arg5[%parallel_loop3A_628] {strides = array<i32>} : memref<1024xf32, #tpu.memory_space<vmem>>, vector<16xf32>,
        %parallel_loop3A_630 = arith.constant 16 : i32
        %parallel_loop3A_631 = arith.addi %parallel_loop3A_617, %parallel_loop3A_630 : i32
        %parallel_loop3A_632 = arith.index_cast %parallel_loop3A_631 : i32 to index
        %parallel_loop3A_633 = tpu.vector_load %arg8[%parallel_loop3A_632] {strides = array<i32>} : memref<40960xf32, #tpu.memory_space<vmem>>, vector<16xf32>,
        tpu.vector_store %arg8[%parallel_loop3A_632], %parallel_loop3A_629 {strides = array<i32>} : memref<40960xf32, #tpu.memory_space<vmem>>, vector<16xf32>,
        %parallel_loop3A_634 = arith.constant 32 : i32
        %parallel_loop3A_635 = arith.addi %parallel_loop3A_613, %parallel_loop3A_634 : i32
        %parallel_loop3A_636 = arith.index_cast %parallel_loop3A_635 : i32 to index
        %parallel_loop3A_637 = tpu.vector_load %arg5[%parallel_loop3A_636] {strides = array<i32>} : memref<1024xf32, #tpu.memory_space<vmem>>, vector<16xf32>,
        %parallel_loop3A_638 = arith.constant 32 : i32
        %parallel_loop3A_639 = arith.addi %parallel_loop3A_617, %parallel_loop3A_638 : i32
        %parallel_loop3A_640 = arith.index_cast %parallel_loop3A_639 : i32 to index
        %parallel_loop3A_641 = tpu.vector_load %arg8[%parallel_loop3A_640] {strides = array<i32>} : memref<40960xf32, #tpu.memory_space<vmem>>, vector<16xf32>,
        tpu.vector_store %arg8[%parallel_loop3A_640], %parallel_loop3A_637 {strides = array<i32>} : memref<40960xf32, #tpu.memory_space<vmem>>, vector<16xf32>,
        %parallel_loop3A_642 = arith.constant 48 : i32
        %parallel_loop3A_643 = arith.addi %parallel_loop3A_613, %parallel_loop3A_642 : i32
        %parallel_loop3A_644 = arith.index_cast %parallel_loop3A_643 : i32 to index
        %parallel_loop3A_645 = tpu.vector_load %arg5[%parallel_loop3A_644] {strides = array<i32>} : memref<1024xf32, #tpu.memory_space<vmem>>, vector<16xf32>,
        %parallel_loop3A_646 = arith.constant 48 : i32
        %parallel_loop3A_647 = arith.addi %parallel_loop3A_617, %parallel_loop3A_646 : i32
        %parallel_loop3A_648 = arith.index_cast %parallel_loop3A_647 : i32 to index
        %parallel_loop3A_649 = tpu.vector_load %arg8[%parallel_loop3A_648] {strides = array<i32>} : memref<40960xf32, #tpu.memory_space<vmem>>, vector<16xf32>,
        tpu.vector_store %arg8[%parallel_loop3A_648], %parallel_loop3A_645 {strides = array<i32>} : memref<40960xf32, #tpu.memory_space<vmem>>, vector<16xf32>,
        %parallel_loop3A_650 = vector.extract_strided_slice %parallel_loop3A_79 {offsets = [15], sizes = [1], strides = [1]} : vector<16xi32> to vector<1xi32>
        %parallel_loop3A_651 = vector.extract %parallel_loop3A_650[0] : i32 from vector<1xi32>
        %parallel_loop3A_652 = arith.constant 15 : i32
        %parallel_loop3A_653 = arith.addi %parallel_loop3A_74, %parallel_loop3A_652 : i32
        %parallel_loop3A_654 = arith.constant 64 : i32
        %parallel_loop3A_655 = arith.muli %parallel_loop3A_653, %parallel_loop3A_654 : i32
        %parallel_loop3A_656 = arith.constant 0 : i32
        %parallel_loop3A_657 = arith.addi %parallel_loop3A_651, %parallel_loop3A_656 : i32
        %parallel_loop3A_658 = arith.index_cast %parallel_loop3A_657 : i32 to index
        %parallel_loop3A_659 = tpu.vector_load %arg5[%parallel_loop3A_658] {strides = array<i32>} : memref<1024xf32, #tpu.memory_space<vmem>>, vector<16xf32>,
        %parallel_loop3A_660 = arith.constant 0 : i32
        %parallel_loop3A_661 = arith.addi %parallel_loop3A_655, %parallel_loop3A_660 : i32
        %parallel_loop3A_662 = arith.index_cast %parallel_loop3A_661 : i32 to index
        %parallel_loop3A_663 = tpu.vector_load %arg8[%parallel_loop3A_662] {strides = array<i32>} : memref<40960xf32, #tpu.memory_space<vmem>>, vector<16xf32>,
        tpu.vector_store %arg8[%parallel_loop3A_662], %parallel_loop3A_659 {strides = array<i32>} : memref<40960xf32, #tpu.memory_space<vmem>>, vector<16xf32>,
        %parallel_loop3A_664 = arith.constant 16 : i32
        %parallel_loop3A_665 = arith.addi %parallel_loop3A_651, %parallel_loop3A_664 : i32
        %parallel_loop3A_666 = arith.index_cast %parallel_loop3A_665 : i32 to index
        %parallel_loop3A_667 = tpu.vector_load %arg5[%parallel_loop3A_666] {strides = array<i32>} : memref<1024xf32, #tpu.memory_space<vmem>>, vector<16xf32>,
        %parallel_loop3A_668 = arith.constant 16 : i32
        %parallel_loop3A_669 = arith.addi %parallel_loop3A_655, %parallel_loop3A_668 : i32
        %parallel_loop3A_670 = arith.index_cast %parallel_loop3A_669 : i32 to index
        %parallel_loop3A_671 = tpu.vector_load %arg8[%parallel_loop3A_670] {strides = array<i32>} : memref<40960xf32, #tpu.memory_space<vmem>>, vector<16xf32>,
        tpu.vector_store %arg8[%parallel_loop3A_670], %parallel_loop3A_667 {strides = array<i32>} : memref<40960xf32, #tpu.memory_space<vmem>>, vector<16xf32>,
        %parallel_loop3A_672 = arith.constant 32 : i32
        %parallel_loop3A_673 = arith.addi %parallel_loop3A_651, %parallel_loop3A_672 : i32
        %parallel_loop3A_674 = arith.index_cast %parallel_loop3A_673 : i32 to index
        %parallel_loop3A_675 = tpu.vector_load %arg5[%parallel_loop3A_674] {strides = array<i32>} : memref<1024xf32, #tpu.memory_space<vmem>>, vector<16xf32>,
        %parallel_loop3A_676 = arith.constant 32 : i32
        %parallel_loop3A_677 = arith.addi %parallel_loop3A_655, %parallel_loop3A_676 : i32
        %parallel_loop3A_678 = arith.index_cast %parallel_loop3A_677 : i32 to index
        %parallel_loop3A_679 = tpu.vector_load %arg8[%parallel_loop3A_678] {strides = array<i32>} : memref<40960xf32, #tpu.memory_space<vmem>>, vector<16xf32>,
        tpu.vector_store %arg8[%parallel_loop3A_678], %parallel_loop3A_675 {strides = array<i32>} : memref<40960xf32, #tpu.memory_space<vmem>>, vector<16xf32>,
        %parallel_loop3A_680 = arith.constant 48 : i32
        %parallel_loop3A_681 = arith.addi %parallel_loop3A_651, %parallel_loop3A_680 : i32
        %parallel_loop3A_682 = arith.index_cast %parallel_loop3A_681 : i32 to index
        %parallel_loop3A_683 = tpu.vector_load %arg5[%parallel_loop3A_682] {strides = array<i32>} : memref<1024xf32, #tpu.memory_space<vmem>>, vector<16xf32>,
        %parallel_loop3A_684 = arith.constant 48 : i32
        %parallel_loop3A_685 = arith.addi %parallel_loop3A_655, %parallel_loop3A_684 : i32
        %parallel_loop3A_686 = arith.index_cast %parallel_loop3A_685 : i32 to index
        %parallel_loop3A_687 = tpu.vector_load %arg8[%parallel_loop3A_686] {strides = array<i32>} : memref<40960xf32, #tpu.memory_space<vmem>>, vector<16xf32>,
        tpu.vector_store %arg8[%parallel_loop3A_686], %parallel_loop3A_683 {strides = array<i32>} : memref<40960xf32, #tpu.memory_space<vmem>>, vector<16xf32>,
      } {sc.loop_unroll_factor = 1 : i64, sc.parallel_access}
      %mul3A_40 = arith.constant 40960 : i32
      %mul3A_41 = arith.muli %add3A_25, %mul3A_40 : i32
      %dma_start3A_42 = tpu.memref_slice %arg4[%mul3A_41] : memref<52428800xf32, #tpu.memory_space<hbm>> -> memref<40960xf32, #tpu.memory_space<hbm>>
      %dma_start3A_43 = tpu.memref_slice %arg4[%mul3A_41] : memref<52428800xf32, #tpu.memory_space<hbm>> -> memref<40960xf32, #tpu.memory_space<hbm>>
      tpu.enqueue_dma source(%arg8 : memref<40960xf32, #tpu.memory_space<vmem>>) target(%dma_start3A_43 : memref<40960xf32, #tpu.memory_space<hbm>>) target_semaphore(%arg10 : memref<!tpu.dma_semaphore, #tpu.memory_space<semaphore_mem>>)
      %mul3A_44 = arith.constant 2 : i32
      %mul3A_45 = arith.muli %scan3A_18, %mul3A_44 : i32
      %add3A_46 = arith.constant 1 : i32
      %add3A_47 = arith.addi %mul3A_45, %add3A_46 : i32
      %mul3A_48 = arith.constant 40 : i32
      %mul3A_49 = arith.muli %add3A, %mul3A_48 : i32
      %add3A_50 = arith.addi %mul3A_49, %add3A_47 : i32
      %dma_wait3A_51 = arith.constant 0 : i32
      %dma_wait3A_52 = tpu.memref_slice %arg3[%dma_wait3A_51] : memref<819200xi32, #tpu.memory_space<hbm>> -> memref<640xi32, #tpu.memory_space<hbm>>
      %dma_wait3A_53 = arith.constant 0 : i32
      %dma_wait3A_54 = tpu.memref_slice %arg3[%dma_wait3A_53] : memref<819200xi32, #tpu.memory_space<hbm>> -> memref<640xi32, #tpu.memory_space<hbm>>
      tpu.wait_dma2 semaphore(%arg13 : memref<!tpu.dma_semaphore, #tpu.memory_space<semaphore_mem>>) src(%dma_wait3A_54 : memref<640xi32, #tpu.memory_space<hbm>>) dst(%arg7 : memref<640xi32, #tpu.memory_space<vmem>>)
      %add3A_55 = arith.constant 1 : i32
      %add3A_56 = arith.addi %add3A_47, %add3A_55 : i32
      %lt3A_57 = arith.constant 40 : i32
      %lt3A_58 = arith.cmpi slt, %add3A_56, %lt3A_57 : i32
      %convert_element_type3A_59 = arith.extui %lt3A_58 : i1 to i32
      %cond3A_60 = arith.constant 0 : i32
      %cond3A_61 = arith.cmpi ne, %convert_element_type3A_59, %cond3A_60 : i32
      scf.if %cond3A_61 {
        %add3A_74 = arith.constant 1 : i32
        %add3A_75 = arith.addi %add3A_50, %add3A_74 : i32
        %mul3A_76 = arith.constant 640 : i32
        %mul3A_77 = arith.muli %add3A_75, %mul3A_76 : i32
        %dma_start3A_78 = tpu.memref_slice %arg3[%mul3A_77] : memref<819200xi32, #tpu.memory_space<hbm>> -> memref<640xi32, #tpu.memory_space<hbm>>
        %dma_start3A_79 = tpu.memref_slice %arg3[%mul3A_77] : memref<819200xi32, #tpu.memory_space<hbm>> -> memref<640xi32, #tpu.memory_space<hbm>>
        tpu.enqueue_dma source(%dma_start3A_79 : memref<640xi32, #tpu.memory_space<hbm>>) target(%arg6 : memref<640xi32, #tpu.memory_space<vmem>>) target_semaphore(%arg12 : memref<!tpu.dma_semaphore, #tpu.memory_space<semaphore_mem>>)
      } else {
      }
      %gt3A_62 = arith.constant 0 : i32
      %gt3A_63 = arith.cmpi sgt, %scan3A_18, %gt3A_62 : i32
      %convert_element_type3A_64 = arith.extui %gt3A_63 : i1 to i32
      %cond3A_65 = arith.constant 0 : i32
      %cond3A_66 = arith.cmpi ne, %convert_element_type3A_64, %cond3A_65 : i32
      scf.if %cond3A_66 {
        %dma_wait3A_74 = arith.constant 0 : i32
        %dma_wait3A_75 = tpu.memref_slice %arg4[%dma_wait3A_74] : memref<52428800xf32, #tpu.memory_space<hbm>> -> memref<40960xf32, #tpu.memory_space<hbm>>
        %dma_wait3A_76 = arith.constant 0 : i32
        %dma_wait3A_77 = tpu.memref_slice %arg4[%dma_wait3A_76] : memref<52428800xf32, #tpu.memory_space<hbm>> -> memref<40960xf32, #tpu.memory_space<hbm>>
        tpu.wait_dma2 semaphore(%arg11 : memref<!tpu.dma_semaphore, #tpu.memory_space<semaphore_mem>>) src(%arg9 : memref<40960xf32, #tpu.memory_space<vmem>>) dst(%dma_wait3A_77 : memref<40960xf32, #tpu.memory_space<hbm>>)
      } else {
      }
      %parallel_loop3A_67 = arith.constant 0 : i32
      %parallel_loop3A_68 = arith.constant 640 : i32
      %parallel_loop3A_69 = arith.constant 16 : i32
      scf.for %parallel_loop3A_74 = %parallel_loop3A_67 to %parallel_loop3A_68 step %parallel_loop3A_69  : i32 {
        %parallel_loop3A_75 = arith.index_cast %parallel_loop3A_74 : i32 to index
        %parallel_loop3A_76 = tpu.vector_load %arg7[%parallel_loop3A_75] {strides = array<i32>} : memref<640xi32, #tpu.memory_space<vmem>>, vector<16xi32>,
        %parallel_loop3A_77 = arith.constant 64 : i32
        %parallel_loop3A_78 = vector.broadcast %parallel_loop3A_77 : i32 to vector<16xi32>
        %parallel_loop3A_79 = arith.muli %parallel_loop3A_76, %parallel_loop3A_78 : vector<16xi32>
        %parallel_loop3A_80 = vector.extract_strided_slice %parallel_loop3A_79 {offsets = [0], sizes = [1], strides = [1]} : vector<16xi32> to vector<1xi32>
        %parallel_loop3A_81 = vector.extract %parallel_loop3A_80[0] : i32 from vector<1xi32>
        %parallel_loop3A_82 = arith.constant 0 : i32
        %parallel_loop3A_83 = arith.addi %parallel_loop3A_74, %parallel_loop3A_82 : i32
        %parallel_loop3A_84 = arith.constant 64 : i32
        %parallel_loop3A_85 = arith.muli %parallel_loop3A_83, %parallel_loop3A_84 : i32
        %parallel_loop3A_86 = arith.constant 0 : i32
        %parallel_loop3A_87 = arith.addi %parallel_loop3A_81, %parallel_loop3A_86 : i32
        %parallel_loop3A_88 = arith.index_cast %parallel_loop3A_87 : i32 to index
        %parallel_loop3A_89 = tpu.vector_load %arg5[%parallel_loop3A_88] {strides = array<i32>} : memref<1024xf32, #tpu.memory_space<vmem>>, vector<16xf32>,
        %parallel_loop3A_90 = arith.constant 0 : i32
        %parallel_loop3A_91 = arith.addi %parallel_loop3A_85, %parallel_loop3A_90 : i32
        %parallel_loop3A_92 = arith.index_cast %parallel_loop3A_91 : i32 to index
        %parallel_loop3A_93 = tpu.vector_load %arg9[%parallel_loop3A_92] {strides = array<i32>} : memref<40960xf32, #tpu.memory_space<vmem>>, vector<16xf32>,
        tpu.vector_store %arg9[%parallel_loop3A_92], %parallel_loop3A_89 {strides = array<i32>} : memref<40960xf32, #tpu.memory_space<vmem>>, vector<16xf32>,
        %parallel_loop3A_94 = arith.constant 16 : i32
        %parallel_loop3A_95 = arith.addi %parallel_loop3A_81, %parallel_loop3A_94 : i32
        %parallel_loop3A_96 = arith.index_cast %parallel_loop3A_95 : i32 to index
        %parallel_loop3A_97 = tpu.vector_load %arg5[%parallel_loop3A_96] {strides = array<i32>} : memref<1024xf32, #tpu.memory_space<vmem>>, vector<16xf32>,
        %parallel_loop3A_98 = arith.constant 16 : i32
        %parallel_loop3A_99 = arith.addi %parallel_loop3A_85, %parallel_loop3A_98 : i32
        %parallel_loop3A_100 = arith.index_cast %parallel_loop3A_99 : i32 to index
        %parallel_loop3A_101 = tpu.vector_load %arg9[%parallel_loop3A_100] {strides = array<i32>} : memref<40960xf32, #tpu.memory_space<vmem>>, vector<16xf32>,
        tpu.vector_store %arg9[%parallel_loop3A_100], %parallel_loop3A_97 {strides = array<i32>} : memref<40960xf32, #tpu.memory_space<vmem>>, vector<16xf32>,
        %parallel_loop3A_102 = arith.constant 32 : i32
        %parallel_loop3A_103 = arith.addi %parallel_loop3A_81, %parallel_loop3A_102 : i32
        %parallel_loop3A_104 = arith.index_cast %parallel_loop3A_103 : i32 to index
        %parallel_loop3A_105 = tpu.vector_load %arg5[%parallel_loop3A_104] {strides = array<i32>} : memref<1024xf32, #tpu.memory_space<vmem>>, vector<16xf32>,
        %parallel_loop3A_106 = arith.constant 32 : i32
        %parallel_loop3A_107 = arith.addi %parallel_loop3A_85, %parallel_loop3A_106 : i32
        %parallel_loop3A_108 = arith.index_cast %parallel_loop3A_107 : i32 to index
        %parallel_loop3A_109 = tpu.vector_load %arg9[%parallel_loop3A_108] {strides = array<i32>} : memref<40960xf32, #tpu.memory_space<vmem>>, vector<16xf32>,
        tpu.vector_store %arg9[%parallel_loop3A_108], %parallel_loop3A_105 {strides = array<i32>} : memref<40960xf32, #tpu.memory_space<vmem>>, vector<16xf32>,
        %parallel_loop3A_110 = arith.constant 48 : i32
        %parallel_loop3A_111 = arith.addi %parallel_loop3A_81, %parallel_loop3A_110 : i32
        %parallel_loop3A_112 = arith.index_cast %parallel_loop3A_111 : i32 to index
        %parallel_loop3A_113 = tpu.vector_load %arg5[%parallel_loop3A_112] {strides = array<i32>} : memref<1024xf32, #tpu.memory_space<vmem>>, vector<16xf32>,
        %parallel_loop3A_114 = arith.constant 48 : i32
        %parallel_loop3A_115 = arith.addi %parallel_loop3A_85, %parallel_loop3A_114 : i32
        %parallel_loop3A_116 = arith.index_cast %parallel_loop3A_115 : i32 to index
        %parallel_loop3A_117 = tpu.vector_load %arg9[%parallel_loop3A_116] {strides = array<i32>} : memref<40960xf32, #tpu.memory_space<vmem>>, vector<16xf32>,
        tpu.vector_store %arg9[%parallel_loop3A_116], %parallel_loop3A_113 {strides = array<i32>} : memref<40960xf32, #tpu.memory_space<vmem>>, vector<16xf32>,
        %parallel_loop3A_118 = vector.extract_strided_slice %parallel_loop3A_79 {offsets = [1], sizes = [1], strides = [1]} : vector<16xi32> to vector<1xi32>
        %parallel_loop3A_119 = vector.extract %parallel_loop3A_118[0] : i32 from vector<1xi32>
        %parallel_loop3A_120 = arith.constant 1 : i32
        %parallel_loop3A_121 = arith.addi %parallel_loop3A_74, %parallel_loop3A_120 : i32
        %parallel_loop3A_122 = arith.constant 64 : i32
        %parallel_loop3A_123 = arith.muli %parallel_loop3A_121, %parallel_loop3A_122 : i32
        %parallel_loop3A_124 = arith.constant 0 : i32
        %parallel_loop3A_125 = arith.addi %parallel_loop3A_119, %parallel_loop3A_124 : i32
        %parallel_loop3A_126 = arith.index_cast %parallel_loop3A_125 : i32 to index
        %parallel_loop3A_127 = tpu.vector_load %arg5[%parallel_loop3A_126] {strides = array<i32>} : memref<1024xf32, #tpu.memory_space<vmem>>, vector<16xf32>,
        %parallel_loop3A_128 = arith.constant 0 : i32
        %parallel_loop3A_129 = arith.addi %parallel_loop3A_123, %parallel_loop3A_128 : i32
        %parallel_loop3A_130 = arith.index_cast %parallel_loop3A_129 : i32 to index
        %parallel_loop3A_131 = tpu.vector_load %arg9[%parallel_loop3A_130] {strides = array<i32>} : memref<40960xf32, #tpu.memory_space<vmem>>, vector<16xf32>,
        tpu.vector_store %arg9[%parallel_loop3A_130], %parallel_loop3A_127 {strides = array<i32>} : memref<40960xf32, #tpu.memory_space<vmem>>, vector<16xf32>,
        %parallel_loop3A_132 = arith.constant 16 : i32
        %parallel_loop3A_133 = arith.addi %parallel_loop3A_119, %parallel_loop3A_132 : i32
        %parallel_loop3A_134 = arith.index_cast %parallel_loop3A_133 : i32 to index
        %parallel_loop3A_135 = tpu.vector_load %arg5[%parallel_loop3A_134] {strides = array<i32>} : memref<1024xf32, #tpu.memory_space<vmem>>, vector<16xf32>,
        %parallel_loop3A_136 = arith.constant 16 : i32
        %parallel_loop3A_137 = arith.addi %parallel_loop3A_123, %parallel_loop3A_136 : i32
        %parallel_loop3A_138 = arith.index_cast %parallel_loop3A_137 : i32 to index
        %parallel_loop3A_139 = tpu.vector_load %arg9[%parallel_loop3A_138] {strides = array<i32>} : memref<40960xf32, #tpu.memory_space<vmem>>, vector<16xf32>,
        tpu.vector_store %arg9[%parallel_loop3A_138], %parallel_loop3A_135 {strides = array<i32>} : memref<40960xf32, #tpu.memory_space<vmem>>, vector<16xf32>,
        %parallel_loop3A_140 = arith.constant 32 : i32
        %parallel_loop3A_141 = arith.addi %parallel_loop3A_119, %parallel_loop3A_140 : i32
        %parallel_loop3A_142 = arith.index_cast %parallel_loop3A_141 : i32 to index
        %parallel_loop3A_143 = tpu.vector_load %arg5[%parallel_loop3A_142] {strides = array<i32>} : memref<1024xf32, #tpu.memory_space<vmem>>, vector<16xf32>,
        %parallel_loop3A_144 = arith.constant 32 : i32
        %parallel_loop3A_145 = arith.addi %parallel_loop3A_123, %parallel_loop3A_144 : i32
        %parallel_loop3A_146 = arith.index_cast %parallel_loop3A_145 : i32 to index
        %parallel_loop3A_147 = tpu.vector_load %arg9[%parallel_loop3A_146] {strides = array<i32>} : memref<40960xf32, #tpu.memory_space<vmem>>, vector<16xf32>,
        tpu.vector_store %arg9[%parallel_loop3A_146], %parallel_loop3A_143 {strides = array<i32>} : memref<40960xf32, #tpu.memory_space<vmem>>, vector<16xf32>,
        %parallel_loop3A_148 = arith.constant 48 : i32
        %parallel_loop3A_149 = arith.addi %parallel_loop3A_119, %parallel_loop3A_148 : i32
        %parallel_loop3A_150 = arith.index_cast %parallel_loop3A_149 : i32 to index
        %parallel_loop3A_151 = tpu.vector_load %arg5[%parallel_loop3A_150] {strides = array<i32>} : memref<1024xf32, #tpu.memory_space<vmem>>, vector<16xf32>,
        %parallel_loop3A_152 = arith.constant 48 : i32
        %parallel_loop3A_153 = arith.addi %parallel_loop3A_123, %parallel_loop3A_152 : i32
        %parallel_loop3A_154 = arith.index_cast %parallel_loop3A_153 : i32 to index
        %parallel_loop3A_155 = tpu.vector_load %arg9[%parallel_loop3A_154] {strides = array<i32>} : memref<40960xf32, #tpu.memory_space<vmem>>, vector<16xf32>,
        tpu.vector_store %arg9[%parallel_loop3A_154], %parallel_loop3A_151 {strides = array<i32>} : memref<40960xf32, #tpu.memory_space<vmem>>, vector<16xf32>,
        %parallel_loop3A_156 = vector.extract_strided_slice %parallel_loop3A_79 {offsets = [2], sizes = [1], strides = [1]} : vector<16xi32> to vector<1xi32>
        %parallel_loop3A_157 = vector.extract %parallel_loop3A_156[0] : i32 from vector<1xi32>
        %parallel_loop3A_158 = arith.constant 2 : i32
        %parallel_loop3A_159 = arith.addi %parallel_loop3A_74, %parallel_loop3A_158 : i32
        %parallel_loop3A_160 = arith.constant 64 : i32
        %parallel_loop3A_161 = arith.muli %parallel_loop3A_159, %parallel_loop3A_160 : i32
        %parallel_loop3A_162 = arith.constant 0 : i32
        %parallel_loop3A_163 = arith.addi %parallel_loop3A_157, %parallel_loop3A_162 : i32
        %parallel_loop3A_164 = arith.index_cast %parallel_loop3A_163 : i32 to index
        %parallel_loop3A_165 = tpu.vector_load %arg5[%parallel_loop3A_164] {strides = array<i32>} : memref<1024xf32, #tpu.memory_space<vmem>>, vector<16xf32>,
        %parallel_loop3A_166 = arith.constant 0 : i32
        %parallel_loop3A_167 = arith.addi %parallel_loop3A_161, %parallel_loop3A_166 : i32
        %parallel_loop3A_168 = arith.index_cast %parallel_loop3A_167 : i32 to index
        %parallel_loop3A_169 = tpu.vector_load %arg9[%parallel_loop3A_168] {strides = array<i32>} : memref<40960xf32, #tpu.memory_space<vmem>>, vector<16xf32>,
        tpu.vector_store %arg9[%parallel_loop3A_168], %parallel_loop3A_165 {strides = array<i32>} : memref<40960xf32, #tpu.memory_space<vmem>>, vector<16xf32>,
        %parallel_loop3A_170 = arith.constant 16 : i32
        %parallel_loop3A_171 = arith.addi %parallel_loop3A_157, %parallel_loop3A_170 : i32
        %parallel_loop3A_172 = arith.index_cast %parallel_loop3A_171 : i32 to index
        %parallel_loop3A_173 = tpu.vector_load %arg5[%parallel_loop3A_172] {strides = array<i32>} : memref<1024xf32, #tpu.memory_space<vmem>>, vector<16xf32>,
        %parallel_loop3A_174 = arith.constant 16 : i32
        %parallel_loop3A_175 = arith.addi %parallel_loop3A_161, %parallel_loop3A_174 : i32
        %parallel_loop3A_176 = arith.index_cast %parallel_loop3A_175 : i32 to index
        %parallel_loop3A_177 = tpu.vector_load %arg9[%parallel_loop3A_176] {strides = array<i32>} : memref<40960xf32, #tpu.memory_space<vmem>>, vector<16xf32>,
        tpu.vector_store %arg9[%parallel_loop3A_176], %parallel_loop3A_173 {strides = array<i32>} : memref<40960xf32, #tpu.memory_space<vmem>>, vector<16xf32>,
        %parallel_loop3A_178 = arith.constant 32 : i32
        %parallel_loop3A_179 = arith.addi %parallel_loop3A_157, %parallel_loop3A_178 : i32
        %parallel_loop3A_180 = arith.index_cast %parallel_loop3A_179 : i32 to index
        %parallel_loop3A_181 = tpu.vector_load %arg5[%parallel_loop3A_180] {strides = array<i32>} : memref<1024xf32, #tpu.memory_space<vmem>>, vector<16xf32>,
        %parallel_loop3A_182 = arith.constant 32 : i32
        %parallel_loop3A_183 = arith.addi %parallel_loop3A_161, %parallel_loop3A_182 : i32
        %parallel_loop3A_184 = arith.index_cast %parallel_loop3A_183 : i32 to index
        %parallel_loop3A_185 = tpu.vector_load %arg9[%parallel_loop3A_184] {strides = array<i32>} : memref<40960xf32, #tpu.memory_space<vmem>>, vector<16xf32>,
        tpu.vector_store %arg9[%parallel_loop3A_184], %parallel_loop3A_181 {strides = array<i32>} : memref<40960xf32, #tpu.memory_space<vmem>>, vector<16xf32>,
        %parallel_loop3A_186 = arith.constant 48 : i32
        %parallel_loop3A_187 = arith.addi %parallel_loop3A_157, %parallel_loop3A_186 : i32
        %parallel_loop3A_188 = arith.index_cast %parallel_loop3A_187 : i32 to index
        %parallel_loop3A_189 = tpu.vector_load %arg5[%parallel_loop3A_188] {strides = array<i32>} : memref<1024xf32, #tpu.memory_space<vmem>>, vector<16xf32>,
        %parallel_loop3A_190 = arith.constant 48 : i32
        %parallel_loop3A_191 = arith.addi %parallel_loop3A_161, %parallel_loop3A_190 : i32
        %parallel_loop3A_192 = arith.index_cast %parallel_loop3A_191 : i32 to index
        %parallel_loop3A_193 = tpu.vector_load %arg9[%parallel_loop3A_192] {strides = array<i32>} : memref<40960xf32, #tpu.memory_space<vmem>>, vector<16xf32>,
        tpu.vector_store %arg9[%parallel_loop3A_192], %parallel_loop3A_189 {strides = array<i32>} : memref<40960xf32, #tpu.memory_space<vmem>>, vector<16xf32>,
        %parallel_loop3A_194 = vector.extract_strided_slice %parallel_loop3A_79 {offsets = [3], sizes = [1], strides = [1]} : vector<16xi32> to vector<1xi32>
        %parallel_loop3A_195 = vector.extract %parallel_loop3A_194[0] : i32 from vector<1xi32>
        %parallel_loop3A_196 = arith.constant 3 : i32
        %parallel_loop3A_197 = arith.addi %parallel_loop3A_74, %parallel_loop3A_196 : i32
        %parallel_loop3A_198 = arith.constant 64 : i32
        %parallel_loop3A_199 = arith.muli %parallel_loop3A_197, %parallel_loop3A_198 : i32
        %parallel_loop3A_200 = arith.constant 0 : i32
        %parallel_loop3A_201 = arith.addi %parallel_loop3A_195, %parallel_loop3A_200 : i32
        %parallel_loop3A_202 = arith.index_cast %parallel_loop3A_201 : i32 to index
        %parallel_loop3A_203 = tpu.vector_load %arg5[%parallel_loop3A_202] {strides = array<i32>} : memref<1024xf32, #tpu.memory_space<vmem>>, vector<16xf32>,
        %parallel_loop3A_204 = arith.constant 0 : i32
        %parallel_loop3A_205 = arith.addi %parallel_loop3A_199, %parallel_loop3A_204 : i32
        %parallel_loop3A_206 = arith.index_cast %parallel_loop3A_205 : i32 to index
        %parallel_loop3A_207 = tpu.vector_load %arg9[%parallel_loop3A_206] {strides = array<i32>} : memref<40960xf32, #tpu.memory_space<vmem>>, vector<16xf32>,
        tpu.vector_store %arg9[%parallel_loop3A_206], %parallel_loop3A_203 {strides = array<i32>} : memref<40960xf32, #tpu.memory_space<vmem>>, vector<16xf32>,
        %parallel_loop3A_208 = arith.constant 16 : i32
        %parallel_loop3A_209 = arith.addi %parallel_loop3A_195, %parallel_loop3A_208 : i32
        %parallel_loop3A_210 = arith.index_cast %parallel_loop3A_209 : i32 to index
        %parallel_loop3A_211 = tpu.vector_load %arg5[%parallel_loop3A_210] {strides = array<i32>} : memref<1024xf32, #tpu.memory_space<vmem>>, vector<16xf32>,
        %parallel_loop3A_212 = arith.constant 16 : i32
        %parallel_loop3A_213 = arith.addi %parallel_loop3A_199, %parallel_loop3A_212 : i32
        %parallel_loop3A_214 = arith.index_cast %parallel_loop3A_213 : i32 to index
        %parallel_loop3A_215 = tpu.vector_load %arg9[%parallel_loop3A_214] {strides = array<i32>} : memref<40960xf32, #tpu.memory_space<vmem>>, vector<16xf32>,
        tpu.vector_store %arg9[%parallel_loop3A_214], %parallel_loop3A_211 {strides = array<i32>} : memref<40960xf32, #tpu.memory_space<vmem>>, vector<16xf32>,
        %parallel_loop3A_216 = arith.constant 32 : i32
        %parallel_loop3A_217 = arith.addi %parallel_loop3A_195, %parallel_loop3A_216 : i32
        %parallel_loop3A_218 = arith.index_cast %parallel_loop3A_217 : i32 to index
        %parallel_loop3A_219 = tpu.vector_load %arg5[%parallel_loop3A_218] {strides = array<i32>} : memref<1024xf32, #tpu.memory_space<vmem>>, vector<16xf32>,
        %parallel_loop3A_220 = arith.constant 32 : i32
        %parallel_loop3A_221 = arith.addi %parallel_loop3A_199, %parallel_loop3A_220 : i32
        %parallel_loop3A_222 = arith.index_cast %parallel_loop3A_221 : i32 to index
        %parallel_loop3A_223 = tpu.vector_load %arg9[%parallel_loop3A_222] {strides = array<i32>} : memref<40960xf32, #tpu.memory_space<vmem>>, vector<16xf32>,
        tpu.vector_store %arg9[%parallel_loop3A_222], %parallel_loop3A_219 {strides = array<i32>} : memref<40960xf32, #tpu.memory_space<vmem>>, vector<16xf32>,
        %parallel_loop3A_224 = arith.constant 48 : i32
        %parallel_loop3A_225 = arith.addi %parallel_loop3A_195, %parallel_loop3A_224 : i32
        %parallel_loop3A_226 = arith.index_cast %parallel_loop3A_225 : i32 to index
        %parallel_loop3A_227 = tpu.vector_load %arg5[%parallel_loop3A_226] {strides = array<i32>} : memref<1024xf32, #tpu.memory_space<vmem>>, vector<16xf32>,
        %parallel_loop3A_228 = arith.constant 48 : i32
        %parallel_loop3A_229 = arith.addi %parallel_loop3A_199, %parallel_loop3A_228 : i32
        %parallel_loop3A_230 = arith.index_cast %parallel_loop3A_229 : i32 to index
        %parallel_loop3A_231 = tpu.vector_load %arg9[%parallel_loop3A_230] {strides = array<i32>} : memref<40960xf32, #tpu.memory_space<vmem>>, vector<16xf32>,
        tpu.vector_store %arg9[%parallel_loop3A_230], %parallel_loop3A_227 {strides = array<i32>} : memref<40960xf32, #tpu.memory_space<vmem>>, vector<16xf32>,
        %parallel_loop3A_232 = vector.extract_strided_slice %parallel_loop3A_79 {offsets = [4], sizes = [1], strides = [1]} : vector<16xi32> to vector<1xi32>
        %parallel_loop3A_233 = vector.extract %parallel_loop3A_232[0] : i32 from vector<1xi32>
        %parallel_loop3A_234 = arith.constant 4 : i32
        %parallel_loop3A_235 = arith.addi %parallel_loop3A_74, %parallel_loop3A_234 : i32
        %parallel_loop3A_236 = arith.constant 64 : i32
        %parallel_loop3A_237 = arith.muli %parallel_loop3A_235, %parallel_loop3A_236 : i32
        %parallel_loop3A_238 = arith.constant 0 : i32
        %parallel_loop3A_239 = arith.addi %parallel_loop3A_233, %parallel_loop3A_238 : i32
        %parallel_loop3A_240 = arith.index_cast %parallel_loop3A_239 : i32 to index
        %parallel_loop3A_241 = tpu.vector_load %arg5[%parallel_loop3A_240] {strides = array<i32>} : memref<1024xf32, #tpu.memory_space<vmem>>, vector<16xf32>,
        %parallel_loop3A_242 = arith.constant 0 : i32
        %parallel_loop3A_243 = arith.addi %parallel_loop3A_237, %parallel_loop3A_242 : i32
        %parallel_loop3A_244 = arith.index_cast %parallel_loop3A_243 : i32 to index
        %parallel_loop3A_245 = tpu.vector_load %arg9[%parallel_loop3A_244] {strides = array<i32>} : memref<40960xf32, #tpu.memory_space<vmem>>, vector<16xf32>,
        tpu.vector_store %arg9[%parallel_loop3A_244], %parallel_loop3A_241 {strides = array<i32>} : memref<40960xf32, #tpu.memory_space<vmem>>, vector<16xf32>,
        %parallel_loop3A_246 = arith.constant 16 : i32
        %parallel_loop3A_247 = arith.addi %parallel_loop3A_233, %parallel_loop3A_246 : i32
        %parallel_loop3A_248 = arith.index_cast %parallel_loop3A_247 : i32 to index
        %parallel_loop3A_249 = tpu.vector_load %arg5[%parallel_loop3A_248] {strides = array<i32>} : memref<1024xf32, #tpu.memory_space<vmem>>, vector<16xf32>,
        %parallel_loop3A_250 = arith.constant 16 : i32
        %parallel_loop3A_251 = arith.addi %parallel_loop3A_237, %parallel_loop3A_250 : i32
        %parallel_loop3A_252 = arith.index_cast %parallel_loop3A_251 : i32 to index
        %parallel_loop3A_253 = tpu.vector_load %arg9[%parallel_loop3A_252] {strides = array<i32>} : memref<40960xf32, #tpu.memory_space<vmem>>, vector<16xf32>,
        tpu.vector_store %arg9[%parallel_loop3A_252], %parallel_loop3A_249 {strides = array<i32>} : memref<40960xf32, #tpu.memory_space<vmem>>, vector<16xf32>,
        %parallel_loop3A_254 = arith.constant 32 : i32
        %parallel_loop3A_255 = arith.addi %parallel_loop3A_233, %parallel_loop3A_254 : i32
        %parallel_loop3A_256 = arith.index_cast %parallel_loop3A_255 : i32 to index
        %parallel_loop3A_257 = tpu.vector_load %arg5[%parallel_loop3A_256] {strides = array<i32>} : memref<1024xf32, #tpu.memory_space<vmem>>, vector<16xf32>,
        %parallel_loop3A_258 = arith.constant 32 : i32
        %parallel_loop3A_259 = arith.addi %parallel_loop3A_237, %parallel_loop3A_258 : i32
        %parallel_loop3A_260 = arith.index_cast %parallel_loop3A_259 : i32 to index
        %parallel_loop3A_261 = tpu.vector_load %arg9[%parallel_loop3A_260] {strides = array<i32>} : memref<40960xf32, #tpu.memory_space<vmem>>, vector<16xf32>,
        tpu.vector_store %arg9[%parallel_loop3A_260], %parallel_loop3A_257 {strides = array<i32>} : memref<40960xf32, #tpu.memory_space<vmem>>, vector<16xf32>,
        %parallel_loop3A_262 = arith.constant 48 : i32
        %parallel_loop3A_263 = arith.addi %parallel_loop3A_233, %parallel_loop3A_262 : i32
        %parallel_loop3A_264 = arith.index_cast %parallel_loop3A_263 : i32 to index
        %parallel_loop3A_265 = tpu.vector_load %arg5[%parallel_loop3A_264] {strides = array<i32>} : memref<1024xf32, #tpu.memory_space<vmem>>, vector<16xf32>,
        %parallel_loop3A_266 = arith.constant 48 : i32
        %parallel_loop3A_267 = arith.addi %parallel_loop3A_237, %parallel_loop3A_266 : i32
        %parallel_loop3A_268 = arith.index_cast %parallel_loop3A_267 : i32 to index
        %parallel_loop3A_269 = tpu.vector_load %arg9[%parallel_loop3A_268] {strides = array<i32>} : memref<40960xf32, #tpu.memory_space<vmem>>, vector<16xf32>,
        tpu.vector_store %arg9[%parallel_loop3A_268], %parallel_loop3A_265 {strides = array<i32>} : memref<40960xf32, #tpu.memory_space<vmem>>, vector<16xf32>,
        %parallel_loop3A_270 = vector.extract_strided_slice %parallel_loop3A_79 {offsets = [5], sizes = [1], strides = [1]} : vector<16xi32> to vector<1xi32>
        %parallel_loop3A_271 = vector.extract %parallel_loop3A_270[0] : i32 from vector<1xi32>
        %parallel_loop3A_272 = arith.constant 5 : i32
        %parallel_loop3A_273 = arith.addi %parallel_loop3A_74, %parallel_loop3A_272 : i32
        %parallel_loop3A_274 = arith.constant 64 : i32
        %parallel_loop3A_275 = arith.muli %parallel_loop3A_273, %parallel_loop3A_274 : i32
        %parallel_loop3A_276 = arith.constant 0 : i32
        %parallel_loop3A_277 = arith.addi %parallel_loop3A_271, %parallel_loop3A_276 : i32
        %parallel_loop3A_278 = arith.index_cast %parallel_loop3A_277 : i32 to index
        %parallel_loop3A_279 = tpu.vector_load %arg5[%parallel_loop3A_278] {strides = array<i32>} : memref<1024xf32, #tpu.memory_space<vmem>>, vector<16xf32>,
        %parallel_loop3A_280 = arith.constant 0 : i32
        %parallel_loop3A_281 = arith.addi %parallel_loop3A_275, %parallel_loop3A_280 : i32
        %parallel_loop3A_282 = arith.index_cast %parallel_loop3A_281 : i32 to index
        %parallel_loop3A_283 = tpu.vector_load %arg9[%parallel_loop3A_282] {strides = array<i32>} : memref<40960xf32, #tpu.memory_space<vmem>>, vector<16xf32>,
        tpu.vector_store %arg9[%parallel_loop3A_282], %parallel_loop3A_279 {strides = array<i32>} : memref<40960xf32, #tpu.memory_space<vmem>>, vector<16xf32>,
        %parallel_loop3A_284 = arith.constant 16 : i32
        %parallel_loop3A_285 = arith.addi %parallel_loop3A_271, %parallel_loop3A_284 : i32
        %parallel_loop3A_286 = arith.index_cast %parallel_loop3A_285 : i32 to index
        %parallel_loop3A_287 = tpu.vector_load %arg5[%parallel_loop3A_286] {strides = array<i32>} : memref<1024xf32, #tpu.memory_space<vmem>>, vector<16xf32>,
        %parallel_loop3A_288 = arith.constant 16 : i32
        %parallel_loop3A_289 = arith.addi %parallel_loop3A_275, %parallel_loop3A_288 : i32
        %parallel_loop3A_290 = arith.index_cast %parallel_loop3A_289 : i32 to index
        %parallel_loop3A_291 = tpu.vector_load %arg9[%parallel_loop3A_290] {strides = array<i32>} : memref<40960xf32, #tpu.memory_space<vmem>>, vector<16xf32>,
        tpu.vector_store %arg9[%parallel_loop3A_290], %parallel_loop3A_287 {strides = array<i32>} : memref<40960xf32, #tpu.memory_space<vmem>>, vector<16xf32>,
        %parallel_loop3A_292 = arith.constant 32 : i32
        %parallel_loop3A_293 = arith.addi %parallel_loop3A_271, %parallel_loop3A_292 : i32
        %parallel_loop3A_294 = arith.index_cast %parallel_loop3A_293 : i32 to index
        %parallel_loop3A_295 = tpu.vector_load %arg5[%parallel_loop3A_294] {strides = array<i32>} : memref<1024xf32, #tpu.memory_space<vmem>>, vector<16xf32>,
        %parallel_loop3A_296 = arith.constant 32 : i32
        %parallel_loop3A_297 = arith.addi %parallel_loop3A_275, %parallel_loop3A_296 : i32
        %parallel_loop3A_298 = arith.index_cast %parallel_loop3A_297 : i32 to index
        %parallel_loop3A_299 = tpu.vector_load %arg9[%parallel_loop3A_298] {strides = array<i32>} : memref<40960xf32, #tpu.memory_space<vmem>>, vector<16xf32>,
        tpu.vector_store %arg9[%parallel_loop3A_298], %parallel_loop3A_295 {strides = array<i32>} : memref<40960xf32, #tpu.memory_space<vmem>>, vector<16xf32>,
        %parallel_loop3A_300 = arith.constant 48 : i32
        %parallel_loop3A_301 = arith.addi %parallel_loop3A_271, %parallel_loop3A_300 : i32
        %parallel_loop3A_302 = arith.index_cast %parallel_loop3A_301 : i32 to index
        %parallel_loop3A_303 = tpu.vector_load %arg5[%parallel_loop3A_302] {strides = array<i32>} : memref<1024xf32, #tpu.memory_space<vmem>>, vector<16xf32>,
        %parallel_loop3A_304 = arith.constant 48 : i32
        %parallel_loop3A_305 = arith.addi %parallel_loop3A_275, %parallel_loop3A_304 : i32
        %parallel_loop3A_306 = arith.index_cast %parallel_loop3A_305 : i32 to index
        %parallel_loop3A_307 = tpu.vector_load %arg9[%parallel_loop3A_306] {strides = array<i32>} : memref<40960xf32, #tpu.memory_space<vmem>>, vector<16xf32>,
        tpu.vector_store %arg9[%parallel_loop3A_306], %parallel_loop3A_303 {strides = array<i32>} : memref<40960xf32, #tpu.memory_space<vmem>>, vector<16xf32>,
        %parallel_loop3A_308 = vector.extract_strided_slice %parallel_loop3A_79 {offsets = [6], sizes = [1], strides = [1]} : vector<16xi32> to vector<1xi32>
        %parallel_loop3A_309 = vector.extract %parallel_loop3A_308[0] : i32 from vector<1xi32>
        %parallel_loop3A_310 = arith.constant 6 : i32
        %parallel_loop3A_311 = arith.addi %parallel_loop3A_74, %parallel_loop3A_310 : i32
        %parallel_loop3A_312 = arith.constant 64 : i32
        %parallel_loop3A_313 = arith.muli %parallel_loop3A_311, %parallel_loop3A_312 : i32
        %parallel_loop3A_314 = arith.constant 0 : i32
        %parallel_loop3A_315 = arith.addi %parallel_loop3A_309, %parallel_loop3A_314 : i32
        %parallel_loop3A_316 = arith.index_cast %parallel_loop3A_315 : i32 to index
        %parallel_loop3A_317 = tpu.vector_load %arg5[%parallel_loop3A_316] {strides = array<i32>} : memref<1024xf32, #tpu.memory_space<vmem>>, vector<16xf32>,
        %parallel_loop3A_318 = arith.constant 0 : i32
        %parallel_loop3A_319 = arith.addi %parallel_loop3A_313, %parallel_loop3A_318 : i32
        %parallel_loop3A_320 = arith.index_cast %parallel_loop3A_319 : i32 to index
        %parallel_loop3A_321 = tpu.vector_load %arg9[%parallel_loop3A_320] {strides = array<i32>} : memref<40960xf32, #tpu.memory_space<vmem>>, vector<16xf32>,
        tpu.vector_store %arg9[%parallel_loop3A_320], %parallel_loop3A_317 {strides = array<i32>} : memref<40960xf32, #tpu.memory_space<vmem>>, vector<16xf32>,
        %parallel_loop3A_322 = arith.constant 16 : i32
        %parallel_loop3A_323 = arith.addi %parallel_loop3A_309, %parallel_loop3A_322 : i32
        %parallel_loop3A_324 = arith.index_cast %parallel_loop3A_323 : i32 to index
        %parallel_loop3A_325 = tpu.vector_load %arg5[%parallel_loop3A_324] {strides = array<i32>} : memref<1024xf32, #tpu.memory_space<vmem>>, vector<16xf32>,
        %parallel_loop3A_326 = arith.constant 16 : i32
        %parallel_loop3A_327 = arith.addi %parallel_loop3A_313, %parallel_loop3A_326 : i32
        %parallel_loop3A_328 = arith.index_cast %parallel_loop3A_327 : i32 to index
        %parallel_loop3A_329 = tpu.vector_load %arg9[%parallel_loop3A_328] {strides = array<i32>} : memref<40960xf32, #tpu.memory_space<vmem>>, vector<16xf32>,
        tpu.vector_store %arg9[%parallel_loop3A_328], %parallel_loop3A_325 {strides = array<i32>} : memref<40960xf32, #tpu.memory_space<vmem>>, vector<16xf32>,
        %parallel_loop3A_330 = arith.constant 32 : i32
        %parallel_loop3A_331 = arith.addi %parallel_loop3A_309, %parallel_loop3A_330 : i32
        %parallel_loop3A_332 = arith.index_cast %parallel_loop3A_331 : i32 to index
        %parallel_loop3A_333 = tpu.vector_load %arg5[%parallel_loop3A_332] {strides = array<i32>} : memref<1024xf32, #tpu.memory_space<vmem>>, vector<16xf32>,
        %parallel_loop3A_334 = arith.constant 32 : i32
        %parallel_loop3A_335 = arith.addi %parallel_loop3A_313, %parallel_loop3A_334 : i32
        %parallel_loop3A_336 = arith.index_cast %parallel_loop3A_335 : i32 to index
        %parallel_loop3A_337 = tpu.vector_load %arg9[%parallel_loop3A_336] {strides = array<i32>} : memref<40960xf32, #tpu.memory_space<vmem>>, vector<16xf32>,
        tpu.vector_store %arg9[%parallel_loop3A_336], %parallel_loop3A_333 {strides = array<i32>} : memref<40960xf32, #tpu.memory_space<vmem>>, vector<16xf32>,
        %parallel_loop3A_338 = arith.constant 48 : i32
        %parallel_loop3A_339 = arith.addi %parallel_loop3A_309, %parallel_loop3A_338 : i32
        %parallel_loop3A_340 = arith.index_cast %parallel_loop3A_339 : i32 to index
        %parallel_loop3A_341 = tpu.vector_load %arg5[%parallel_loop3A_340] {strides = array<i32>} : memref<1024xf32, #tpu.memory_space<vmem>>, vector<16xf32>,
        %parallel_loop3A_342 = arith.constant 48 : i32
        %parallel_loop3A_343 = arith.addi %parallel_loop3A_313, %parallel_loop3A_342 : i32
        %parallel_loop3A_344 = arith.index_cast %parallel_loop3A_343 : i32 to index
        %parallel_loop3A_345 = tpu.vector_load %arg9[%parallel_loop3A_344] {strides = array<i32>} : memref<40960xf32, #tpu.memory_space<vmem>>, vector<16xf32>,
        tpu.vector_store %arg9[%parallel_loop3A_344], %parallel_loop3A_341 {strides = array<i32>} : memref<40960xf32, #tpu.memory_space<vmem>>, vector<16xf32>,
        %parallel_loop3A_346 = vector.extract_strided_slice %parallel_loop3A_79 {offsets = [7], sizes = [1], strides = [1]} : vector<16xi32> to vector<1xi32>
        %parallel_loop3A_347 = vector.extract %parallel_loop3A_346[0] : i32 from vector<1xi32>
        %parallel_loop3A_348 = arith.constant 7 : i32
        %parallel_loop3A_349 = arith.addi %parallel_loop3A_74, %parallel_loop3A_348 : i32
        %parallel_loop3A_350 = arith.constant 64 : i32
        %parallel_loop3A_351 = arith.muli %parallel_loop3A_349, %parallel_loop3A_350 : i32
        %parallel_loop3A_352 = arith.constant 0 : i32
        %parallel_loop3A_353 = arith.addi %parallel_loop3A_347, %parallel_loop3A_352 : i32
        %parallel_loop3A_354 = arith.index_cast %parallel_loop3A_353 : i32 to index
        %parallel_loop3A_355 = tpu.vector_load %arg5[%parallel_loop3A_354] {strides = array<i32>} : memref<1024xf32, #tpu.memory_space<vmem>>, vector<16xf32>,
        %parallel_loop3A_356 = arith.constant 0 : i32
        %parallel_loop3A_357 = arith.addi %parallel_loop3A_351, %parallel_loop3A_356 : i32
        %parallel_loop3A_358 = arith.index_cast %parallel_loop3A_357 : i32 to index
        %parallel_loop3A_359 = tpu.vector_load %arg9[%parallel_loop3A_358] {strides = array<i32>} : memref<40960xf32, #tpu.memory_space<vmem>>, vector<16xf32>,
        tpu.vector_store %arg9[%parallel_loop3A_358], %parallel_loop3A_355 {strides = array<i32>} : memref<40960xf32, #tpu.memory_space<vmem>>, vector<16xf32>,
        %parallel_loop3A_360 = arith.constant 16 : i32
        %parallel_loop3A_361 = arith.addi %parallel_loop3A_347, %parallel_loop3A_360 : i32
        %parallel_loop3A_362 = arith.index_cast %parallel_loop3A_361 : i32 to index
        %parallel_loop3A_363 = tpu.vector_load %arg5[%parallel_loop3A_362] {strides = array<i32>} : memref<1024xf32, #tpu.memory_space<vmem>>, vector<16xf32>,
        %parallel_loop3A_364 = arith.constant 16 : i32
        %parallel_loop3A_365 = arith.addi %parallel_loop3A_351, %parallel_loop3A_364 : i32
        %parallel_loop3A_366 = arith.index_cast %parallel_loop3A_365 : i32 to index
        %parallel_loop3A_367 = tpu.vector_load %arg9[%parallel_loop3A_366] {strides = array<i32>} : memref<40960xf32, #tpu.memory_space<vmem>>, vector<16xf32>,
        tpu.vector_store %arg9[%parallel_loop3A_366], %parallel_loop3A_363 {strides = array<i32>} : memref<40960xf32, #tpu.memory_space<vmem>>, vector<16xf32>,
        %parallel_loop3A_368 = arith.constant 32 : i32
        %parallel_loop3A_369 = arith.addi %parallel_loop3A_347, %parallel_loop3A_368 : i32
        %parallel_loop3A_370 = arith.index_cast %parallel_loop3A_369 : i32 to index
        %parallel_loop3A_371 = tpu.vector_load %arg5[%parallel_loop3A_370] {strides = array<i32>} : memref<1024xf32, #tpu.memory_space<vmem>>, vector<16xf32>,
        %parallel_loop3A_372 = arith.constant 32 : i32
        %parallel_loop3A_373 = arith.addi %parallel_loop3A_351, %parallel_loop3A_372 : i32
        %parallel_loop3A_374 = arith.index_cast %parallel_loop3A_373 : i32 to index
        %parallel_loop3A_375 = tpu.vector_load %arg9[%parallel_loop3A_374] {strides = array<i32>} : memref<40960xf32, #tpu.memory_space<vmem>>, vector<16xf32>,
        tpu.vector_store %arg9[%parallel_loop3A_374], %parallel_loop3A_371 {strides = array<i32>} : memref<40960xf32, #tpu.memory_space<vmem>>, vector<16xf32>,
        %parallel_loop3A_376 = arith.constant 48 : i32
        %parallel_loop3A_377 = arith.addi %parallel_loop3A_347, %parallel_loop3A_376 : i32
        %parallel_loop3A_378 = arith.index_cast %parallel_loop3A_377 : i32 to index
        %parallel_loop3A_379 = tpu.vector_load %arg5[%parallel_loop3A_378] {strides = array<i32>} : memref<1024xf32, #tpu.memory_space<vmem>>, vector<16xf32>,
        %parallel_loop3A_380 = arith.constant 48 : i32
        %parallel_loop3A_381 = arith.addi %parallel_loop3A_351, %parallel_loop3A_380 : i32
        %parallel_loop3A_382 = arith.index_cast %parallel_loop3A_381 : i32 to index
        %parallel_loop3A_383 = tpu.vector_load %arg9[%parallel_loop3A_382] {strides = array<i32>} : memref<40960xf32, #tpu.memory_space<vmem>>, vector<16xf32>,
        tpu.vector_store %arg9[%parallel_loop3A_382], %parallel_loop3A_379 {strides = array<i32>} : memref<40960xf32, #tpu.memory_space<vmem>>, vector<16xf32>,
        %parallel_loop3A_384 = vector.extract_strided_slice %parallel_loop3A_79 {offsets = [8], sizes = [1], strides = [1]} : vector<16xi32> to vector<1xi32>
        %parallel_loop3A_385 = vector.extract %parallel_loop3A_384[0] : i32 from vector<1xi32>
        %parallel_loop3A_386 = arith.constant 8 : i32
        %parallel_loop3A_387 = arith.addi %parallel_loop3A_74, %parallel_loop3A_386 : i32
        %parallel_loop3A_388 = arith.constant 64 : i32
        %parallel_loop3A_389 = arith.muli %parallel_loop3A_387, %parallel_loop3A_388 : i32
        %parallel_loop3A_390 = arith.constant 0 : i32
        %parallel_loop3A_391 = arith.addi %parallel_loop3A_385, %parallel_loop3A_390 : i32
        %parallel_loop3A_392 = arith.index_cast %parallel_loop3A_391 : i32 to index
        %parallel_loop3A_393 = tpu.vector_load %arg5[%parallel_loop3A_392] {strides = array<i32>} : memref<1024xf32, #tpu.memory_space<vmem>>, vector<16xf32>,
        %parallel_loop3A_394 = arith.constant 0 : i32
        %parallel_loop3A_395 = arith.addi %parallel_loop3A_389, %parallel_loop3A_394 : i32
        %parallel_loop3A_396 = arith.index_cast %parallel_loop3A_395 : i32 to index
        %parallel_loop3A_397 = tpu.vector_load %arg9[%parallel_loop3A_396] {strides = array<i32>} : memref<40960xf32, #tpu.memory_space<vmem>>, vector<16xf32>,
        tpu.vector_store %arg9[%parallel_loop3A_396], %parallel_loop3A_393 {strides = array<i32>} : memref<40960xf32, #tpu.memory_space<vmem>>, vector<16xf32>,
        %parallel_loop3A_398 = arith.constant 16 : i32
        %parallel_loop3A_399 = arith.addi %parallel_loop3A_385, %parallel_loop3A_398 : i32
        %parallel_loop3A_400 = arith.index_cast %parallel_loop3A_399 : i32 to index
        %parallel_loop3A_401 = tpu.vector_load %arg5[%parallel_loop3A_400] {strides = array<i32>} : memref<1024xf32, #tpu.memory_space<vmem>>, vector<16xf32>,
        %parallel_loop3A_402 = arith.constant 16 : i32
        %parallel_loop3A_403 = arith.addi %parallel_loop3A_389, %parallel_loop3A_402 : i32
        %parallel_loop3A_404 = arith.index_cast %parallel_loop3A_403 : i32 to index
        %parallel_loop3A_405 = tpu.vector_load %arg9[%parallel_loop3A_404] {strides = array<i32>} : memref<40960xf32, #tpu.memory_space<vmem>>, vector<16xf32>,
        tpu.vector_store %arg9[%parallel_loop3A_404], %parallel_loop3A_401 {strides = array<i32>} : memref<40960xf32, #tpu.memory_space<vmem>>, vector<16xf32>,
        %parallel_loop3A_406 = arith.constant 32 : i32
        %parallel_loop3A_407 = arith.addi %parallel_loop3A_385, %parallel_loop3A_406 : i32
        %parallel_loop3A_408 = arith.index_cast %parallel_loop3A_407 : i32 to index
        %parallel_loop3A_409 = tpu.vector_load %arg5[%parallel_loop3A_408] {strides = array<i32>} : memref<1024xf32, #tpu.memory_space<vmem>>, vector<16xf32>,
        %parallel_loop3A_410 = arith.constant 32 : i32
        %parallel_loop3A_411 = arith.addi %parallel_loop3A_389, %parallel_loop3A_410 : i32
        %parallel_loop3A_412 = arith.index_cast %parallel_loop3A_411 : i32 to index
        %parallel_loop3A_413 = tpu.vector_load %arg9[%parallel_loop3A_412] {strides = array<i32>} : memref<40960xf32, #tpu.memory_space<vmem>>, vector<16xf32>,
        tpu.vector_store %arg9[%parallel_loop3A_412], %parallel_loop3A_409 {strides = array<i32>} : memref<40960xf32, #tpu.memory_space<vmem>>, vector<16xf32>,
        %parallel_loop3A_414 = arith.constant 48 : i32
        %parallel_loop3A_415 = arith.addi %parallel_loop3A_385, %parallel_loop3A_414 : i32
        %parallel_loop3A_416 = arith.index_cast %parallel_loop3A_415 : i32 to index
        %parallel_loop3A_417 = tpu.vector_load %arg5[%parallel_loop3A_416] {strides = array<i32>} : memref<1024xf32, #tpu.memory_space<vmem>>, vector<16xf32>,
        %parallel_loop3A_418 = arith.constant 48 : i32
        %parallel_loop3A_419 = arith.addi %parallel_loop3A_389, %parallel_loop3A_418 : i32
        %parallel_loop3A_420 = arith.index_cast %parallel_loop3A_419 : i32 to index
        %parallel_loop3A_421 = tpu.vector_load %arg9[%parallel_loop3A_420] {strides = array<i32>} : memref<40960xf32, #tpu.memory_space<vmem>>, vector<16xf32>,
        tpu.vector_store %arg9[%parallel_loop3A_420], %parallel_loop3A_417 {strides = array<i32>} : memref<40960xf32, #tpu.memory_space<vmem>>, vector<16xf32>,
        %parallel_loop3A_422 = vector.extract_strided_slice %parallel_loop3A_79 {offsets = [9], sizes = [1], strides = [1]} : vector<16xi32> to vector<1xi32>
        %parallel_loop3A_423 = vector.extract %parallel_loop3A_422[0] : i32 from vector<1xi32>
        %parallel_loop3A_424 = arith.constant 9 : i32
        %parallel_loop3A_425 = arith.addi %parallel_loop3A_74, %parallel_loop3A_424 : i32
        %parallel_loop3A_426 = arith.constant 64 : i32
        %parallel_loop3A_427 = arith.muli %parallel_loop3A_425, %parallel_loop3A_426 : i32
        %parallel_loop3A_428 = arith.constant 0 : i32
        %parallel_loop3A_429 = arith.addi %parallel_loop3A_423, %parallel_loop3A_428 : i32
        %parallel_loop3A_430 = arith.index_cast %parallel_loop3A_429 : i32 to index
        %parallel_loop3A_431 = tpu.vector_load %arg5[%parallel_loop3A_430] {strides = array<i32>} : memref<1024xf32, #tpu.memory_space<vmem>>, vector<16xf32>,
        %parallel_loop3A_432 = arith.constant 0 : i32
        %parallel_loop3A_433 = arith.addi %parallel_loop3A_427, %parallel_loop3A_432 : i32
        %parallel_loop3A_434 = arith.index_cast %parallel_loop3A_433 : i32 to index
        %parallel_loop3A_435 = tpu.vector_load %arg9[%parallel_loop3A_434] {strides = array<i32>} : memref<40960xf32, #tpu.memory_space<vmem>>, vector<16xf32>,
        tpu.vector_store %arg9[%parallel_loop3A_434], %parallel_loop3A_431 {strides = array<i32>} : memref<40960xf32, #tpu.memory_space<vmem>>, vector<16xf32>,
        %parallel_loop3A_436 = arith.constant 16 : i32
        %parallel_loop3A_437 = arith.addi %parallel_loop3A_423, %parallel_loop3A_436 : i32
        %parallel_loop3A_438 = arith.index_cast %parallel_loop3A_437 : i32 to index
        %parallel_loop3A_439 = tpu.vector_load %arg5[%parallel_loop3A_438] {strides = array<i32>} : memref<1024xf32, #tpu.memory_space<vmem>>, vector<16xf32>,
        %parallel_loop3A_440 = arith.constant 16 : i32
        %parallel_loop3A_441 = arith.addi %parallel_loop3A_427, %parallel_loop3A_440 : i32
        %parallel_loop3A_442 = arith.index_cast %parallel_loop3A_441 : i32 to index
        %parallel_loop3A_443 = tpu.vector_load %arg9[%parallel_loop3A_442] {strides = array<i32>} : memref<40960xf32, #tpu.memory_space<vmem>>, vector<16xf32>,
        tpu.vector_store %arg9[%parallel_loop3A_442], %parallel_loop3A_439 {strides = array<i32>} : memref<40960xf32, #tpu.memory_space<vmem>>, vector<16xf32>,
        %parallel_loop3A_444 = arith.constant 32 : i32
        %parallel_loop3A_445 = arith.addi %parallel_loop3A_423, %parallel_loop3A_444 : i32
        %parallel_loop3A_446 = arith.index_cast %parallel_loop3A_445 : i32 to index
        %parallel_loop3A_447 = tpu.vector_load %arg5[%parallel_loop3A_446] {strides = array<i32>} : memref<1024xf32, #tpu.memory_space<vmem>>, vector<16xf32>,
        %parallel_loop3A_448 = arith.constant 32 : i32
        %parallel_loop3A_449 = arith.addi %parallel_loop3A_427, %parallel_loop3A_448 : i32
        %parallel_loop3A_450 = arith.index_cast %parallel_loop3A_449 : i32 to index
        %parallel_loop3A_451 = tpu.vector_load %arg9[%parallel_loop3A_450] {strides = array<i32>} : memref<40960xf32, #tpu.memory_space<vmem>>, vector<16xf32>,
        tpu.vector_store %arg9[%parallel_loop3A_450], %parallel_loop3A_447 {strides = array<i32>} : memref<40960xf32, #tpu.memory_space<vmem>>, vector<16xf32>,
        %parallel_loop3A_452 = arith.constant 48 : i32
        %parallel_loop3A_453 = arith.addi %parallel_loop3A_423, %parallel_loop3A_452 : i32
        %parallel_loop3A_454 = arith.index_cast %parallel_loop3A_453 : i32 to index
        %parallel_loop3A_455 = tpu.vector_load %arg5[%parallel_loop3A_454] {strides = array<i32>} : memref<1024xf32, #tpu.memory_space<vmem>>, vector<16xf32>,
        %parallel_loop3A_456 = arith.constant 48 : i32
        %parallel_loop3A_457 = arith.addi %parallel_loop3A_427, %parallel_loop3A_456 : i32
        %parallel_loop3A_458 = arith.index_cast %parallel_loop3A_457 : i32 to index
        %parallel_loop3A_459 = tpu.vector_load %arg9[%parallel_loop3A_458] {strides = array<i32>} : memref<40960xf32, #tpu.memory_space<vmem>>, vector<16xf32>,
        tpu.vector_store %arg9[%parallel_loop3A_458], %parallel_loop3A_455 {strides = array<i32>} : memref<40960xf32, #tpu.memory_space<vmem>>, vector<16xf32>,
        %parallel_loop3A_460 = vector.extract_strided_slice %parallel_loop3A_79 {offsets = [10], sizes = [1], strides = [1]} : vector<16xi32> to vector<1xi32>
        %parallel_loop3A_461 = vector.extract %parallel_loop3A_460[0] : i32 from vector<1xi32>
        %parallel_loop3A_462 = arith.constant 10 : i32
        %parallel_loop3A_463 = arith.addi %parallel_loop3A_74, %parallel_loop3A_462 : i32
        %parallel_loop3A_464 = arith.constant 64 : i32
        %parallel_loop3A_465 = arith.muli %parallel_loop3A_463, %parallel_loop3A_464 : i32
        %parallel_loop3A_466 = arith.constant 0 : i32
        %parallel_loop3A_467 = arith.addi %parallel_loop3A_461, %parallel_loop3A_466 : i32
        %parallel_loop3A_468 = arith.index_cast %parallel_loop3A_467 : i32 to index
        %parallel_loop3A_469 = tpu.vector_load %arg5[%parallel_loop3A_468] {strides = array<i32>} : memref<1024xf32, #tpu.memory_space<vmem>>, vector<16xf32>,
        %parallel_loop3A_470 = arith.constant 0 : i32
        %parallel_loop3A_471 = arith.addi %parallel_loop3A_465, %parallel_loop3A_470 : i32
        %parallel_loop3A_472 = arith.index_cast %parallel_loop3A_471 : i32 to index
        %parallel_loop3A_473 = tpu.vector_load %arg9[%parallel_loop3A_472] {strides = array<i32>} : memref<40960xf32, #tpu.memory_space<vmem>>, vector<16xf32>,
        tpu.vector_store %arg9[%parallel_loop3A_472], %parallel_loop3A_469 {strides = array<i32>} : memref<40960xf32, #tpu.memory_space<vmem>>, vector<16xf32>,
        %parallel_loop3A_474 = arith.constant 16 : i32
        %parallel_loop3A_475 = arith.addi %parallel_loop3A_461, %parallel_loop3A_474 : i32
        %parallel_loop3A_476 = arith.index_cast %parallel_loop3A_475 : i32 to index
        %parallel_loop3A_477 = tpu.vector_load %arg5[%parallel_loop3A_476] {strides = array<i32>} : memref<1024xf32, #tpu.memory_space<vmem>>, vector<16xf32>,
        %parallel_loop3A_478 = arith.constant 16 : i32
        %parallel_loop3A_479 = arith.addi %parallel_loop3A_465, %parallel_loop3A_478 : i32
        %parallel_loop3A_480 = arith.index_cast %parallel_loop3A_479 : i32 to index
        %parallel_loop3A_481 = tpu.vector_load %arg9[%parallel_loop3A_480] {strides = array<i32>} : memref<40960xf32, #tpu.memory_space<vmem>>, vector<16xf32>,
        tpu.vector_store %arg9[%parallel_loop3A_480], %parallel_loop3A_477 {strides = array<i32>} : memref<40960xf32, #tpu.memory_space<vmem>>, vector<16xf32>,
        %parallel_loop3A_482 = arith.constant 32 : i32
        %parallel_loop3A_483 = arith.addi %parallel_loop3A_461, %parallel_loop3A_482 : i32
        %parallel_loop3A_484 = arith.index_cast %parallel_loop3A_483 : i32 to index
        %parallel_loop3A_485 = tpu.vector_load %arg5[%parallel_loop3A_484] {strides = array<i32>} : memref<1024xf32, #tpu.memory_space<vmem>>, vector<16xf32>,
        %parallel_loop3A_486 = arith.constant 32 : i32
        %parallel_loop3A_487 = arith.addi %parallel_loop3A_465, %parallel_loop3A_486 : i32
        %parallel_loop3A_488 = arith.index_cast %parallel_loop3A_487 : i32 to index
        %parallel_loop3A_489 = tpu.vector_load %arg9[%parallel_loop3A_488] {strides = array<i32>} : memref<40960xf32, #tpu.memory_space<vmem>>, vector<16xf32>,
        tpu.vector_store %arg9[%parallel_loop3A_488], %parallel_loop3A_485 {strides = array<i32>} : memref<40960xf32, #tpu.memory_space<vmem>>, vector<16xf32>,
        %parallel_loop3A_490 = arith.constant 48 : i32
        %parallel_loop3A_491 = arith.addi %parallel_loop3A_461, %parallel_loop3A_490 : i32
        %parallel_loop3A_492 = arith.index_cast %parallel_loop3A_491 : i32 to index
        %parallel_loop3A_493 = tpu.vector_load %arg5[%parallel_loop3A_492] {strides = array<i32>} : memref<1024xf32, #tpu.memory_space<vmem>>, vector<16xf32>,
        %parallel_loop3A_494 = arith.constant 48 : i32
        %parallel_loop3A_495 = arith.addi %parallel_loop3A_465, %parallel_loop3A_494 : i32
        %parallel_loop3A_496 = arith.index_cast %parallel_loop3A_495 : i32 to index
        %parallel_loop3A_497 = tpu.vector_load %arg9[%parallel_loop3A_496] {strides = array<i32>} : memref<40960xf32, #tpu.memory_space<vmem>>, vector<16xf32>,
        tpu.vector_store %arg9[%parallel_loop3A_496], %parallel_loop3A_493 {strides = array<i32>} : memref<40960xf32, #tpu.memory_space<vmem>>, vector<16xf32>,
        %parallel_loop3A_498 = vector.extract_strided_slice %parallel_loop3A_79 {offsets = [11], sizes = [1], strides = [1]} : vector<16xi32> to vector<1xi32>
        %parallel_loop3A_499 = vector.extract %parallel_loop3A_498[0] : i32 from vector<1xi32>
        %parallel_loop3A_500 = arith.constant 11 : i32
        %parallel_loop3A_501 = arith.addi %parallel_loop3A_74, %parallel_loop3A_500 : i32
        %parallel_loop3A_502 = arith.constant 64 : i32
        %parallel_loop3A_503 = arith.muli %parallel_loop3A_501, %parallel_loop3A_502 : i32
        %parallel_loop3A_504 = arith.constant 0 : i32
        %parallel_loop3A_505 = arith.addi %parallel_loop3A_499, %parallel_loop3A_504 : i32
        %parallel_loop3A_506 = arith.index_cast %parallel_loop3A_505 : i32 to index
        %parallel_loop3A_507 = tpu.vector_load %arg5[%parallel_loop3A_506] {strides = array<i32>} : memref<1024xf32, #tpu.memory_space<vmem>>, vector<16xf32>,
        %parallel_loop3A_508 = arith.constant 0 : i32
        %parallel_loop3A_509 = arith.addi %parallel_loop3A_503, %parallel_loop3A_508 : i32
        %parallel_loop3A_510 = arith.index_cast %parallel_loop3A_509 : i32 to index
        %parallel_loop3A_511 = tpu.vector_load %arg9[%parallel_loop3A_510] {strides = array<i32>} : memref<40960xf32, #tpu.memory_space<vmem>>, vector<16xf32>,
        tpu.vector_store %arg9[%parallel_loop3A_510], %parallel_loop3A_507 {strides = array<i32>} : memref<40960xf32, #tpu.memory_space<vmem>>, vector<16xf32>,
        %parallel_loop3A_512 = arith.constant 16 : i32
        %parallel_loop3A_513 = arith.addi %parallel_loop3A_499, %parallel_loop3A_512 : i32
        %parallel_loop3A_514 = arith.index_cast %parallel_loop3A_513 : i32 to index
        %parallel_loop3A_515 = tpu.vector_load %arg5[%parallel_loop3A_514] {strides = array<i32>} : memref<1024xf32, #tpu.memory_space<vmem>>, vector<16xf32>,
        %parallel_loop3A_516 = arith.constant 16 : i32
        %parallel_loop3A_517 = arith.addi %parallel_loop3A_503, %parallel_loop3A_516 : i32
        %parallel_loop3A_518 = arith.index_cast %parallel_loop3A_517 : i32 to index
        %parallel_loop3A_519 = tpu.vector_load %arg9[%parallel_loop3A_518] {strides = array<i32>} : memref<40960xf32, #tpu.memory_space<vmem>>, vector<16xf32>,
        tpu.vector_store %arg9[%parallel_loop3A_518], %parallel_loop3A_515 {strides = array<i32>} : memref<40960xf32, #tpu.memory_space<vmem>>, vector<16xf32>,
        %parallel_loop3A_520 = arith.constant 32 : i32
        %parallel_loop3A_521 = arith.addi %parallel_loop3A_499, %parallel_loop3A_520 : i32
        %parallel_loop3A_522 = arith.index_cast %parallel_loop3A_521 : i32 to index
        %parallel_loop3A_523 = tpu.vector_load %arg5[%parallel_loop3A_522] {strides = array<i32>} : memref<1024xf32, #tpu.memory_space<vmem>>, vector<16xf32>,
        %parallel_loop3A_524 = arith.constant 32 : i32
        %parallel_loop3A_525 = arith.addi %parallel_loop3A_503, %parallel_loop3A_524 : i32
        %parallel_loop3A_526 = arith.index_cast %parallel_loop3A_525 : i32 to index
        %parallel_loop3A_527 = tpu.vector_load %arg9[%parallel_loop3A_526] {strides = array<i32>} : memref<40960xf32, #tpu.memory_space<vmem>>, vector<16xf32>,
        tpu.vector_store %arg9[%parallel_loop3A_526], %parallel_loop3A_523 {strides = array<i32>} : memref<40960xf32, #tpu.memory_space<vmem>>, vector<16xf32>,
        %parallel_loop3A_528 = arith.constant 48 : i32
        %parallel_loop3A_529 = arith.addi %parallel_loop3A_499, %parallel_loop3A_528 : i32
        %parallel_loop3A_530 = arith.index_cast %parallel_loop3A_529 : i32 to index
        %parallel_loop3A_531 = tpu.vector_load %arg5[%parallel_loop3A_530] {strides = array<i32>} : memref<1024xf32, #tpu.memory_space<vmem>>, vector<16xf32>,
        %parallel_loop3A_532 = arith.constant 48 : i32
        %parallel_loop3A_533 = arith.addi %parallel_loop3A_503, %parallel_loop3A_532 : i32
        %parallel_loop3A_534 = arith.index_cast %parallel_loop3A_533 : i32 to index
        %parallel_loop3A_535 = tpu.vector_load %arg9[%parallel_loop3A_534] {strides = array<i32>} : memref<40960xf32, #tpu.memory_space<vmem>>, vector<16xf32>,
        tpu.vector_store %arg9[%parallel_loop3A_534], %parallel_loop3A_531 {strides = array<i32>} : memref<40960xf32, #tpu.memory_space<vmem>>, vector<16xf32>,
        %parallel_loop3A_536 = vector.extract_strided_slice %parallel_loop3A_79 {offsets = [12], sizes = [1], strides = [1]} : vector<16xi32> to vector<1xi32>
        %parallel_loop3A_537 = vector.extract %parallel_loop3A_536[0] : i32 from vector<1xi32>
        %parallel_loop3A_538 = arith.constant 12 : i32
        %parallel_loop3A_539 = arith.addi %parallel_loop3A_74, %parallel_loop3A_538 : i32
        %parallel_loop3A_540 = arith.constant 64 : i32
        %parallel_loop3A_541 = arith.muli %parallel_loop3A_539, %parallel_loop3A_540 : i32
        %parallel_loop3A_542 = arith.constant 0 : i32
        %parallel_loop3A_543 = arith.addi %parallel_loop3A_537, %parallel_loop3A_542 : i32
        %parallel_loop3A_544 = arith.index_cast %parallel_loop3A_543 : i32 to index
        %parallel_loop3A_545 = tpu.vector_load %arg5[%parallel_loop3A_544] {strides = array<i32>} : memref<1024xf32, #tpu.memory_space<vmem>>, vector<16xf32>,
        %parallel_loop3A_546 = arith.constant 0 : i32
        %parallel_loop3A_547 = arith.addi %parallel_loop3A_541, %parallel_loop3A_546 : i32
        %parallel_loop3A_548 = arith.index_cast %parallel_loop3A_547 : i32 to index
        %parallel_loop3A_549 = tpu.vector_load %arg9[%parallel_loop3A_548] {strides = array<i32>} : memref<40960xf32, #tpu.memory_space<vmem>>, vector<16xf32>,
        tpu.vector_store %arg9[%parallel_loop3A_548], %parallel_loop3A_545 {strides = array<i32>} : memref<40960xf32, #tpu.memory_space<vmem>>, vector<16xf32>,
        %parallel_loop3A_550 = arith.constant 16 : i32
        %parallel_loop3A_551 = arith.addi %parallel_loop3A_537, %parallel_loop3A_550 : i32
        %parallel_loop3A_552 = arith.index_cast %parallel_loop3A_551 : i32 to index
        %parallel_loop3A_553 = tpu.vector_load %arg5[%parallel_loop3A_552] {strides = array<i32>} : memref<1024xf32, #tpu.memory_space<vmem>>, vector<16xf32>,
        %parallel_loop3A_554 = arith.constant 16 : i32
        %parallel_loop3A_555 = arith.addi %parallel_loop3A_541, %parallel_loop3A_554 : i32
        %parallel_loop3A_556 = arith.index_cast %parallel_loop3A_555 : i32 to index
        %parallel_loop3A_557 = tpu.vector_load %arg9[%parallel_loop3A_556] {strides = array<i32>} : memref<40960xf32, #tpu.memory_space<vmem>>, vector<16xf32>,
        tpu.vector_store %arg9[%parallel_loop3A_556], %parallel_loop3A_553 {strides = array<i32>} : memref<40960xf32, #tpu.memory_space<vmem>>, vector<16xf32>,
        %parallel_loop3A_558 = arith.constant 32 : i32
        %parallel_loop3A_559 = arith.addi %parallel_loop3A_537, %parallel_loop3A_558 : i32
        %parallel_loop3A_560 = arith.index_cast %parallel_loop3A_559 : i32 to index
        %parallel_loop3A_561 = tpu.vector_load %arg5[%parallel_loop3A_560] {strides = array<i32>} : memref<1024xf32, #tpu.memory_space<vmem>>, vector<16xf32>,
        %parallel_loop3A_562 = arith.constant 32 : i32
        %parallel_loop3A_563 = arith.addi %parallel_loop3A_541, %parallel_loop3A_562 : i32
        %parallel_loop3A_564 = arith.index_cast %parallel_loop3A_563 : i32 to index
        %parallel_loop3A_565 = tpu.vector_load %arg9[%parallel_loop3A_564] {strides = array<i32>} : memref<40960xf32, #tpu.memory_space<vmem>>, vector<16xf32>,
        tpu.vector_store %arg9[%parallel_loop3A_564], %parallel_loop3A_561 {strides = array<i32>} : memref<40960xf32, #tpu.memory_space<vmem>>, vector<16xf32>,
        %parallel_loop3A_566 = arith.constant 48 : i32
        %parallel_loop3A_567 = arith.addi %parallel_loop3A_537, %parallel_loop3A_566 : i32
        %parallel_loop3A_568 = arith.index_cast %parallel_loop3A_567 : i32 to index
        %parallel_loop3A_569 = tpu.vector_load %arg5[%parallel_loop3A_568] {strides = array<i32>} : memref<1024xf32, #tpu.memory_space<vmem>>, vector<16xf32>,
        %parallel_loop3A_570 = arith.constant 48 : i32
        %parallel_loop3A_571 = arith.addi %parallel_loop3A_541, %parallel_loop3A_570 : i32
        %parallel_loop3A_572 = arith.index_cast %parallel_loop3A_571 : i32 to index
        %parallel_loop3A_573 = tpu.vector_load %arg9[%parallel_loop3A_572] {strides = array<i32>} : memref<40960xf32, #tpu.memory_space<vmem>>, vector<16xf32>,
        tpu.vector_store %arg9[%parallel_loop3A_572], %parallel_loop3A_569 {strides = array<i32>} : memref<40960xf32, #tpu.memory_space<vmem>>, vector<16xf32>,
        %parallel_loop3A_574 = vector.extract_strided_slice %parallel_loop3A_79 {offsets = [13], sizes = [1], strides = [1]} : vector<16xi32> to vector<1xi32>
        %parallel_loop3A_575 = vector.extract %parallel_loop3A_574[0] : i32 from vector<1xi32>
        %parallel_loop3A_576 = arith.constant 13 : i32
        %parallel_loop3A_577 = arith.addi %parallel_loop3A_74, %parallel_loop3A_576 : i32
        %parallel_loop3A_578 = arith.constant 64 : i32
        %parallel_loop3A_579 = arith.muli %parallel_loop3A_577, %parallel_loop3A_578 : i32
        %parallel_loop3A_580 = arith.constant 0 : i32
        %parallel_loop3A_581 = arith.addi %parallel_loop3A_575, %parallel_loop3A_580 : i32
        %parallel_loop3A_582 = arith.index_cast %parallel_loop3A_581 : i32 to index
        %parallel_loop3A_583 = tpu.vector_load %arg5[%parallel_loop3A_582] {strides = array<i32>} : memref<1024xf32, #tpu.memory_space<vmem>>, vector<16xf32>,
        %parallel_loop3A_584 = arith.constant 0 : i32
        %parallel_loop3A_585 = arith.addi %parallel_loop3A_579, %parallel_loop3A_584 : i32
        %parallel_loop3A_586 = arith.index_cast %parallel_loop3A_585 : i32 to index
        %parallel_loop3A_587 = tpu.vector_load %arg9[%parallel_loop3A_586] {strides = array<i32>} : memref<40960xf32, #tpu.memory_space<vmem>>, vector<16xf32>,
        tpu.vector_store %arg9[%parallel_loop3A_586], %parallel_loop3A_583 {strides = array<i32>} : memref<40960xf32, #tpu.memory_space<vmem>>, vector<16xf32>,
        %parallel_loop3A_588 = arith.constant 16 : i32
        %parallel_loop3A_589 = arith.addi %parallel_loop3A_575, %parallel_loop3A_588 : i32
        %parallel_loop3A_590 = arith.index_cast %parallel_loop3A_589 : i32 to index
        %parallel_loop3A_591 = tpu.vector_load %arg5[%parallel_loop3A_590] {strides = array<i32>} : memref<1024xf32, #tpu.memory_space<vmem>>, vector<16xf32>,
        %parallel_loop3A_592 = arith.constant 16 : i32
        %parallel_loop3A_593 = arith.addi %parallel_loop3A_579, %parallel_loop3A_592 : i32
        %parallel_loop3A_594 = arith.index_cast %parallel_loop3A_593 : i32 to index
        %parallel_loop3A_595 = tpu.vector_load %arg9[%parallel_loop3A_594] {strides = array<i32>} : memref<40960xf32, #tpu.memory_space<vmem>>, vector<16xf32>,
        tpu.vector_store %arg9[%parallel_loop3A_594], %parallel_loop3A_591 {strides = array<i32>} : memref<40960xf32, #tpu.memory_space<vmem>>, vector<16xf32>,
        %parallel_loop3A_596 = arith.constant 32 : i32
        %parallel_loop3A_597 = arith.addi %parallel_loop3A_575, %parallel_loop3A_596 : i32
        %parallel_loop3A_598 = arith.index_cast %parallel_loop3A_597 : i32 to index
        %parallel_loop3A_599 = tpu.vector_load %arg5[%parallel_loop3A_598] {strides = array<i32>} : memref<1024xf32, #tpu.memory_space<vmem>>, vector<16xf32>,
        %parallel_loop3A_600 = arith.constant 32 : i32
        %parallel_loop3A_601 = arith.addi %parallel_loop3A_579, %parallel_loop3A_600 : i32
        %parallel_loop3A_602 = arith.index_cast %parallel_loop3A_601 : i32 to index
        %parallel_loop3A_603 = tpu.vector_load %arg9[%parallel_loop3A_602] {strides = array<i32>} : memref<40960xf32, #tpu.memory_space<vmem>>, vector<16xf32>,
        tpu.vector_store %arg9[%parallel_loop3A_602], %parallel_loop3A_599 {strides = array<i32>} : memref<40960xf32, #tpu.memory_space<vmem>>, vector<16xf32>,
        %parallel_loop3A_604 = arith.constant 48 : i32
        %parallel_loop3A_605 = arith.addi %parallel_loop3A_575, %parallel_loop3A_604 : i32
        %parallel_loop3A_606 = arith.index_cast %parallel_loop3A_605 : i32 to index
        %parallel_loop3A_607 = tpu.vector_load %arg5[%parallel_loop3A_606] {strides = array<i32>} : memref<1024xf32, #tpu.memory_space<vmem>>, vector<16xf32>,
        %parallel_loop3A_608 = arith.constant 48 : i32
        %parallel_loop3A_609 = arith.addi %parallel_loop3A_579, %parallel_loop3A_608 : i32
        %parallel_loop3A_610 = arith.index_cast %parallel_loop3A_609 : i32 to index
        %parallel_loop3A_611 = tpu.vector_load %arg9[%parallel_loop3A_610] {strides = array<i32>} : memref<40960xf32, #tpu.memory_space<vmem>>, vector<16xf32>,
        tpu.vector_store %arg9[%parallel_loop3A_610], %parallel_loop3A_607 {strides = array<i32>} : memref<40960xf32, #tpu.memory_space<vmem>>, vector<16xf32>,
        %parallel_loop3A_612 = vector.extract_strided_slice %parallel_loop3A_79 {offsets = [14], sizes = [1], strides = [1]} : vector<16xi32> to vector<1xi32>
        %parallel_loop3A_613 = vector.extract %parallel_loop3A_612[0] : i32 from vector<1xi32>
        %parallel_loop3A_614 = arith.constant 14 : i32
        %parallel_loop3A_615 = arith.addi %parallel_loop3A_74, %parallel_loop3A_614 : i32
        %parallel_loop3A_616 = arith.constant 64 : i32
        %parallel_loop3A_617 = arith.muli %parallel_loop3A_615, %parallel_loop3A_616 : i32
        %parallel_loop3A_618 = arith.constant 0 : i32
        %parallel_loop3A_619 = arith.addi %parallel_loop3A_613, %parallel_loop3A_618 : i32
        %parallel_loop3A_620 = arith.index_cast %parallel_loop3A_619 : i32 to index
        %parallel_loop3A_621 = tpu.vector_load %arg5[%parallel_loop3A_620] {strides = array<i32>} : memref<1024xf32, #tpu.memory_space<vmem>>, vector<16xf32>,
        %parallel_loop3A_622 = arith.constant 0 : i32
        %parallel_loop3A_623 = arith.addi %parallel_loop3A_617, %parallel_loop3A_622 : i32
        %parallel_loop3A_624 = arith.index_cast %parallel_loop3A_623 : i32 to index
        %parallel_loop3A_625 = tpu.vector_load %arg9[%parallel_loop3A_624] {strides = array<i32>} : memref<40960xf32, #tpu.memory_space<vmem>>, vector<16xf32>,
        tpu.vector_store %arg9[%parallel_loop3A_624], %parallel_loop3A_621 {strides = array<i32>} : memref<40960xf32, #tpu.memory_space<vmem>>, vector<16xf32>,
        %parallel_loop3A_626 = arith.constant 16 : i32
        %parallel_loop3A_627 = arith.addi %parallel_loop3A_613, %parallel_loop3A_626 : i32
        %parallel_loop3A_628 = arith.index_cast %parallel_loop3A_627 : i32 to index
        %parallel_loop3A_629 = tpu.vector_load %arg5[%parallel_loop3A_628] {strides = array<i32>} : memref<1024xf32, #tpu.memory_space<vmem>>, vector<16xf32>,
        %parallel_loop3A_630 = arith.constant 16 : i32
        %parallel_loop3A_631 = arith.addi %parallel_loop3A_617, %parallel_loop3A_630 : i32
        %parallel_loop3A_632 = arith.index_cast %parallel_loop3A_631 : i32 to index
        %parallel_loop3A_633 = tpu.vector_load %arg9[%parallel_loop3A_632] {strides = array<i32>} : memref<40960xf32, #tpu.memory_space<vmem>>, vector<16xf32>,
        tpu.vector_store %arg9[%parallel_loop3A_632], %parallel_loop3A_629 {strides = array<i32>} : memref<40960xf32, #tpu.memory_space<vmem>>, vector<16xf32>,
        %parallel_loop3A_634 = arith.constant 32 : i32
        %parallel_loop3A_635 = arith.addi %parallel_loop3A_613, %parallel_loop3A_634 : i32
        %parallel_loop3A_636 = arith.index_cast %parallel_loop3A_635 : i32 to index
        %parallel_loop3A_637 = tpu.vector_load %arg5[%parallel_loop3A_636] {strides = array<i32>} : memref<1024xf32, #tpu.memory_space<vmem>>, vector<16xf32>,
        %parallel_loop3A_638 = arith.constant 32 : i32
        %parallel_loop3A_639 = arith.addi %parallel_loop3A_617, %parallel_loop3A_638 : i32
        %parallel_loop3A_640 = arith.index_cast %parallel_loop3A_639 : i32 to index
        %parallel_loop3A_641 = tpu.vector_load %arg9[%parallel_loop3A_640] {strides = array<i32>} : memref<40960xf32, #tpu.memory_space<vmem>>, vector<16xf32>,
        tpu.vector_store %arg9[%parallel_loop3A_640], %parallel_loop3A_637 {strides = array<i32>} : memref<40960xf32, #tpu.memory_space<vmem>>, vector<16xf32>,
        %parallel_loop3A_642 = arith.constant 48 : i32
        %parallel_loop3A_643 = arith.addi %parallel_loop3A_613, %parallel_loop3A_642 : i32
        %parallel_loop3A_644 = arith.index_cast %parallel_loop3A_643 : i32 to index
        %parallel_loop3A_645 = tpu.vector_load %arg5[%parallel_loop3A_644] {strides = array<i32>} : memref<1024xf32, #tpu.memory_space<vmem>>, vector<16xf32>,
        %parallel_loop3A_646 = arith.constant 48 : i32
        %parallel_loop3A_647 = arith.addi %parallel_loop3A_617, %parallel_loop3A_646 : i32
        %parallel_loop3A_648 = arith.index_cast %parallel_loop3A_647 : i32 to index
        %parallel_loop3A_649 = tpu.vector_load %arg9[%parallel_loop3A_648] {strides = array<i32>} : memref<40960xf32, #tpu.memory_space<vmem>>, vector<16xf32>,
        tpu.vector_store %arg9[%parallel_loop3A_648], %parallel_loop3A_645 {strides = array<i32>} : memref<40960xf32, #tpu.memory_space<vmem>>, vector<16xf32>,
        %parallel_loop3A_650 = vector.extract_strided_slice %parallel_loop3A_79 {offsets = [15], sizes = [1], strides = [1]} : vector<16xi32> to vector<1xi32>
        %parallel_loop3A_651 = vector.extract %parallel_loop3A_650[0] : i32 from vector<1xi32>
        %parallel_loop3A_652 = arith.constant 15 : i32
        %parallel_loop3A_653 = arith.addi %parallel_loop3A_74, %parallel_loop3A_652 : i32
        %parallel_loop3A_654 = arith.constant 64 : i32
        %parallel_loop3A_655 = arith.muli %parallel_loop3A_653, %parallel_loop3A_654 : i32
        %parallel_loop3A_656 = arith.constant 0 : i32
        %parallel_loop3A_657 = arith.addi %parallel_loop3A_651, %parallel_loop3A_656 : i32
        %parallel_loop3A_658 = arith.index_cast %parallel_loop3A_657 : i32 to index
        %parallel_loop3A_659 = tpu.vector_load %arg5[%parallel_loop3A_658] {strides = array<i32>} : memref<1024xf32, #tpu.memory_space<vmem>>, vector<16xf32>,
        %parallel_loop3A_660 = arith.constant 0 : i32
        %parallel_loop3A_661 = arith.addi %parallel_loop3A_655, %parallel_loop3A_660 : i32
        %parallel_loop3A_662 = arith.index_cast %parallel_loop3A_661 : i32 to index
        %parallel_loop3A_663 = tpu.vector_load %arg9[%parallel_loop3A_662] {strides = array<i32>} : memref<40960xf32, #tpu.memory_space<vmem>>, vector<16xf32>,
        tpu.vector_store %arg9[%parallel_loop3A_662], %parallel_loop3A_659 {strides = array<i32>} : memref<40960xf32, #tpu.memory_space<vmem>>, vector<16xf32>,
        %parallel_loop3A_664 = arith.constant 16 : i32
        %parallel_loop3A_665 = arith.addi %parallel_loop3A_651, %parallel_loop3A_664 : i32
        %parallel_loop3A_666 = arith.index_cast %parallel_loop3A_665 : i32 to index
        %parallel_loop3A_667 = tpu.vector_load %arg5[%parallel_loop3A_666] {strides = array<i32>} : memref<1024xf32, #tpu.memory_space<vmem>>, vector<16xf32>,
        %parallel_loop3A_668 = arith.constant 16 : i32
        %parallel_loop3A_669 = arith.addi %parallel_loop3A_655, %parallel_loop3A_668 : i32
        %parallel_loop3A_670 = arith.index_cast %parallel_loop3A_669 : i32 to index
        %parallel_loop3A_671 = tpu.vector_load %arg9[%parallel_loop3A_670] {strides = array<i32>} : memref<40960xf32, #tpu.memory_space<vmem>>, vector<16xf32>,
        tpu.vector_store %arg9[%parallel_loop3A_670], %parallel_loop3A_667 {strides = array<i32>} : memref<40960xf32, #tpu.memory_space<vmem>>, vector<16xf32>,
        %parallel_loop3A_672 = arith.constant 32 : i32
        %parallel_loop3A_673 = arith.addi %parallel_loop3A_651, %parallel_loop3A_672 : i32
        %parallel_loop3A_674 = arith.index_cast %parallel_loop3A_673 : i32 to index
        %parallel_loop3A_675 = tpu.vector_load %arg5[%parallel_loop3A_674] {strides = array<i32>} : memref<1024xf32, #tpu.memory_space<vmem>>, vector<16xf32>,
        %parallel_loop3A_676 = arith.constant 32 : i32
        %parallel_loop3A_677 = arith.addi %parallel_loop3A_655, %parallel_loop3A_676 : i32
        %parallel_loop3A_678 = arith.index_cast %parallel_loop3A_677 : i32 to index
        %parallel_loop3A_679 = tpu.vector_load %arg9[%parallel_loop3A_678] {strides = array<i32>} : memref<40960xf32, #tpu.memory_space<vmem>>, vector<16xf32>,
        tpu.vector_store %arg9[%parallel_loop3A_678], %parallel_loop3A_675 {strides = array<i32>} : memref<40960xf32, #tpu.memory_space<vmem>>, vector<16xf32>,
        %parallel_loop3A_680 = arith.constant 48 : i32
        %parallel_loop3A_681 = arith.addi %parallel_loop3A_651, %parallel_loop3A_680 : i32
        %parallel_loop3A_682 = arith.index_cast %parallel_loop3A_681 : i32 to index
        %parallel_loop3A_683 = tpu.vector_load %arg5[%parallel_loop3A_682] {strides = array<i32>} : memref<1024xf32, #tpu.memory_space<vmem>>, vector<16xf32>,
        %parallel_loop3A_684 = arith.constant 48 : i32
        %parallel_loop3A_685 = arith.addi %parallel_loop3A_655, %parallel_loop3A_684 : i32
        %parallel_loop3A_686 = arith.index_cast %parallel_loop3A_685 : i32 to index
        %parallel_loop3A_687 = tpu.vector_load %arg9[%parallel_loop3A_686] {strides = array<i32>} : memref<40960xf32, #tpu.memory_space<vmem>>, vector<16xf32>,
        tpu.vector_store %arg9[%parallel_loop3A_686], %parallel_loop3A_683 {strides = array<i32>} : memref<40960xf32, #tpu.memory_space<vmem>>, vector<16xf32>,
      } {sc.loop_unroll_factor = 1 : i64, sc.parallel_access}
      %mul3A_70 = arith.constant 40960 : i32
      %mul3A_71 = arith.muli %add3A_50, %mul3A_70 : i32
      %dma_start3A_72 = tpu.memref_slice %arg4[%mul3A_71] : memref<52428800xf32, #tpu.memory_space<hbm>> -> memref<40960xf32, #tpu.memory_space<hbm>>
      %dma_start3A_73 = tpu.memref_slice %arg4[%mul3A_71] : memref<52428800xf32, #tpu.memory_space<hbm>> -> memref<40960xf32, #tpu.memory_space<hbm>>
      tpu.enqueue_dma source(%arg9 : memref<40960xf32, #tpu.memory_space<vmem>>) target(%dma_start3A_73 : memref<40960xf32, #tpu.memory_space<hbm>>) target_semaphore(%arg11 : memref<!tpu.dma_semaphore, #tpu.memory_space<semaphore_mem>>)
    }
    %scan3A_10 = arith.constant 20 : i32
    %dma_wait3A = arith.constant 0 : i32
    %dma_wait3A_11 = tpu.memref_slice %arg4[%dma_wait3A] : memref<52428800xf32, #tpu.memory_space<hbm>> -> memref<40960xf32, #tpu.memory_space<hbm>>
    %dma_wait3A_12 = arith.constant 0 : i32
    %dma_wait3A_13 = tpu.memref_slice %arg4[%dma_wait3A_12] : memref<52428800xf32, #tpu.memory_space<hbm>> -> memref<40960xf32, #tpu.memory_space<hbm>>
    tpu.wait_dma2 semaphore(%arg10 : memref<!tpu.dma_semaphore, #tpu.memory_space<semaphore_mem>>) src(%arg8 : memref<40960xf32, #tpu.memory_space<vmem>>) dst(%dma_wait3A_13 : memref<40960xf32, #tpu.memory_space<hbm>>)
    %dma_wait3A_14 = arith.constant 0 : i32
    %dma_wait3A_15 = tpu.memref_slice %arg4[%dma_wait3A_14] : memref<52428800xf32, #tpu.memory_space<hbm>> -> memref<40960xf32, #tpu.memory_space<hbm>>
    %dma_wait3A_16 = arith.constant 0 : i32
    %dma_wait3A_17 = tpu.memref_slice %arg4[%dma_wait3A_16] : memref<52428800xf32, #tpu.memory_space<hbm>> -> memref<40960xf32, #tpu.memory_space<hbm>>
    tpu.wait_dma2 semaphore(%arg11 : memref<!tpu.dma_semaphore, #tpu.memory_space<semaphore_mem>>) src(%arg9 : memref<40960xf32, #tpu.memory_space<vmem>>) dst(%dma_wait3A_17 : memref<40960xf32, #tpu.memory_space<hbm>>)
    return
  }
}

module attributes {stable_mosaic.version = 14 : i64} {
  func.func @_table_body(%arg0: memref<16x32xf32, #tpu.memory_space<vmem>>, %arg1: memref<1x16xf32, #tpu.memory_space<vmem>>, %arg2: memref<64x32xf32, #tpu.memory_space<vmem>>, %arg3: memref<64x16xf32, #tpu.memory_space<vmem>>, %arg4: memref<64x16xf32, #tpu.memory_space<vmem>>, %arg5: memref<1x64xf32, #tpu.memory_space<vmem>>, %arg6: memref<1x64xf32, #tpu.memory_space<vmem>>, %arg7: memref<1x64xf32, #tpu.memory_space<vmem>>, %arg8: memref<16x64xf32, #tpu.memory_space<vmem>>) attributes {dimension_semantics = [], scalar_prefetch = 0 : i64, scratch_operands = 0 : i64, tpu.core_type = #tpu.core_type<tc>} {
    %iota3A = tpu.iota {dimensions = array<i32: 0>} : vector<16x1xi32>
    %convert_element_type3A = arith.sitofp %iota3A : vector<16x1xi32> to vector<16x1xf32>
    %mul3A = arith.constant 0.0666666701 : f32
    %mul3A_0 = vector.broadcast %mul3A : f32 to vector<16x1xf32>
    %mul3A_1 = arith.mulf %convert_element_type3A, %mul3A_0 : vector<16x1xf32>
    %get3A = arith.constant 0 : index
    %get3A_2 = arith.constant 0 : index
    %get3A_3 = vector.load %arg1[%get3A, %get3A_2] : memref<1x16xf32, #tpu.memory_space<vmem>>, vector<1x16xf32>
    %mul3A_4 = vector.broadcast %mul3A_1 : vector<16x1xf32> to vector<16x16xf32>
    %mul3A_5 = vector.broadcast %get3A_3 : vector<1x16xf32> to vector<16x16xf32>
    %mul3A_6 = arith.mulf %mul3A_4, %mul3A_5 : vector<16x16xf32>
    %mul3A_7 = arith.constant 3.14159274 : f32
    %mul3A_8 = vector.broadcast %mul3A_7 : f32 to vector<16x16xf32>
    %mul3A_9 = arith.mulf %mul3A_6, %mul3A_8 : vector<16x16xf32>
    %sin3A = math.sin %mul3A_9 : vector<16x16xf32>
    %cos3A = math.cos %mul3A_9 : vector<16x16xf32>
    %get3A_10 = arith.constant 0 : index
    %get3A_11 = arith.constant 0 : index
    %get3A_12 = vector.load %arg0[%get3A_10, %get3A_11] : memref<16x32xf32, #tpu.memory_space<vmem>>, vector<16x32xf32>
    %get3A_13 = arith.constant 0 : index
    %get3A_14 = arith.constant 0 : index
    %get3A_15 = vector.load %arg2[%get3A_13, %get3A_14] : memref<64x32xf32, #tpu.memory_space<vmem>>, vector<64x32xf32>
    %dot_general3A = arith.constant dense<0.000000e+00> : vector<16x64xf32>
    %dot_general3A_16 = tpu.matmul %get3A_12, %get3A_15, %dot_general3A {dimension_numbers = #tpu.dot_dimension_numbers<[1], [1], [0], [0], [0, 0, 1, 0], [], []>, transpose_lhs_hint = false} : vector<16x32xf32>, vector<64x32xf32>, vector<16x64xf32> -> vector<16x64xf32>
    %get3A_17 = arith.constant 0 : index
    %get3A_18 = arith.constant 0 : index
    %get3A_19 = vector.load %arg3[%get3A_17, %get3A_18] : memref<64x16xf32, #tpu.memory_space<vmem>>, vector<64x16xf32>
    %dot_general3A_20 = arith.constant dense<0.000000e+00> : vector<16x64xf32>
    %dot_general3A_21 = tpu.matmul %sin3A, %get3A_19, %dot_general3A_20 {dimension_numbers = #tpu.dot_dimension_numbers<[1], [1], [0], [0], [0, 0, 1, 0], [], []>, transpose_lhs_hint = false} : vector<16x16xf32>, vector<64x16xf32>, vector<16x64xf32> -> vector<16x64xf32>
    %add3A = arith.addf %dot_general3A_16, %dot_general3A_21 : vector<16x64xf32>
    %get3A_22 = arith.constant 0 : index
    %get3A_23 = arith.constant 0 : index
    %get3A_24 = vector.load %arg4[%get3A_22, %get3A_23] : memref<64x16xf32, #tpu.memory_space<vmem>>, vector<64x16xf32>
    %dot_general3A_25 = arith.constant dense<0.000000e+00> : vector<16x64xf32>
    %dot_general3A_26 = tpu.matmul %cos3A, %get3A_24, %dot_general3A_25 {dimension_numbers = #tpu.dot_dimension_numbers<[1], [1], [0], [0], [0, 0, 1, 0], [], []>, transpose_lhs_hint = false} : vector<16x16xf32>, vector<64x16xf32>, vector<16x64xf32> -> vector<16x64xf32>
    %add3A_27 = arith.addf %add3A, %dot_general3A_26 : vector<16x64xf32>
    %get3A_28 = arith.constant 0 : index
    %get3A_29 = arith.constant 0 : index
    %get3A_30 = vector.load %arg5[%get3A_28, %get3A_29] : memref<1x64xf32, #tpu.memory_space<vmem>>, vector<1x64xf32>
    %add3A_31 = vector.broadcast %get3A_30 : vector<1x64xf32> to vector<16x64xf32>
    %add3A_32 = arith.addf %add3A_27, %add3A_31 : vector<16x64xf32>
    %reduce_sum3A = arith.constant dense<0.000000e+00> : vector<16xf32>
    %reduce_sum3A_33 = vector.multi_reduction <add>, %add3A_32, %reduce_sum3A [1] : vector<16x64xf32> to vector<16xf32>
    %broadcast_in_dim3A = vector.shape_cast %reduce_sum3A_33 : vector<16xf32> to vector<16x1xf32>
    %div3A = arith.constant 6.400000e+01 : f32
    %div3A_34 = vector.broadcast %div3A : f32 to vector<16x1xf32>
    %div3A_35 = arith.divf %broadcast_in_dim3A, %div3A_34 : vector<16x1xf32>
    %sub3A = vector.broadcast %div3A_35 : vector<16x1xf32> to vector<16x64xf32>
    %sub3A_36 = arith.subf %add3A_32, %sub3A : vector<16x64xf32>
    %integer_pow3A = arith.mulf %sub3A_36, %sub3A_36 : vector<16x64xf32>
    %reduce_sum3A_37 = arith.constant dense<0.000000e+00> : vector<16xf32>
    %reduce_sum3A_38 = vector.multi_reduction <add>, %integer_pow3A, %reduce_sum3A_37 [1] : vector<16x64xf32> to vector<16xf32>
    %broadcast_in_dim3A_39 = vector.shape_cast %reduce_sum3A_38 : vector<16xf32> to vector<16x1xf32>
    %div3A_40 = arith.constant 6.400000e+01 : f32
    %div3A_41 = vector.broadcast %div3A_40 : f32 to vector<16x1xf32>
    %div3A_42 = arith.divf %broadcast_in_dim3A_39, %div3A_41 : vector<16x1xf32>
    %sub3A_43 = vector.broadcast %div3A_35 : vector<16x1xf32> to vector<16x64xf32>
    %sub3A_44 = arith.subf %add3A_32, %sub3A_43 : vector<16x64xf32>
    %add3A_45 = arith.constant 9.99999974E-6 : f32
    %add3A_46 = vector.broadcast %add3A_45 : f32 to vector<16x1xf32>
    %add3A_47 = arith.addf %div3A_42, %add3A_46 : vector<16x1xf32>
    %rsqrt3A = math.rsqrt %add3A_47 : vector<16x1xf32>
    %mul3A_48 = vector.broadcast %rsqrt3A : vector<16x1xf32> to vector<16x64xf32>
    %mul3A_49 = arith.mulf %sub3A_44, %mul3A_48 : vector<16x64xf32>
    %get3A_50 = arith.constant 0 : index
    %get3A_51 = arith.constant 0 : index
    %get3A_52 = vector.load %arg6[%get3A_50, %get3A_51] : memref<1x64xf32, #tpu.memory_space<vmem>>, vector<1x64xf32>
    %mul3A_53 = vector.broadcast %get3A_52 : vector<1x64xf32> to vector<16x64xf32>
    %mul3A_54 = arith.mulf %mul3A_49, %mul3A_53 : vector<16x64xf32>
    %get3A_55 = arith.constant 0 : index
    %get3A_56 = arith.constant 0 : index
    %get3A_57 = vector.load %arg7[%get3A_55, %get3A_56] : memref<1x64xf32, #tpu.memory_space<vmem>>, vector<1x64xf32>
    %add3A_58 = vector.broadcast %get3A_57 : vector<1x64xf32> to vector<16x64xf32>
    %add3A_59 = arith.addf %mul3A_54, %add3A_58 : vector<16x64xf32>
    %mul3A_60 = arith.constant 5.000000e-01 : f32
    %mul3A_61 = vector.broadcast %mul3A_60 : f32 to vector<16x64xf32>
    %mul3A_62 = arith.mulf %mul3A_61, %add3A_59 : vector<16x64xf32>
    %mul3A_63 = arith.constant 0.707106769 : f32
    %mul3A_64 = vector.broadcast %mul3A_63 : f32 to vector<16x64xf32>
    %mul3A_65 = arith.mulf %add3A_59, %mul3A_64 : vector<16x64xf32>
    %erf3A = math.erf %mul3A_65 : vector<16x64xf32>
    %add3A_66 = arith.constant 1.000000e+00 : f32
    %add3A_67 = vector.broadcast %add3A_66 : f32 to vector<16x64xf32>
    %add3A_68 = arith.addf %add3A_67, %erf3A : vector<16x64xf32>
    %mul3A_69 = arith.mulf %mul3A_62, %add3A_68 : vector<16x64xf32>
    %swap3A = arith.constant 0 : index
    %swap3A_70 = arith.constant 0 : index
    %swap3A_71 = vector.load %arg8[%swap3A, %swap3A_70] : memref<16x64xf32, #tpu.memory_space<vmem>>, vector<16x64xf32>
    tpu.vector_store %arg8[%swap3A, %swap3A_70], %mul3A_69 {strides = array<i32>} : memref<16x64xf32, #tpu.memory_space<vmem>>, vector<16x64xf32>,
    return
  }
}

</mosaic_0001>

<sc_bundles>
// kernel: kernel.4.cloned.1.call-start
scs
__scs_entry_jumppad:
0x0: {  	(pc) =	sbr.rel $0x88, $3  }
0x1: {  	(tag) =	ssettag $0x0;
	lr =	simm.s32 $0x1  }
0x2: {  	[smem:$0x3F9A] =	sst lr;
	_ =	strace $0xD0000000  }
0x3: {  	_ = 	snop  }
0x4: {  	_ = 	snop  }
0x5: {  	_ = 	snop  }
0x6: {  	_ = 	snop  }
0x7: {  	_ = 	snop  }
__scs_overlays_trampoline_lowered:
0x8: {  	[smem:$0x3FA9] =	sst s0  }
0x9: {  	[smem:$0x3FAA] =	sst s1  }
0xa: {  	[smem:$0x3FAB] =	sst s2  }
0xb: {  	[smem:$0x3FAC] =	sst s3  }
0xc: {  	[smem:$0x3FAD] =	sst s4  }
0xd: {  	[smem:$0x3FAE] =	sst s5  }
0xe: {  	[smem:$0x3FAF] =	sst s6  }
0xf: {  	[smem:$0x3FB0] =	sst s7  }
0x10: {  	[smem:$0x3FB1] =	sst s8  }
0x11: {  	[smem:$0x3FB2] =	sst s9;
	s0 =	simm.s32 @!p0 $0x0  }
0x12: {  	s1 =	sld [smem:$0x3F98];
	s0 =	simm.s32 @p0 $0x1  }
0x13: {  	[smem:$0x3FB3] =	sst s0;
	s0 =	simm.s32 @!p1 $0x0  }
0x14: {  	s2 =	sld [smem:$0x3F97];
	s0 =	simm.s32 @p1 $0x1  }
0x15: {  	[smem:$0x3FB4] =	sst s0;
	s0 =	simm.s32 @!p2 $0x0  }
0x16: {  	s3 =	sld [smem:$0x3FDB];
	s0 =	simm.s32 @p2 $0x1  }
0x17: {  	s4 =	simm.s32 $0x1BF5;
	[smem:$0x3FB6] =	sst s0  }
0x18: {  	s0 =	sld [smem:$0x3F99];
	_ =	swait.ge [sflag:s4], $0x0  }
0x19: {  	s7 =	sld [smem:$0x3F9A]  }
0x1a: {  	s8 =	sadd.s32 $0xFFFFE003, lr  }
0x1b: {  	s9 =	sadd.s32 $0xFFFFFEF7, lr;
	s5 =	simm.s32 $0xFFFFFFFF;
	p2 =	slt.u32 s8, $0xFFFFF086  }
0x1c: {  	p1 =	slt.u32 s9, $0xF7A;
	s5 =	simm.s32 @!p2 $0x0  }
0x1d: {  	s5 =	simm.s32 @p1 $0x1;
	p0 =	seq.s32 s7, s2  }
0x1e: {  	s7 =	smul.u32 @!p0 $0xF7A, s2;
	p2 =	seq.s32 @!p0 s5, $0x0  }
0x1f: {  	s9 =	smul.u32 $0xF7A, s1;
	s8 =	simm.s32 @!p0 $0x1BF5;
	p2 =	por !p2, p0  }
0x20: {  	[sflag:s8] =	ssyncset.s32 @!p0 $0xFFFFF086;
	s6 =	sadd.s32 @!p0 s3, s7;
	s7 =	simm.s32 @!p0 $0x108  }
0x21: {  	s3 =	sadd.s32 s3, s9;
	s6 =	sadd.s32 @!p0 $0x88, s6;
	s7 =	simm.s32 @p2 $0x1082  }
0x22: {  	[simem:s7], [sflag:s8] =	dma.local @!p0 [hbm:s6], $0xF7A  }
0x23: {  	s9 =	sor.u32 $0xD0000000, s2;
	s6 =	simm.s32 $0x108;
	_ =	swait.ge @!p0 [sflag:s8], $0x0  }
0x24: {  	s3 =	sadd.s32 $0x88, s3;
	s6 =	simm.s32 @!p1 $0x1082;
	[sflag:s4] =	ssyncset.s32 $0xFFFFF086  }
0x25: {  	[simem:s6], [sflag:s4] =	dma.local [hbm:s3], $0xF7A  }
0x26: {  	[smem:$0x3F9A] =	sst s1;
	(tag) =	ssettag s2;
	_ =	strace s9  }
0x27: {  	s1 =	sld [smem:$0x3FAA]  }
0x28: {  	s2 =	sld [smem:$0x3FAB]  }
0x29: {  	s4 =	sld [smem:$0x3FAD]  }
0x2a: {  	p0 =	seq.s32 s5, $0x0;
	s5 =	sld [smem:$0x3FAE]  }
0x2b: {  	s6 =	sld [smem:$0x3FAF]  }
0x2c: {  	s7 =	sld [smem:$0x3FB0]  }
0x2d: {  	s3 =	simm.s32 $0x108;
	s8 =	sld [smem:$0x3FB1]  }
0x2e: {  	s3 =	simm.s32 @!p0 $0x1082;
	s9 =	sld [smem:$0x3FB2]  }
0x2f: {  	lr =	sadd.s32 s0, s3;
	s0 =	sld [smem:$0x3FA9]  }
0x30: {  	s3 =	sld [smem:$0x3FAC]  }
0x31: {  	[smem:$0x3FB5] =	sst s10  }
0x32: {  	s10 =	sld [smem:$0x3FB3];
	_ =	sdelay $0x3  }
0x33: {  	p0 =	seq.s32 s10, $0x1;
	s10 =	sld [smem:$0x3FB5];
	_ =	sdelay $0x3  }
0x34: {  	[smem:$0x3FB5] =	sst s10  }
0x35: {  	s10 =	sld [smem:$0x3FB4];
	_ =	sdelay $0x3  }
0x36: {  	p1 =	seq.s32 s10, $0x1;
	s10 =	sld [smem:$0x3FB5];
	_ =	sdelay $0x3  }
0x37: {  	[smem:$0x3FB5] =	sst s10  }
0x38: {  	s10 =	sld [smem:$0x3FB6]  }
0x39: {  	_ = 	snop;
	(pc) =	sbr.ind lr, $3  }
0x3a: {  	_ = 	snop  }
0x3b: {  	_ = 	snop  }
0x3c: {  	p2 =	seq.s32 s10, $0x1;
	s10 =	sld [smem:$0x3FB5]  }
0x3d: {  	_ =	shalt  }
0x3e: {  	_ =	shalt  }
0x3f: {  	_ =	shalt  }
0x40: {  	_ =	shalt  }
0x41: {  	_ =	shalt  }
0x42: {  	_ =	shalt  }
0x43: {  	_ =	shalt  }
0x44: {  	_ =	shalt  }
0x45: {  	_ =	shalt  }
0x46: {  	_ =	shalt  }
0x47: {  	_ =	shalt  }
0x48: {  	_ =	shalt  }
0x49: {  	_ =	shalt  }
0x4a: {  	_ =	shalt  }
0x4b: {  	_ =	shalt  }
0x4c: {  	_ =	shalt  }
0x4d: {  	_ =	shalt  }
0x4e: {  	_ =	shalt  }
0x4f: {  	_ =	shalt  }
0x50: {  	_ =	shalt  }
0x51: {  	_ =	shalt  }
0x52: {  	_ =	shalt  }
0x53: {  	_ =	shalt  }
0x54: {  	_ =	shalt  }
0x55: {  	_ =	shalt  }
0x56: {  	_ =	shalt  }
0x57: {  	_ =	shalt  }
0x58: {  	_ =	shalt  }
0x59: {  	_ =	shalt  }
0x5a: {  	_ =	shalt  }
0x5b: {  	_ =	shalt  }
0x5c: {  	_ =	shalt  }
0x5d: {  	_ =	shalt  }
0x5e: {  	_ =	shalt  }
0x5f: {  	_ =	shalt  }
0x60: {  	_ =	shalt  }
0x61: {  	_ =	shalt  }
0x62: {  	_ =	shalt  }
0x63: {  	_ =	shalt  }
0x64: {  	_ =	shalt  }
0x65: {  	_ =	shalt  }
0x66: {  	_ =	shalt  }
0x67: {  	_ =	shalt  }
0x68: {  	_ =	shalt  }
0x69: {  	_ =	shalt  }
0x6a: {  	_ =	shalt  }
0x6b: {  	_ =	shalt  }
0x6c: {  	_ =	shalt  }
0x6d: {  	_ =	shalt  }
0x6e: {  	_ =	shalt  }
0x6f: {  	_ =	shalt  }
0x70: {  	_ =	shalt  }
0x71: {  	_ =	shalt  }
0x72: {  	_ =	shalt  }
0x73: {  	_ =	shalt  }
0x74: {  	_ =	shalt  }
0x75: {  	_ =	shalt  }
0x76: {  	_ =	shalt  }
0x77: {  	_ =	shalt  }
0x78: {  	_ =	shalt  }
0x79: {  	_ =	shalt  }
0x7a: {  	_ =	shalt  }
0x7b: {  	_ =	shalt  }
0x7c: {  	_ =	shalt  }
0x7d: {  	_ =	shalt  }
0x7e: {  	_ =	shalt  }
0x7f: {  	_ =	shalt  }
0x80: {  	_ =	shalt  }
0x81: {  	_ =	shalt  }
0x82: {  	_ =	shalt  }
0x83: {  	_ =	shalt  }
0x84: {  	_ =	shalt  }
0x85: {  	_ =	shalt  }
0x86: {  	_ =	shalt  }
0x87: {  	_ =	shalt  }
.Lfunc_end0:
.L_simem_size_0:
called_computation.1_lowered:
.L_overlay_start_0:
0x88: {  	s2 =	sld [smem:$0x3FD9]  }
0x89: {  	s3 =	sld [smem:$0x3FFE];
	_ =	sdelay $0x1  }
0x8a: {  	s1 =	srdreg.scid  }
0x8b: {  	s0 =	sand.u32 $0x1, s1  }
0x8c: {  	s17 =	sshll.u32 s0, $0xA;
	s2 =	sadd.s32 s3, s2  }
0x8d: {  	s2 =	sadd.s32 s2, s17  }
0x8e: {  	[smem:$0x3FC1] =	sst s2  }
0x8f: {  	_ = 	snop  }
0x90: {  	s2 =	sld [smem:$0x3FC9]  }
0x91: {  	s18 =	sld [smem:$0x3FD0];
	(tm) =	ssettm $0x1  }
0x92: {  	s4 =	sld [smem:$0x3FFB];
	_ =	sdelay $0x3  }
0x93: {  	_ =	strace s4  }
0x94: {  	s4 =	sld [smem:$0x3FFC];
	_ =	sdelay $0x3  }
0x95: {  	_ =	strace s4  }
0x96: {  	s4 =	sld [smem:$0x3FFD];
	_ =	sdelay $0x3  }
0x97: {  	_ =	strace s4  }
0x98: {  	_ =	strace $0x8FFFFFFF  }
0x99: {  	s19 =	sld [smem:$0x3FDB];
	_ =	sdelay $0x1  }
0x9a: {  	s5 =	simm.s32 $_scs_section_size  }
0x9b: {  	s6 =	simm.s32 $_size__tile_overlayer_lowered;
	s7 =	simm.s32 $_tile_overlayer_lowered  }
0x9c: {  	s22 =	simm.s32 $0x1BFF;
	s21 =	sshll.u32 s7, $0x1;
	s4 =	sadd.s32 s5, s19  }
0x9d: {  	s8 =	simm.s32 $0x0;
	s20 =	sshll.u32 s6, $0x1;
	s6 =	sadd.s32 s21, s4  }
0x9e: {  	[timem:s8], [sflag:s22] =	dma.local [hbm:s6], s20  }
0x9f: {  	_ =	swait.ge [sflag:s22], s20  }
0xa0: {  	s5 =	ssub.s32 $0x0, s20;
	[sflag:s22] =	ssyncset.done $0x0  }
0xa1: {  	[sflag:s22] =	ssyncadd.s32 s5;
	_ =	sdelay $0x1  }
0xa2: {  	s23 =	simm.s32 $0x1B8B  }
0xa3: {  	_ =	swait.ge [sflag:s23], $0x1  }
0xa4: {  	[sflag:s23] =	ssyncset.done $0x0  }
0xa5: {  	s25 =	simm.s32 $0x1B8E;
	s24 =	sld [smem:$0x3FFE];
	[sflag:s23] =	ssyncadd.s32 $0xFFFFFFFF  }
0xa6: {  	s26 =	simm.s32 $execute0_lowered;
	[smem:$0x3FD2] =	sst s25  }
0xa7: {  	s6 =	sshll.u32 s26, $0x1;
	_ =	strace $0x80000046;
	[dreg:$0x1] =	wrdreg $0xFFFFFFFF  }
0xa8: {  	s28 =	simm.s32 $_size_execute0_lowered;
	s4 =	sadd.s32 s4, s6;
	[dreg:$0x0] =	wrdreg $0x0  }
0xa9: {  	s6 =	sshll.u32 s28, $0x1;
	[dreg:$0x2] =	wrdreg s4  }
0xaa: {  	[dreg:$0x3] =	wrdreg s6  }
0xab: {  	[dreg:$0x4] =	wrdreg $0xC0  }
0xac: {  	_ =	task [dreg:s8], $0x5FFFF  }
0xad: {  	[dreg:$0x1] =	wrdreg $0xFFFFFFFF  }
0xae: {  	[dreg:$0x0] =	wrdreg $0x60  }
0xaf: {  	[dreg:$0x2] =	wrdreg s24  }
0xb0: {  	[dreg:$0x3] =	wrdreg s2  }
0xb1: {  	[dreg:$0x4] =	wrdreg s18  }
0xb2: {  	[dreg:$0x5] =	wrdreg $0x9  }
0xb3: {  	_ =	task.clear_ibuf [dreg:s8], $0x6FFFF;
	_ =	strace $0x90000046  }
0xb4: {  	s29 =	simm.s32 $0x9;
	_ =	strace $0x80000048  }
0xb5: {  	_ =	swait.ge [sflag:s29], $0x1  }
0xb6: {  	[sflag:s29] =	ssyncadd.s32 $0xFFFFFFFF  }
0xb7: {  	_ =	strace $0x90000048  }
0xb8: {  	_ =	sfence  }
0xb9: {  	s30 =	sld [smem:$0x0];
	_ =	sdelay $0x2  }
0xba: {  	s31 =	sshll.u32 s1, $0xD;
	s1 =	sshrl.u32 s1, $0x2  }
0xbb: {  	s3 =	sand.u32 $0x4000, s31;
	s1 =	sadd.s32 s1, s30  }
0xbc: {  	s0 =	sor.u32 s3, s0;
	s1 =	sshll.u32 s1, $0x11  }
0xbd: {  	s0 =	sor.u32 s1, s0  }
0xbe: {  	s0 =	sadd.s32 $0x8F2B, s0  }
0xbf: {  	[sflag:s0] =	ssyncadd.remote.s32 $0x1  }
0xc0: {  	_ =	sfence.sel $0xFFFF  }
0xc1: {  	[dreg:$0x0] =	wrdreg $0xFFFFFFFF;
	(pc) =	sbr.abs _section_cstart, $3  }
0xc2: {  	[dreg:$0x1] =	wrdreg $0xFFFFFFFF  }
0xc3: {  	_ =	task.clear_ibuf [dreg:s8], $0x2FFFF;
	_ =	strace $0x9FFFFFFF  }
0xc4: {  	(tm) =	ssettm $0x7FFFFFFF  }
0xc5: {  	_ =	shalt  }
tec
execute0_lowered:
.L_overlay_start_1:
0x0: {  	(tag) =	ssettag $0x1  }
0x1: {  	s1 =	srdreg.scid;
	s2 =	stileid.u32  }
0x2: {  	s0 =	rddreg [dreg:$0x0];
	s1 =	sand.u32 $0x1, s1;
	s2 =	sshll.u32 s2, $0x1  }
0x3: {  	s5 =	rddreg [dreg:$0x1];
	s6 =	simm.s32 $0x0;
	s2 =	sor.u32 s1, s2  }
0x4: {  	[smem:$0x7FF] =	sst s6;
	s3 =	smul.u32 $0xC80, s2  }
0x5: {  	s0 =	sadd.s32 $0x1600, s0;
	s1 =	ssub.s32 $0x2, s1;
	s31 =	smul.u32 $0x28, s2  }
0x6: {  	_ =	strace $0x80000047;
	[dreg:$0x4] =	wrdreg s0;
	s4 =	sshrl.u32 s1, $0x1  }
0x7: {  	s29 =	ssub.s32 s1, s4;
	s30 =	sadd.s32 s5, s3;
	[dreg:$0x6] =	wrdreg s31  }
0x8: {  	s0 =	smax.u32 s29, $0x1;
	[dreg:$0x5] =	wrdreg s30  }
0x9: {  	s2 =	simm.s32 $0x0;
	[dreg:$0x7] =	wrdreg s0  }
.LBB2_1:
0xa: {  	[dreg:$0x8] =	wrdreg s2  }
0xb: {  	s0 =	rddreg [dreg:$0x4];
	s30 =	simm.s32 $0x5  }
0xc: {  	[tilespmem:s6], [sflag:$0x5] =	stream.linear.gather [hbm4b:s0+s6], $0x400, $0x38;
	[tilespmem:$0x14900] =	vst v63  }
0xd: {  	_ =	swait.ge [sflag:s30], $0x400  }
0xe: {  	s1 =	simm.s32 $0x400;
	[sflag:s30] =	ssyncset.done $0x0  }
0xf: {  	s19 =	simm.s32 $0x0;
	s31 =	rddreg [dreg:$0x5];
	[sflag:s30] =	ssyncadd.s32 $0xFFFFFC00  }
0x10: {  	[tilespmem:s1], [sflag:$0x3] =	stream.linear.gather [hbm4b:s31+s6], $0x280, $0x38;
	[tilespmem:$0x14900] =	vst v63  }
.LBB2_2:
0x11: {  	s0 =	sshll.u32 s19, $0x1;
	s1 =	rddreg [dreg:$0x6]  }
0x12: {  	s0 =	sadd.s32 s1, s0  }
0x13: {  	s2 =	simm.s32 $0x3;
	[dreg:$0xa] =	wrdreg s0  }
0x14: {  	s0 =	smul.u32 $0x280, s0;
	_ =	swait.ge [sflag:s2], $0x280  }
0x15: {  	[sflag:s2] =	ssyncset.done $0x0  }
0x16: {  	s0 =	sshrl.u32 s0, $0x3;
	s4 =	rddreg [dreg:$0x1]  }
0x17: {  	s5 =	simm.s32 $0x680;
	s0 =	sadd.s32 s4, s0  }
0x18: {  	p0 =	seq.s32 s19, $0x0;
	[sflag:s2] =	ssyncadd.s32 $0xFFFFFD80;
	s0 =	sadd.s32 $0x50, s0  }
0x19: {  	[tilespmem:s5], [sflag:$0x4] =	stream.linear.gather [hbm4b:s0+s6], $0x280, $0x38;
	[tilespmem:$0x14900] =	vst v63  }
0x1a: {  	s0 =	simm.s32 @!p0 $0x1  }
0x1b: {  	_ =	swait.ge @!p0 [sflag:s0], $0xA000  }
0x1c: {  	[sflag:s0] =	ssyncset.done @!p0 $0x0  }
0x1d: {  	s7 =	simm.s32 $0x400;
	[sflag:s0] =	ssyncadd.s32 @!p0 $0xFFFF6000  }
0x1e: {  	v0 =	vld [tilespmem:s7+$0x0];
	_ =	sdelay $0x4  }
0x1f: {  	v4 =	vshll.u32 v0, $0x6  }
0x20: {  	(v2sf) =	vpush v4, $0x0;
	_ =	sdelay $0xe  }
0x21: {  	s8 =	spop (v2sf)  }
0x22: {  	v0 =	vld [tilespmem:s8+$0x0];
	_ =	sdelay $0x3  }
0x23: {  	s21 =	simm.s32 $0xB00  }
0x24: {  	[tilespmem:s21+$0xFFFFFE00] =	vst v0  }
0x25: {  	v0 =	vld [tilespmem:s8+$0x10];
	_ =	sdelay $0x1  }
0x26: {  	(v2sf) =	vpush v4, $0x1;
	_ =	sdelay $0x2  }
0x27: {  	[tilespmem:s21+$0xFFFFFE10] =	vst v0  }
0x28: {  	v0 =	vld [tilespmem:s8+$0x20];
	_ =	sdelay $0x4  }
0x29: {  	[tilespmem:s21+$0xFFFFFE20] =	vst v0  }
0x2a: {  	v0 =	vld [tilespmem:s8+$0x30];
	_ =	sdelay $0x4  }
0x2b: {  	s9 =	spop (v2sf);
	[tilespmem:s21+$0xFFFFFE30] =	vst v0  }
0x2c: {  	v0 =	vld [tilespmem:s9+$0x0];
	_ =	sdelay $0x4  }
0x2d: {  	[tilespmem:s21+$0xFFFFFE40] =	vst v0  }
0x2e: {  	v0 =	vld [tilespmem:s9+$0x10];
	_ =	sdelay $0x1  }
0x2f: {  	(v2sf) =	vpush v4, $0x2;
	_ =	sdelay $0x2  }
0x30: {  	[tilespmem:s21+$0xFFFFFE50] =	vst v0  }
0x31: {  	v0 =	vld [tilespmem:s9+$0x20];
	_ =	sdelay $0x4  }
0x32: {  	[tilespmem:s21+$0xFFFFFE60] =	vst v0  }
0x33: {  	s10 =	simm.s32 $0x410;
	v0 =	vld [tilespmem:s9+$0x30]  }
0x34: {  	v1 =	vld [tilespmem:s10+$0x0];
	_ =	sdelay $0x3  }
0x35: {  	s11 =	spop (v2sf);
	[tilespmem:s21+$0xFFFFFE70] =	vst v0  }
0x36: {  	v3 =	vshll.u32 v1, $0x6;
	v0 =	vld [tilespmem:s11+$0x0]  }
0x37: {  	(v2sf) =	vpush v3, $0x0;
	_ =	sdelay $0x3  }
0x38: {  	[tilespmem:s21+$0xFFFFFE80] =	vst v0  }
0x39: {  	v0 =	vld [tilespmem:s11+$0x10];
	_ =	sdelay $0x1  }
0x3a: {  	(v2sf) =	vpush v4, $0x3;
	_ =	sdelay $0x2  }
0x3b: {  	[tilespmem:s21+$0xFFFFFE90] =	vst v0  }
0x3c: {  	v0 =	vld [tilespmem:s11+$0x20];
	_ =	sdelay $0x3  }
0x3d: {  	s12 =	spop (v2sf)  }
0x3e: {  	v1 =	vld [tilespmem:s12+$0x0];
	[tilespmem:s21+$0xFFFFFEA0] =	vst v0  }
0x3f: {  	v0 =	vld [tilespmem:s11+$0x30];
	_ =	sdelay $0x2  }
0x40: {  	s22 =	simm.s32 $0xF00  }
0x41: {  	[tilespmem:s22+$0xFFFFFE00] =	vst v1  }
0x42: {  	v1 =	vld [tilespmem:s12+$0x10];
	s13 =	spop (v2sf);
	[tilespmem:s21+$0xFFFFFEB0] =	vst v0  }
0x43: {  	v0 =	vld [tilespmem:s13+$0x0]  }
0x44: {  	(v2sf) =	vpush v3, $0x1;
	_ =	sdelay $0x2  }
0x45: {  	[tilespmem:s22+$0xFFFFFE10] =	vst v1  }
0x46: {  	v1 =	vld [tilespmem:s12+$0x20];
	[tilespmem:s21+$0xFFFFFEC0] =	vst v0  }
0x47: {  	v0 =	vld [tilespmem:s13+$0x10];
	_ =	sdelay $0x1  }
0x48: {  	(v2sf) =	vpush v4, $0x4;
	_ =	sdelay $0x1  }
0x49: {  	[tilespmem:s22+$0xFFFFFE20] =	vst v1  }
0x4a: {  	v1 =	vld [tilespmem:s12+$0x30];
	[tilespmem:s21+$0xFFFFFED0] =	vst v0  }
0x4b: {  	v0 =	vld [tilespmem:s13+$0x20];
	_ =	sdelay $0x3  }
0x4c: {  	s14 =	spop (v2sf);
	[tilespmem:s22+$0xFFFFFE30] =	vst v1  }
0x4d: {  	v1 =	vld [tilespmem:s14+$0x0];
	[tilespmem:s21+$0xFFFFFEE0] =	vst v0  }
0x4e: {  	v0 =	vld [tilespmem:s13+$0x30];
	_ =	sdelay $0x3  }
0x4f: {  	[tilespmem:s22+$0xFFFFFE40] =	vst v1  }
0x50: {  	s15 =	spop (v2sf);
	v1 =	vld [tilespmem:s14+$0x10];
	[tilespmem:s21+$0xFFFFFEF0] =	vst v0  }
0x51: {  	v0 =	vld [tilespmem:s15+$0x0]  }
0x52: {  	(v2sf) =	vpush v3, $0x2;
	_ =	sdelay $0x2  }
0x53: {  	[tilespmem:s22+$0xFFFFFE50] =	vst v1  }
0x54: {  	v1 =	vld [tilespmem:s14+$0x20];
	[tilespmem:s21+$0xFFFFFF00] =	vst v0  }
0x55: {  	v0 =	vld [tilespmem:s15+$0x10];
	_ =	sdelay $0x1  }
0x56: {  	(v2sf) =	vpush v4, $0x5  }
0x57: {  	s16 =	simm.s32 $0x420  }
0x58: {  	v2 =	vld [tilespmem:s16+$0x0];
	[tilespmem:s22+$0xFFFFFE60] =	vst v1  }
0x59: {  	v1 =	vld [tilespmem:s14+$0x30];
	[tilespmem:s21+$0xFFFFFF10] =	vst v0  }
0x5a: {  	v0 =	vld [tilespmem:s15+$0x20];
	_ =	sdelay $0x2  }
0x5b: {  	v2 =	vshll.u32 v2, $0x6  }
0x5c: {  	(v2sf) =	vpush v2, $0x0;
	s17 =	spop (v2sf);
	[tilespmem:s22+$0xFFFFFE70] =	vst v1  }
0x5d: {  	v1 =	vld [tilespmem:s17+$0x0];
	[tilespmem:s21+$0xFFFFFF20] =	vst v0  }
0x5e: {  	v0 =	vld [tilespmem:s15+$0x30];
	_ =	sdelay $0x3  }
0x5f: {  	[tilespmem:s22+$0xFFFFFE80] =	vst v1  }
0x60: {  	s18 =	spop (v2sf);
	v1 =	vld [tilespmem:s17+$0x10];
	[tilespmem:s21+$0xFFFFFF30] =	vst v0  }
0x61: {  	v0 =	vld [tilespmem:s18+$0x0]  }
0x62: {  	(v2sf) =	vpush v3, $0x3;
	_ =	sdelay $0x2  }
0x63: {  	[tilespmem:s22+$0xFFFFFE90] =	vst v1  }
0x64: {  	v1 =	vld [tilespmem:s17+$0x20];
	[tilespmem:s21+$0xFFFFFF40] =	vst v0  }
0x65: {  	v0 =	vld [tilespmem:s18+$0x10]  }
0x66: {  	s20 =	spop (v2sf)  }
0x67: {  	(v2sf) =	vpush v4, $0x6;
	v5 =	vld [tilespmem:s20+$0x0];
	_ =	sdelay $0x1  }
0x68: {  	[tilespmem:s22+$0xFFFFFEA0] =	vst v1  }
0x69: {  	v1 =	vld [tilespmem:s17+$0x30];
	[tilespmem:s21+$0xFFFFFF50] =	vst v0  }
0x6a: {  	s23 =	simm.s32 $0x1300;
	v0 =	vld [tilespmem:s18+$0x20]  }
0x6b: {  	[tilespmem:s23+$0xFFFFFE00] =	vst v5  }
0x6c: {  	v5 =	vld [tilespmem:s20+$0x10];
	_ =	sdelay $0x1  }
0x6d: {  	(v2sf) =	vpush v2, $0x1;
	s24 =	spop (v2sf);
	[tilespmem:s22+$0xFFFFFEB0] =	vst v1  }
0x6e: {  	v1 =	vld [tilespmem:s24+$0x0];
	[tilespmem:s21+$0xFFFFFF60] =	vst v0  }
0x6f: {  	v0 =	vld [tilespmem:s18+$0x30]  }
0x70: {  	[tilespmem:s23+$0xFFFFFE10] =	vst v5  }
0x71: {  	v5 =	vld [tilespmem:s20+$0x20];
	_ =	sdelay $0x1  }
0x72: {  	[tilespmem:s22+$0xFFFFFEC0] =	vst v1  }
0x73: {  	s25 =	spop (v2sf);
	v1 =	vld [tilespmem:s24+$0x10];
	[tilespmem:s21+$0xFFFFFF70] =	vst v0  }
0x74: {  	v0 =	vld [tilespmem:s25+$0x0]  }
0x75: {  	(v2sf) =	vpush v3, $0x4;
	[tilespmem:s23+$0xFFFFFE20] =	vst v5  }
0x76: {  	v5 =	vld [tilespmem:s20+$0x30];
	_ =	sdelay $0x1  }
0x77: {  	[tilespmem:s22+$0xFFFFFED0] =	vst v1  }
0x78: {  	v1 =	vld [tilespmem:s24+$0x20];
	[tilespmem:s21+$0xFFFFFF80] =	vst v0  }
0x79: {  	v0 =	vld [tilespmem:s25+$0x10]  }
0x7a: {  	s26 =	spop (v2sf);
	[tilespmem:s23+$0xFFFFFE30] =	vst v5  }
0x7b: {  	(v2sf) =	vpush v4, $0x7;
	v5 =	vld [tilespmem:s26+$0x0];
	_ =	sdelay $0x1  }
0x7c: {  	[tilespmem:s22+$0xFFFFFEE0] =	vst v1  }
0x7d: {  	v1 =	vld [tilespmem:s24+$0x30];
	[tilespmem:s21+$0xFFFFFF90] =	vst v0  }
0x7e: {  	v0 =	vld [tilespmem:s25+$0x20]  }
0x7f: {  	[tilespmem:s23+$0xFFFFFE40] =	vst v5  }
0x80: {  	v5 =	vld [tilespmem:s26+$0x10];
	_ =	sdelay $0x1  }
0x81: {  	(v2sf) =	vpush v2, $0x2;
	s28 =	spop (v2sf);
	[tilespmem:s22+$0xFFFFFEF0] =	vst v1  }
0x82: {  	v1 =	vld [tilespmem:s28+$0x0];
	[tilespmem:s21+$0xFFFFFFA0] =	vst v0  }
0x83: {  	v0 =	vld [tilespmem:s25+$0x30]  }
0x84: {  	[tilespmem:s23+$0xFFFFFE50] =	vst v5  }
0x85: {  	v5 =	vld [tilespmem:s26+$0x20];
	_ =	sdelay $0x1  }
0x86: {  	[tilespmem:s22+$0xFFFFFF00] =	vst v1  }
0x87: {  	s29 =	spop (v2sf);
	v1 =	vld [tilespmem:s28+$0x10];
	[tilespmem:s21+$0xFFFFFFB0] =	vst v0  }
0x88: {  	v0 =	vld [tilespmem:s29+$0x0]  }
0x89: {  	(v2sf) =	vpush v3, $0x5;
	[tilespmem:s23+$0xFFFFFE60] =	vst v5  }
0x8a: {  	v5 =	vld [tilespmem:s26+$0x30]  }
0x8b: {  	s3 =	simm.s32 $0x430  }
0x8c: {  	v6 =	vld [tilespmem:s3+$0x0];
	[tilespmem:s22+$0xFFFFFF10] =	vst v1  }
0x8d: {  	v7 =	vld [tilespmem:s28+$0x20];
	[tilespmem:s21+$0xFFFFFFC0] =	vst v0  }
0x8e: {  	v0 =	vld [tilespmem:s29+$0x10]  }
0x8f: {  	s30 =	spop (v2sf);
	[tilespmem:s23+$0xFFFFFE70] =	vst v5  }
0x90: {  	(v2sf) =	vpush v4, $0x8;
	v5 =	vld [tilespmem:s30+$0x0];
	_ =	sdelay $0x1  }
0x91: {  	[tilespmem:s22+$0xFFFFFF20] =	vst v7  }
0x92: {  	v1 =	vshll.u32 v6, $0x6;
	v6 =	vld [tilespmem:s28+$0x30];
	[tilespmem:s21+$0xFFFFFFD0] =	vst v0  }
0x93: {  	(v2sf) =	vpush v1, $0x0;
	v0 =	vld [tilespmem:s29+$0x20]  }
0x94: {  	[tilespmem:s23+$0xFFFFFE80] =	vst v5  }
0x95: {  	v5 =	vld [tilespmem:s30+$0x10];
	_ =	sdelay $0x1  }
0x96: {  	s31 =	spop (v2sf);
	(v2sf) =	vpush v2, $0x3;
	[tilespmem:s22+$0xFFFFFF30] =	vst v6  }
0x97: {  	v6 =	vld [tilespmem:s31+$0x0];
	[tilespmem:s21+$0xFFFFFFE0] =	vst v0  }
0x98: {  	v0 =	vld [tilespmem:s29+$0x30]  }
0x99: {  	[tilespmem:s23+$0xFFFFFE90] =	vst v5  }
0x9a: {  	v5 =	vld [tilespmem:s30+$0x20];
	_ =	sdelay $0x1  }
0x9b: {  	[tilespmem:s22+$0xFFFFFF40] =	vst v6  }
0x9c: {  	s3 =	spop (v2sf);
	v6 =	vld [tilespmem:s31+$0x10];
	[tilespmem:s21+$0xFFFFFFF0] =	vst v0  }
0x9d: {  	v0 =	vld [tilespmem:s3+$0x0]  }
0x9e: {  	[tilespmem:s23+$0xFFFFFEA0] =	vst v5;
	(v2sf) =	vpush v3, $0x6  }
0x9f: {  	v5 =	vld [tilespmem:s30+$0x30]  }
0xa0: {  	s4 =	spop (v2sf)  }
0xa1: {  	v7 =	vld [tilespmem:s4+$0x0];
	[tilespmem:s22+$0xFFFFFF50] =	vst v6  }
0xa2: {  	v6 =	vld [tilespmem:s31+$0x20];
	[tilespmem:s21+$0x0] =	vst v0  }
0xa3: {  	v0 =	vld [tilespmem:s3+$0x10]  }
0xa4: {  	[tilespmem:s23+$0xFFFFFEB0] =	vst v5;
	s5 =	spop (v2sf)  }
0xa5: {  	s24 =	simm.s32 $0x1700;
	(v2sf) =	vpush v4, $0x9;
	v5 =	vld [tilespmem:s5+$0x0]  }
0xa6: {  	[tilespmem:s24+$0xFFFFFE00] =	vst v7  }
0xa7: {  	v7 =	vld [tilespmem:s4+$0x10];
	[tilespmem:s22+$0xFFFFFF60] =	vst v6  }
0xa8: {  	v6 =	vld [tilespmem:s31+$0x30];
	[tilespmem:s21+$0x10] =	vst v0  }
0xa9: {  	(v2sf) =	vpush v1, $0x1;
	v0 =	vld [tilespmem:s3+$0x20]  }
0xaa: {  	[tilespmem:s23+$0xFFFFFEC0] =	vst v5  }
0xab: {  	v5 =	vld [tilespmem:s5+$0x10]  }
0xac: {  	[tilespmem:s24+$0xFFFFFE10] =	vst v7  }
0xad: {  	s6 =	spop (v2sf);
	(v2sf) =	vpush v2, $0x4;
	v7 =	vld [tilespmem:s4+$0x20];
	[tilespmem:s22+$0xFFFFFF70] =	vst v6  }
0xae: {  	v6 =	vld [tilespmem:s6+$0x0];
	[tilespmem:s21+$0x20] =	vst v0  }
0xaf: {  	v0 =	vld [tilespmem:s3+$0x30]  }
0xb0: {  	[tilespmem:s23+$0xFFFFFED0] =	vst v5  }
0xb1: {  	v5 =	vld [tilespmem:s5+$0x20]  }
0xb2: {  	[tilespmem:s24+$0xFFFFFE20] =	vst v7  }
0xb3: {  	v7 =	vld [tilespmem:s4+$0x30];
	[tilespmem:s22+$0xFFFFFF80] =	vst v6  }
0xb4: {  	s7 =	spop (v2sf);
	v6 =	vld [tilespmem:s6+$0x10];
	[tilespmem:s21+$0x30] =	vst v0  }
0xb5: {  	v0 =	vld [tilespmem:s7+$0x0]  }
0xb6: {  	(v2sf) =	vpush v3, $0x7;
	[tilespmem:s23+$0xFFFFFEE0] =	vst v5  }
0xb7: {  	v5 =	vld [tilespmem:s5+$0x30]  }
0xb8: {  	s8 =	spop (v2sf);
	[tilespmem:s24+$0xFFFFFE30] =	vst v7  }
0xb9: {  	v7 =	vld [tilespmem:s8+$0x0];
	[tilespmem:s22+$0xFFFFFF90] =	vst v6  }
0xba: {  	v6 =	vld [tilespmem:s6+$0x20];
	[tilespmem:s21+$0x40] =	vst v0  }
0xbb: {  	v0 =	vld [tilespmem:s7+$0x10]  }
0xbc: {  	s9 =	spop (v2sf);
	[tilespmem:s23+$0xFFFFFEF0] =	vst v5  }
0xbd: {  	(v2sf) =	vpush v4, $0xA;
	v5 =	vld [tilespmem:s9+$0x0]  }
0xbe: {  	[tilespmem:s24+$0xFFFFFE40] =	vst v7  }
0xbf: {  	v7 =	vld [tilespmem:s8+$0x10];
	[tilespmem:s22+$0xFFFFFFA0] =	vst v6  }
0xc0: {  	v6 =	vld [tilespmem:s6+$0x30];
	[tilespmem:s21+$0x50] =	vst v0  }
0xc1: {  	(v2sf) =	vpush v1, $0x2;
	v0 =	vld [tilespmem:s7+$0x20]  }
0xc2: {  	[tilespmem:s23+$0xFFFFFF00] =	vst v5  }
0xc3: {  	v5 =	vld [tilespmem:s9+$0x10]  }
0xc4: {  	[tilespmem:s24+$0xFFFFFE50] =	vst v7  }
0xc5: {  	s10 =	spop (v2sf);
	(v2sf) =	vpush v2, $0x5;
	v7 =	vld [tilespmem:s8+$0x20];
	[tilespmem:s22+$0xFFFFFFB0] =	vst v6  }
0xc6: {  	v6 =	vld [tilespmem:s10+$0x0];
	[tilespmem:s21+$0x60] =	vst v0  }
0xc7: {  	v0 =	vld [tilespmem:s7+$0x30]  }
0xc8: {  	[tilespmem:s23+$0xFFFFFF10] =	vst v5  }
0xc9: {  	s11 =	simm.s32 $0x440;
	v5 =	vld [tilespmem:s9+$0x20]  }
0xca: {  	v8 =	vld [tilespmem:s11+$0x0];
	[tilespmem:s24+$0xFFFFFE60] =	vst v7  }
0xcb: {  	v7 =	vld [tilespmem:s8+$0x30];
	[tilespmem:s22+$0xFFFFFFC0] =	vst v6  }
0xcc: {  	s12 =	spop (v2sf);
	v6 =	vld [tilespmem:s10+$0x10];
	[tilespmem:s21+$0x70] =	vst v0  }
0xcd: {  	v9 =	vld [tilespmem:s12+$0x0]  }
0xce: {  	(v2sf) =	vpush v3, $0x8;
	[tilespmem:s23+$0xFFFFFF20] =	vst v5  }
0xcf: {  	v5 =	vld [tilespmem:s9+$0x30]  }
0xd0: {  	s13 =	spop (v2sf);
	[tilespmem:s24+$0xFFFFFE70] =	vst v7  }
0xd1: {  	v7 =	vld [tilespmem:s13+$0x0];
	[tilespmem:s22+$0xFFFFFFD0] =	vst v6;
	v0 =	vshll.u32 v8, $0x6  }
0xd2: {  	v6 =	vld [tilespmem:s10+$0x20];
	(v2sf) =	vpush v0, $0x0;
	[tilespmem:s21+$0x80] =	vst v9  }
0xd3: {  	v8 =	vld [tilespmem:s12+$0x10]  }
0xd4: {  	s14 =	spop (v2sf);
	[tilespmem:s23+$0xFFFFFF30] =	vst v5  }
0xd5: {  	v5 =	vld [tilespmem:s14+$0x0];
	(v2sf) =	vpush v4, $0xB  }
0xd6: {  	[tilespmem:s24+$0xFFFFFE80] =	vst v7  }
0xd7: {  	v7 =	vld [tilespmem:s13+$0x10];
	[tilespmem:s22+$0xFFFFFFE0] =	vst v6  }
0xd8: {  	v6 =	vld [tilespmem:s10+$0x30];
	[tilespmem:s21+$0x90] =	vst v8  }
0xd9: {  	(v2sf) =	vpush v1, $0x3;
	v8 =	vld [tilespmem:s12+$0x20]  }
0xda: {  	[tilespmem:s23+$0xFFFFFF40] =	vst v5  }
0xdb: {  	v5 =	vld [tilespmem:s14+$0x10]  }
0xdc: {  	[tilespmem:s24+$0xFFFFFE90] =	vst v7  }
0xdd: {  	s15 =	spop (v2sf);
	v7 =	vld [tilespmem:s13+$0x20];
	[tilespmem:s22+$0xFFFFFFF0] =	vst v6;
	(v2sf) =	vpush v2, $0x6  }
0xde: {  	v6 =	vld [tilespmem:s15+$0x0];
	[tilespmem:s21+$0xA0] =	vst v8  }
0xdf: {  	v8 =	vld [tilespmem:s12+$0x30]  }
0xe0: {  	[tilespmem:s23+$0xFFFFFF50] =	vst v5  }
0xe1: {  	v5 =	vld [tilespmem:s14+$0x20];
	s16 =	spop (v2sf)  }
0xe2: {  	[tilespmem:s24+$0xFFFFFEA0] =	vst v7;
	v9 =	vld [tilespmem:s16+$0x0]  }
0xe3: {  	v7 =	vld [tilespmem:s13+$0x30];
	[tilespmem:s22+$0x0] =	vst v6;
	(v2sf) =	vpush v3, $0x9  }
0xe4: {  	v6 =	vld [tilespmem:s15+$0x10];
	s17 =	spop (v2sf);
	[tilespmem:s21+$0xB0] =	vst v8  }
0xe5: {  	v8 =	vld [tilespmem:s17+$0x0]  }
0xe6: {  	s25 =	simm.s32 $0x1B00;
	[tilespmem:s23+$0xFFFFFF60] =	vst v5  }
0xe7: {  	v5 =	vld [tilespmem:s14+$0x30];
	[tilespmem:s25+$0xFFFFFE00] =	vst v9  }
0xe8: {  	[tilespmem:s24+$0xFFFFFEB0] =	vst v7;
	s4 =	spop (v2sf);
	v9 =	vld [tilespmem:s16+$0x10]  }
0xe9: {  	[tilespmem:s22+$0x10] =	vst v6;
	v7 =	vld [tilespmem:s4+$0x0]  }
0xea: {  	v6 =	vld [tilespmem:s15+$0x20];
	(v2sf) =	vpush v0, $0x1;
	[tilespmem:s21+$0xC0] =	vst v8  }
0xeb: {  	v8 =	vld [tilespmem:s17+$0x10]  }
0xec: {  	[tilespmem:s23+$0xFFFFFF70] =	vst v5;
	s18 =	spop (v2sf)  }
0xed: {  	(v2sf) =	vpush v4, $0xC;
	v5 =	vld [tilespmem:s18+$0x0];
	[tilespmem:s25+$0xFFFFFE10] =	vst v9  }
0xee: {  	[tilespmem:s24+$0xFFFFFEC0] =	vst v7;
	v9 =	vld [tilespmem:s16+$0x20]  }
0xef: {  	[tilespmem:s22+$0x20] =	vst v6;
	v7 =	vld [tilespmem:s4+$0x10]  }
0xf0: {  	v6 =	vld [tilespmem:s15+$0x30];
	(v2sf) =	vpush v1, $0x4;
	[tilespmem:s21+$0xD0] =	vst v8  }
0xf1: {  	v8 =	vld [tilespmem:s17+$0x20]  }
0xf2: {  	[tilespmem:s23+$0xFFFFFF80] =	vst v5;
	s20 =	spop (v2sf);
	(v2sf) =	vpush v2, $0x7  }
0xf3: {  	v5 =	vld [tilespmem:s18+$0x10];
	[tilespmem:s25+$0xFFFFFE20] =	vst v9  }
0xf4: {  	[tilespmem:s24+$0xFFFFFED0] =	vst v7;
	v9 =	vld [tilespmem:s16+$0x30]  }
0xf5: {  	[tilespmem:s22+$0x30] =	vst v6;
	v7 =	vld [tilespmem:s4+$0x20]  }
0xf6: {  	v6 =	vld [tilespmem:s20+$0x0];
	[tilespmem:s21+$0xE0] =	vst v8  }
0xf7: {  	v8 =	vld [tilespmem:s17+$0x30]  }
0xf8: {  	[tilespmem:s23+$0xFFFFFF90] =	vst v5  }
0xf9: {  	v5 =	vld [tilespmem:s18+$0x20];
	s26 =	spop (v2sf);
	[tilespmem:s25+$0xFFFFFE30] =	vst v9  }
0xfa: {  	[tilespmem:s24+$0xFFFFFEE0] =	vst v7;
	v9 =	vld [tilespmem:s26+$0x0]  }
0xfb: {  	v7 =	vld [tilespmem:s4+$0x30];
	[tilespmem:s22+$0x40] =	vst v6  }
0xfc: {  	s28 =	spop (v2sf);
	v6 =	vld [tilespmem:s20+$0x10];
	[tilespmem:s21+$0xF0] =	vst v8  }
0xfd: {  	v8 =	vld [tilespmem:s28+$0x0]  }
0xfe: {  	(v2sf) =	vpush v3, $0xA;
	[tilespmem:s23+$0xFFFFFFA0] =	vst v5  }
0xff: {  	s29 =	spop (v2sf);
	(v2sf) =	vpush v0, $0x2;
	v5 =	vld [tilespmem:s18+$0x30];
	[tilespmem:s25+$0xFFFFFE40] =	vst v9  }
0x100: {  	(v2sf) =	vpush v4, $0xD;
	[tilespmem:s24+$0xFFFFFEF0] =	vst v7;
	v9 =	vld [tilespmem:s26+$0x10]  }
0x101: {  	v7 =	vld [tilespmem:s29+$0x0];
	[tilespmem:s22+$0x50] =	vst v6;
	s5 =	spop (v2sf);
	(v2sf) =	vpush v1, $0x5  }
0x102: {  	v6 =	vld [tilespmem:s20+$0x20];
	[tilespmem:s21+$0x100] =	vst v8  }
0x103: {  	v8 =	vld [tilespmem:s28+$0x10]  }
0x104: {  	[tilespmem:s23+$0xFFFFFFB0] =	vst v5  }
0x105: {  	v5 =	vld [tilespmem:s5+$0x0];
	[tilespmem:s25+$0xFFFFFE50] =	vst v9  }
0x106: {  	[tilespmem:s24+$0xFFFFFF00] =	vst v7;
	v9 =	vld [tilespmem:s26+$0x20]  }
0x107: {  	v7 =	vld [tilespmem:s29+$0x10];
	[tilespmem:s22+$0x60] =	vst v6  }
0x108: {  	v6 =	vld [tilespmem:s20+$0x30];
	[tilespmem:s21+$0x110] =	vst v8  }
0x109: {  	s30 =	simm.s32 $0x450;
	v8 =	vld [tilespmem:s28+$0x20]  }
0x10a: {  	v10 =	vld [tilespmem:s30+$0x0];
	[tilespmem:s23+$0xFFFFFFC0] =	vst v5  }
0x10b: {  	v5 =	vld [tilespmem:s5+$0x10];
	[tilespmem:s25+$0xFFFFFE60] =	vst v9  }
0x10c: {  	[tilespmem:s24+$0xFFFFFF10] =	vst v7;
	v9 =	vld [tilespmem:s26+$0x30]  }
0x10d: {  	s6 =	spop (v2sf);
	v7 =	vld [tilespmem:s29+$0x20];
	[tilespmem:s22+$0x70] =	vst v6  }
0x10e: {  	s8 =	spop (v2sf);
	v6 =	vld [tilespmem:s6+$0x0];
	[tilespmem:s21+$0x120] =	vst v8  }
0x10f: {  	s3 =	spop (v2sf);
	v8 =	vld [tilespmem:s28+$0x30]  }
0x110: {  	[tilespmem:s23+$0xFFFFFFD0] =	vst v5;
	s2 =	spop (v2sf);
	(v2sf) =	vpush v2, $0x8  }
0x111: {  	v12 =	vld [tilespmem:s5+$0x20];
	[tilespmem:s25+$0xFFFFFE70] =	vst v9  }
0x112: {  	v5 =	vshll.u32 v10, $0x6;
	[tilespmem:s24+$0xFFFFFF20] =	vst v7;
	v9 =	vld [tilespmem:s8+$0x0]  }
0x113: {  	v11 =	vld [tilespmem:s29+$0x30];
	[tilespmem:s22+$0x80] =	vst v6;
	(v2sf) =	vpush v5, $0x0  }
0x114: {  	v6 =	vld [tilespmem:s6+$0x10];
	[tilespmem:s21+$0x130] =	vst v8  }
0x115: {  	v13 =	vld [tilespmem:s3+$0x0]  }
0x116: {  	[tilespmem:s23+$0xFFFFFFE0] =	vst v12  }
0x117: {  	(v2sf) =	vpush v3, $0xB;
	[tilespmem:s25+$0xFFFFFE80] =	vst v9  }
0x118: {  	[tilespmem:s24+$0xFFFFFF30] =	vst v11;
	v7 =	vld [tilespmem:s8+$0x10]  }
0x119: {  	[tilespmem:s22+$0x90] =	vst v6;
	v9 =	vld [tilespmem:s2+$0x0]  }
0x11a: {  	s31 =	sshllo.u32 s19, $0x1;
	(v2sf) =	vpush v0, $0x3;
	v10 =	vld [tilespmem:s5+$0x30];
	[tilespmem:s21+$0x140] =	vst v13  }
0x11b: {  	v8 =	vld [tilespmem:s6+$0x20];
	[dreg:$0xb] =	wrdreg s31  }
0x11c: {  	s1 =	simm.s32 $0x460;
	s0 =	simm.s32 $0x50;
	v11 =	vld [tilespmem:s3+$0x10]  }
.LBB2_3:
0x11d: {  	v6 =	vld [tilespmem:s1+$0x0];
	[tilespmem:s25+$0xFFFFFE90] =	vst v7;
	s5 =	smov.u32 s23;
	s23 =	smov.u32 s24;
	s24 =	smov.u32 s25  }
0x11e: {  	v7 =	vld [tilespmem:s8+$0x20];
	[tilespmem:s23+$0xFFFFFF40] =	vst v9;
	(v2sf) =	vpush v4, $0xE  }
0x11f: {  	v9 =	vld [tilespmem:s2+$0x10];
	[tilespmem:s5+$0xFFFFFFF0] =	vst v10;
	s9 =	spop (v2sf)  }
0x120: {  	v10 =	vld [tilespmem:s9+$0x0];
	[tilespmem:s22+$0xA0] =	vst v8  }
0x121: {  	(v2sf) =	vpush v1, $0x6;
	v8 =	vld [tilespmem:s6+$0x30];
	[tilespmem:s21+$0x150] =	vst v11  }
0x122: {  	s7 =	spop (v2sf);
	v11 =	vld [tilespmem:s3+$0x20]  }
0x123: {  	v12 =	vld [tilespmem:s7+$0x0];
	[tilespmem:s25+$0xFFFFFEA0] =	vst v7  }
0x124: {  	v7 =	vld [tilespmem:s8+$0x30];
	[tilespmem:s23+$0xFFFFFF50] =	vst v9  }
0x125: {  	v9 =	vld [tilespmem:s2+$0x20];
	[tilespmem:s5+$0x0] =	vst v10  }
0x126: {  	v10 =	vld [tilespmem:s9+$0x10];
	[tilespmem:s22+$0xB0] =	vst v8;
	s4 =	spop (v2sf)  }
0x127: {  	s25 =	sadd.s32 $0x400, s25;
	v8 =	vld [tilespmem:s4+$0x0];
	[tilespmem:s21+$0x160] =	vst v11  }
0x128: {  	[tilespmem:s25+$0xFFFFFE00] =	vst v12;
	(v2sf) =	vpush v2, $0x9;
	v11 =	vld [tilespmem:s3+$0x30]  }
0x129: {  	v12 =	vld [tilespmem:s7+$0x10];
	[tilespmem:s24+$0xFFFFFEB0] =	vst v7;
	s3 =	spop (v2sf)  }
0x12a: {  	v7 =	vld [tilespmem:s3+$0x0];
	[tilespmem:s23+$0xFFFFFF60] =	vst v9  }
0x12b: {  	(v2sf) =	vpush v5, $0x1;
	v9 =	vld [tilespmem:s2+$0x30];
	[tilespmem:s5+$0x10] =	vst v10  }
0x12c: {  	v10 =	vld [tilespmem:s9+$0x20];
	[tilespmem:s22+$0xC0] =	vst v8  }
0x12d: {  	v8 =	vld [tilespmem:s4+$0x10];
	[tilespmem:s21+$0x170] =	vst v11;
	s2 =	spop (v2sf)  }
0x12e: {  	[tilespmem:s25+$0xFFFFFE10] =	vst v12;
	v11 =	vld [tilespmem:s2+$0x0]  }
0x12f: {  	v12 =	vld [tilespmem:s7+$0x20];
	[tilespmem:s24+$0xFFFFFEC0] =	vst v7;
	(v2sf) =	vpush v3, $0xC  }
0x130: {  	v7 =	vld [tilespmem:s3+$0x10];
	[tilespmem:s23+$0xFFFFFF70] =	vst v9;
	s6 =	spop (v2sf)  }
0x131: {  	v9 =	vld [tilespmem:s6+$0x0];
	[tilespmem:s5+$0x20] =	vst v10  }
0x132: {  	(v2sf) =	vpush v0, $0x4;
	v10 =	vld [tilespmem:s9+$0x30];
	[tilespmem:s22+$0xD0] =	vst v8  }
0x133: {  	v8 =	vld [tilespmem:s4+$0x20];
	[tilespmem:s21+$0x180] =	vst v11  }
0x134: {  	[tilespmem:s25+$0xFFFFFE20] =	vst v12;
	v11 =	vld [tilespmem:s2+$0x10]  }
0x135: {  	v12 =	vld [tilespmem:s7+$0x30];
	[tilespmem:s24+$0xFFFFFED0] =	vst v7  }
0x136: {  	v7 =	vld [tilespmem:s3+$0x20];
	[tilespmem:s23+$0xFFFFFF80] =	vst v9;
	(v2sf) =	vpush v4, $0xF;
	v4 =	vmovc v3;
	v3 =	vmovc v2;
	v2 =	vmov v1;
	v1 =	vmov v0  }
0x137: {  	v0 =	vmov v5;
	v9 =	vld [tilespmem:s6+$0x10];
	[tilespmem:s5+$0x30] =	vst v10;
	s7 =	spop (v2sf)  }
0x138: {  	v5 =	vld [tilespmem:s7+$0x0];
	[tilespmem:s22+$0xE0] =	vst v8  }
0x139: {  	(v2sf) =	vpush v2, $0x7;
	v8 =	vld [tilespmem:s4+$0x30];
	[tilespmem:s21+$0x190] =	vst v11  }
0x13a: {  	[tilespmem:s25+$0xFFFFFE30] =	vst v12;
	s9 =	spop (v2sf);
	v10 =	vld [tilespmem:s2+$0x20]  }
0x13b: {  	v11 =	vld [tilespmem:s9+$0x0];
	[tilespmem:s24+$0xFFFFFEE0] =	vst v7  }
0x13c: {  	v7 =	vld [tilespmem:s3+$0x30];
	[tilespmem:s23+$0xFFFFFF90] =	vst v9  }
0x13d: {  	v9 =	vld [tilespmem:s6+$0x20];
	[tilespmem:s5+$0x40] =	vst v5  }
0x13e: {  	v5 =	vld [tilespmem:s7+$0x10];
	[tilespmem:s22+$0xF0] =	vst v8;
	s8 =	spop (v2sf)  }
0x13f: {  	v8 =	vld [tilespmem:s8+$0x0];
	[tilespmem:s21+$0x1A0] =	vst v10  }
0x140: {  	[tilespmem:s25+$0xFFFFFE40] =	vst v11;
	(v2sf) =	vpush v3, $0xA;
	v10 =	vld [tilespmem:s2+$0x30]  }
0x141: {  	v11 =	vld [tilespmem:s9+$0x10];
	[tilespmem:s24+$0xFFFFFEF0] =	vst v7;
	s3 =	spop (v2sf)  }
0x142: {  	v7 =	vld [tilespmem:s3+$0x0];
	[tilespmem:s23+$0xFFFFFFA0] =	vst v9  }
0x143: {  	(v2sf) =	vpush v0, $0x2;
	v9 =	vld [tilespmem:s6+$0x30];
	[tilespmem:s5+$0x50] =	vst v5  }
0x144: {  	v5 =	vld [tilespmem:s7+$0x20];
	[tilespmem:s22+$0x100] =	vst v8  }
0x145: {  	v8 =	vld [tilespmem:s8+$0x10];
	[tilespmem:s21+$0x1B0] =	vst v10;
	s2 =	spop (v2sf)  }
0x146: {  	[tilespmem:s25+$0xFFFFFE50] =	vst v11;
	v10 =	vld [tilespmem:s2+$0x0]  }
0x147: {  	v11 =	vld [tilespmem:s9+$0x20];
	[tilespmem:s24+$0xFFFFFF00] =	vst v7;
	(v2sf) =	vpush v4, $0xD  }
0x148: {  	v7 =	vld [tilespmem:s3+$0x10];
	[tilespmem:s23+$0xFFFFFFB0] =	vst v9;
	s4 =	spop (v2sf)  }
0x149: {  	v9 =	vld [tilespmem:s4+$0x0];
	[tilespmem:s5+$0x60] =	vst v5  }
0x14a: {  	(v2sf) =	vpush v1, $0x5;
	v5 =	vld [tilespmem:s7+$0x30];
	[tilespmem:s22+$0x110] =	vst v8  }
0x14b: {  	v8 =	vld [tilespmem:s8+$0x20];
	[tilespmem:s21+$0x1C0] =	vst v10  }
0x14c: {  	[tilespmem:s25+$0xFFFFFE60] =	vst v11;
	v10 =	vld [tilespmem:s2+$0x10]  }
0x14d: {  	v11 =	vld [tilespmem:s9+$0x30];
	[tilespmem:s24+$0xFFFFFF10] =	vst v7  }
0x14e: {  	s0 =	sadd.s32 $0x10, s0;
	v7 =	vld [tilespmem:s3+$0x20];
	[tilespmem:s23+$0xFFFFFFC0] =	vst v9  }
0x14f: {  	p0 =	slt.u32 s0, $0x270;
	v9 =	vld [tilespmem:s4+$0x10];
	[tilespmem:s5+$0x70] =	vst v5;
	s6 =	spop (v2sf)  }
0x150: {  	v12 =	vld [tilespmem:s6+$0x0];
	[tilespmem:s22+$0x120] =	vst v8  }
0x151: {  	(v2sf) =	vpush v2, $0x8;
	v8 =	vld [tilespmem:s8+$0x30];
	[tilespmem:s21+$0x1D0] =	vst v10  }
0x152: {  	[tilespmem:s25+$0xFFFFFE70] =	vst v11;
	s8 =	spop (v2sf);
	v10 =	vld [tilespmem:s2+$0x20]  }
0x153: {  	v5 =	vshll.u32 v6, $0x6;
	v6 =	vld [tilespmem:s8+$0x0];
	[tilespmem:s24+$0xFFFFFF20] =	vst v7  }
0x154: {  	(v2sf) =	vpush v5, $0x0;
	v11 =	vld [tilespmem:s3+$0x30];
	[tilespmem:s23+$0xFFFFFFD0] =	vst v9  }
0x155: {  	v13 =	vld [tilespmem:s4+$0x20];
	[tilespmem:s5+$0x80] =	vst v12  }
0x156: {  	v12 =	vld [tilespmem:s6+$0x10];
	[tilespmem:s22+$0x130] =	vst v8;
	s3 =	spop (v2sf)  }
0x157: {  	v14 =	vld [tilespmem:s3+$0x0];
	[tilespmem:s21+$0x1E0] =	vst v10  }
0x158: {  	[tilespmem:s25+$0xFFFFFE80] =	vst v6;
	(v2sf) =	vpush v3, $0xB;
	v6 =	vld [tilespmem:s2+$0x30]  }
.Ltmp0:
0x159: {  	v7 =	vld [tilespmem:s8+$0x10];
	[tilespmem:s24+$0xFFFFFF30] =	vst v11;
	s2 =	spop (v2sf);
	(pc) =	sbr.rel @p0 .LBB2_3-.Ltmp0, $4  }
0x15a: {  	v9 =	vld [tilespmem:s2+$0x0];
	[tilespmem:s23+$0xFFFFFFE0] =	vst v13  }
0x15b: {  	(v2sf) =	vpush v0, $0x3;
	v10 =	vld [tilespmem:s4+$0x30];
	[tilespmem:s5+$0x90] =	vst v12  }
0x15c: {  	v8 =	vld [tilespmem:s6+$0x20];
	[tilespmem:s22+$0x140] =	vst v14  }
0x15d: {  	s1 =	sadd.s32 $0x10, s1;
	v11 =	vld [tilespmem:s3+$0x10];
	[tilespmem:s21+$0x1F0] =	vst v6;
	s21 =	smov.u32 s22;
	s22 =	smov.u32 s5  }
0x15e: {  	_ =	sdelay $0x3  }
0x15f: {  	s0 =	spop (v2sf)  }
0x160: {  	s4 =	spop (v2sf)  }
0x161: {  	[tilespmem:s23+$0xFFFFFFF0] =	vst v10;
	v10 =	vld [tilespmem:s4+$0x0]  }
0x162: {  	[tilespmem:s24+$0xFFFFFF40] =	vst v9;
	v9 =	vld [tilespmem:s0+$0x0];
	_ =	sdelay $0x2  }
0x163: {  	s28 =	sadd.s32 $0x400, s25  }
0x164: {  	(v2sf) =	vpush v4, $0xE;
	[tilespmem:s28+$0xFFFFFE00] =	vst v10  }
0x165: {  	(v2sf) =	vpush v1, $0x6;
	[tilespmem:s23+$0x0] =	vst v9;
	v10 =	vld [tilespmem:s4+$0x10]  }
0x166: {  	v9 =	vld [tilespmem:s0+$0x10];
	s5 =	spop (v2sf);
	(v2sf) =	vpush v2, $0x9  }
0x167: {  	(v2sf) =	vpush v5, $0x1;
	_ =	sdelay $0x2  }
0x168: {  	[tilespmem:s28+$0xFFFFFE10] =	vst v10  }
0x169: {  	[tilespmem:s23+$0x10] =	vst v9;
	v10 =	vld [tilespmem:s4+$0x20]  }
0x16a: {  	v9 =	vld [tilespmem:s0+$0x20];
	_ =	sdelay $0x3  }
0x16b: {  	[tilespmem:s28+$0xFFFFFE20] =	vst v10  }
0x16c: {  	[tilespmem:s23+$0x20] =	vst v9;
	v9 =	vld [tilespmem:s4+$0x30]  }
0x16d: {  	s1 =	spop (v2sf)  }
0x16e: {  	s30 =	spop (v2sf)  }
0x16f: {  	s26 =	spop (v2sf)  }
0x170: {  	s12 =	spop (v2sf)  }
0x171: {  	s31 =	spop (v2sf);
	[tilespmem:s28+$0xFFFFFE30] =	vst v9  }
0x172: {  	v9 =	vld [tilespmem:s31+$0x0];
	_ =	sdelay $0x2  }
0x173: {  	(v2sf) =	vpush v3, $0xC  }
0x174: {  	(v2sf) =	vpush v0, $0x4  }
0x175: {  	(v2sf) =	vpush v4, $0xF;
	[tilespmem:s28+$0xFFFFFE40] =	vst v9  }
0x176: {  	(v2sf) =	vpush v1, $0x7;
	v4 =	vld [tilespmem:s31+$0x10]  }
0x177: {  	(v2sf) =	vpush v2, $0xA  }
0x178: {  	(v2sf) =	vpush v5, $0x2;
	_ =	sdelay $0x2  }
0x179: {  	[tilespmem:s28+$0xFFFFFE50] =	vst v4  }
0x17a: {  	[tilespmem:s21+$0x150] =	vst v11;
	v4 =	vld [tilespmem:s31+$0x20]  }
0x17b: {  	v11 =	vld [tilespmem:s3+$0x20];
	_ =	sdelay $0x2  }
0x17c: {  	[tilespmem:s22+$0xA0] =	vst v8  }
0x17d: {  	v8 =	vld [tilespmem:s6+$0x30];
	[tilespmem:s28+$0xFFFFFE60] =	vst v4  }
0x17e: {  	[tilespmem:s21+$0x160] =	vst v11;
	s6 =	spop (v2sf);
	v4 =	vld [tilespmem:s31+$0x30]  }
0x17f: {  	v11 =	vld [tilespmem:s3+$0x30];
	s3 =	spop (v2sf)  }
0x180: {  	s29 =	spop (v2sf)  }
0x181: {  	s17 =	spop (v2sf)  }
0x182: {  	s13 =	spop (v2sf)  }
0x183: {  	s7 =	spop (v2sf);
	[tilespmem:s28+$0xFFFFFE70] =	vst v4  }
0x184: {  	v4 =	vld [tilespmem:s7+$0x0];
	_ =	sdelay $0x3  }
0x185: {  	(v2sf) =	vpush v3, $0xD  }
0x186: {  	(v2sf) =	vpush v0, $0x5;
	[tilespmem:s28+$0xFFFFFE80] =	vst v4  }
0x187: {  	(v2sf) =	vpush v1, $0x8;
	v4 =	vld [tilespmem:s7+$0x10]  }
0x188: {  	(v2sf) =	vpush v2, $0xB  }
0x189: {  	(v2sf) =	vpush v5, $0x3;
	_ =	sdelay $0x1  }
0x18a: {  	[tilespmem:s25+$0xFFFFFE90] =	vst v7  }
0x18b: {  	v6 =	vld [tilespmem:s8+$0x20];
	[tilespmem:s28+$0xFFFFFE90] =	vst v4  }
0x18c: {  	v4 =	vld [tilespmem:s7+$0x20]  }
0x18d: {  	[tilespmem:s22+$0xB0] =	vst v8  }
0x18e: {  	v8 =	vld [tilespmem:s5+$0x0];
	_ =	sdelay $0x1  }
0x18f: {  	[tilespmem:s25+$0xFFFFFEA0] =	vst v6  }
0x190: {  	v6 =	vld [tilespmem:s8+$0x30];
	[tilespmem:s28+$0xFFFFFEA0] =	vst v4  }
0x191: {  	v4 =	vld [tilespmem:s7+$0x30]  }
0x192: {  	[tilespmem:s22+$0xC0] =	vst v8;
	v8 =	vld [tilespmem:s0+$0x30];
	s0 =	spop (v2sf)  }
0x193: {  	s8 =	spop (v2sf)  }
0x194: {  	s15 =	spop (v2sf)  }
0x195: {  	[tilespmem:s25+$0xFFFFFEB0] =	vst v6;
	s18 =	spop (v2sf)  }
0x196: {  	v6 =	vld [tilespmem:s1+$0x0];
	s7 =	spop (v2sf);
	[tilespmem:s28+$0xFFFFFEB0] =	vst v4  }
0x197: {  	v4 =	vld [tilespmem:s7+$0x0];
	_ =	sdelay $0x3  }
0x198: {  	[tilespmem:s25+$0xFFFFFEC0] =	vst v6;
	(v2sf) =	vpush v3, $0xE  }
0x199: {  	v13 =	vld [tilespmem:s1+$0x10];
	(v2sf) =	vpush v0, $0x6;
	[tilespmem:s28+$0xFFFFFEC0] =	vst v4  }
0x19a: {  	(v2sf) =	vpush v1, $0x9;
	v4 =	vld [tilespmem:s7+$0x10]  }
0x19b: {  	(v2sf) =	vpush v2, $0xC  }
0x19c: {  	(v2sf) =	vpush v5, $0x4;
	_ =	sdelay $0x1  }
0x19d: {  	[tilespmem:s25+$0xFFFFFED0] =	vst v13  }
0x19e: {  	v10 =	vld [tilespmem:s1+$0x20];
	[tilespmem:s28+$0xFFFFFED0] =	vst v4  }
0x19f: {  	v4 =	vld [tilespmem:s7+$0x20];
	_ =	sdelay $0x3  }
0x1a0: {  	[tilespmem:s25+$0xFFFFFEE0] =	vst v10  }
0x1a1: {  	v9 =	vld [tilespmem:s1+$0x30];
	[tilespmem:s28+$0xFFFFFEE0] =	vst v4  }
0x1a2: {  	v4 =	vld [tilespmem:s7+$0x30]  }
0x1a3: {  	s1 =	spop (v2sf)  }
0x1a4: {  	s10 =	spop (v2sf)  }
0x1a5: {  	s14 =	spop (v2sf)  }
0x1a6: {  	[tilespmem:s25+$0xFFFFFEF0] =	vst v9;
	s16 =	spop (v2sf)  }
0x1a7: {  	v9 =	vld [tilespmem:s3+$0x0];
	s11 =	spop (v2sf);
	[tilespmem:s28+$0xFFFFFEF0] =	vst v4  }
0x1a8: {  	v4 =	vld [tilespmem:s11+$0x0];
	_ =	sdelay $0x3  }
0x1a9: {  	[tilespmem:s25+$0xFFFFFF00] =	vst v9;
	(v2sf) =	vpush v3, $0xF  }
0x1aa: {  	v3 =	vld [tilespmem:s3+$0x10];
	(v2sf) =	vpush v0, $0x7;
	[tilespmem:s28+$0xFFFFFF00] =	vst v4  }
0x1ab: {  	(v2sf) =	vpush v1, $0xA;
	v4 =	vld [tilespmem:s11+$0x10]  }
0x1ac: {  	(v2sf) =	vpush v2, $0xD  }
0x1ad: {  	(v2sf) =	vpush v5, $0x5;
	_ =	sdelay $0x1  }
0x1ae: {  	[tilespmem:s25+$0xFFFFFF10] =	vst v3  }
0x1af: {  	v3 =	vld [tilespmem:s3+$0x20];
	[tilespmem:s28+$0xFFFFFF10] =	vst v4  }
0x1b0: {  	v4 =	vld [tilespmem:s11+$0x20];
	_ =	sdelay $0x3  }
0x1b1: {  	[tilespmem:s25+$0xFFFFFF20] =	vst v3  }
0x1b2: {  	v3 =	vld [tilespmem:s3+$0x30];
	[tilespmem:s28+$0xFFFFFF20] =	vst v4  }
0x1b3: {  	v4 =	vld [tilespmem:s11+$0x30]  }
0x1b4: {  	s31 =	spop (v2sf)  }
0x1b5: {  	s7 =	spop (v2sf)  }
0x1b6: {  	s11 =	spop (v2sf)  }
0x1b7: {  	[tilespmem:s25+$0xFFFFFF30] =	vst v3;
	s9 =	spop (v2sf)  }
0x1b8: {  	v3 =	vld [tilespmem:s8+$0x0];
	s20 =	spop (v2sf);
	[tilespmem:s28+$0xFFFFFF30] =	vst v4  }
0x1b9: {  	v4 =	vld [tilespmem:s20+$0x0];
	_ =	sdelay $0x3  }
0x1ba: {  	v7 =	vld [tilespmem:s2+$0x10];
	[tilespmem:s25+$0xFFFFFF40] =	vst v3  }
0x1bb: {  	(v2sf) =	vpush v0, $0x8;
	v3 =	vld [tilespmem:s8+$0x10];
	[tilespmem:s28+$0xFFFFFF40] =	vst v4  }
0x1bc: {  	(v2sf) =	vpush v1, $0xB;
	v4 =	vld [tilespmem:s20+$0x10]  }
0x1bd: {  	(v2sf) =	vpush v2, $0xE  }
0x1be: {  	(v2sf) =	vpush v5, $0x6  }
0x1bf: {  	[tilespmem:s24+$0xFFFFFF50] =	vst v7  }
0x1c0: {  	v7 =	vld [tilespmem:s2+$0x20];
	[tilespmem:s25+$0xFFFFFF50] =	vst v3  }
0x1c1: {  	v3 =	vld [tilespmem:s8+$0x20];
	[tilespmem:s28+$0xFFFFFF50] =	vst v4  }
0x1c2: {  	v4 =	vld [tilespmem:s20+$0x20];
	_ =	sdelay $0x2  }
0x1c3: {  	[tilespmem:s24+$0xFFFFFF60] =	vst v7  }
0x1c4: {  	v7 =	vld [tilespmem:s2+$0x30];
	[tilespmem:s25+$0xFFFFFF60] =	vst v3  }
0x1c5: {  	v3 =	vld [tilespmem:s8+$0x30];
	[tilespmem:s28+$0xFFFFFF60] =	vst v4  }
0x1c6: {  	v4 =	vld [tilespmem:s20+$0x30];
	_ =	sdelay $0x1  }
0x1c7: {  	s4 =	spop (v2sf)  }
0x1c8: {  	[tilespmem:s24+$0xFFFFFF70] =	vst v7;
	s3 =	spop (v2sf)  }
0x1c9: {  	v14 =	vld [tilespmem:s26+$0x0];
	[tilespmem:s25+$0xFFFFFF70] =	vst v3;
	s8 =	spop (v2sf)  }
0x1ca: {  	v3 =	vld [tilespmem:s10+$0x0];
	s20 =	spop (v2sf);
	[tilespmem:s28+$0xFFFFFF70] =	vst v4  }
0x1cb: {  	v4 =	vld [tilespmem:s20+$0x0];
	_ =	sdelay $0x2  }
0x1cc: {  	[tilespmem:s24+$0xFFFFFF80] =	vst v14  }
0x1cd: {  	v9 =	vld [tilespmem:s26+$0x10];
	[tilespmem:s25+$0xFFFFFF80] =	vst v3  }
0x1ce: {  	v3 =	vld [tilespmem:s10+$0x10];
	(v2sf) =	vpush v0, $0x9;
	[tilespmem:s28+$0xFFFFFF80] =	vst v4  }
0x1cf: {  	(v2sf) =	vpush v1, $0xC;
	v4 =	vld [tilespmem:s20+$0x10]  }
0x1d0: {  	(v2sf) =	vpush v2, $0xF  }
0x1d1: {  	(v2sf) =	vpush v5, $0x7  }
0x1d2: {  	[tilespmem:s24+$0xFFFFFF90] =	vst v9  }
0x1d3: {  	[tilespmem:s25+$0xFFFFFF90] =	vst v3;
	v2 =	vld [tilespmem:s26+$0x20]  }
0x1d4: {  	v3 =	vld [tilespmem:s10+$0x20];
	[tilespmem:s28+$0xFFFFFF90] =	vst v4  }
0x1d5: {  	v4 =	vld [tilespmem:s20+$0x20];
	_ =	sdelay $0x2  }
0x1d6: {  	[tilespmem:s24+$0xFFFFFFA0] =	vst v2  }
0x1d7: {  	[tilespmem:s25+$0xFFFFFFA0] =	vst v3;
	v2 =	vld [tilespmem:s26+$0x30]  }
0x1d8: {  	v3 =	vld [tilespmem:s10+$0x30];
	[tilespmem:s28+$0xFFFFFFA0] =	vst v4  }
0x1d9: {  	v4 =	vld [tilespmem:s20+$0x30];
	_ =	sdelay $0x1  }
0x1da: {  	s20 =	spop (v2sf)  }
0x1db: {  	[tilespmem:s24+$0xFFFFFFB0] =	vst v2;
	s2 =	spop (v2sf)  }
0x1dc: {  	[tilespmem:s25+$0xFFFFFFB0] =	vst v3;
	v2 =	vld [tilespmem:s17+$0x0];
	s10 =	spop (v2sf)  }
0x1dd: {  	v3 =	vld [tilespmem:s7+$0x0];
	s26 =	spop (v2sf);
	[tilespmem:s28+$0xFFFFFFB0] =	vst v4  }
0x1de: {  	v4 =	vld [tilespmem:s26+$0x0];
	_ =	sdelay $0x2  }
0x1df: {  	[tilespmem:s24+$0xFFFFFFC0] =	vst v2  }
0x1e0: {  	[tilespmem:s25+$0xFFFFFFC0] =	vst v3;
	v2 =	vld [tilespmem:s17+$0x10]  }
0x1e1: {  	v3 =	vld [tilespmem:s7+$0x10];
	[tilespmem:s28+$0xFFFFFFC0] =	vst v4  }
0x1e2: {  	(v2sf) =	vpush v0, $0xA;
	v4 =	vld [tilespmem:s26+$0x10]  }
0x1e3: {  	(v2sf) =	vpush v1, $0xD  }
0x1e4: {  	(v2sf) =	vpush v5, $0x8  }
0x1e5: {  	[tilespmem:s24+$0xFFFFFFD0] =	vst v2  }
0x1e6: {  	[tilespmem:s25+$0xFFFFFFD0] =	vst v3;
	v2 =	vld [tilespmem:s17+$0x20]  }
0x1e7: {  	v3 =	vld [tilespmem:s7+$0x20];
	[tilespmem:s28+$0xFFFFFFD0] =	vst v4  }
0x1e8: {  	v4 =	vld [tilespmem:s26+$0x20];
	_ =	sdelay $0x2  }
0x1e9: {  	[tilespmem:s24+$0xFFFFFFE0] =	vst v2  }
0x1ea: {  	[tilespmem:s25+$0xFFFFFFE0] =	vst v3;
	v2 =	vld [tilespmem:s17+$0x30]  }
0x1eb: {  	v3 =	vld [tilespmem:s7+$0x30];
	[tilespmem:s28+$0xFFFFFFE0] =	vst v4  }
0x1ec: {  	v4 =	vld [tilespmem:s26+$0x30];
	_ =	sdelay $0x2  }
0x1ed: {  	[tilespmem:s24+$0xFFFFFFF0] =	vst v2;
	s7 =	spop (v2sf)  }
0x1ee: {  	[tilespmem:s25+$0xFFFFFFF0] =	vst v3;
	v2 =	vld [tilespmem:s15+$0x0];
	s17 =	spop (v2sf)  }
0x1ef: {  	v3 =	vld [tilespmem:s4+$0x0];
	s26 =	spop (v2sf);
	[tilespmem:s28+$0xFFFFFFF0] =	vst v4  }
0x1f0: {  	v4 =	vld [tilespmem:s26+$0x0];
	_ =	sdelay $0x2  }
0x1f1: {  	[tilespmem:s24+$0x0] =	vst v2  }
0x1f2: {  	[tilespmem:s25+$0x0] =	vst v3;
	v2 =	vld [tilespmem:s15+$0x10]  }
0x1f3: {  	v3 =	vld [tilespmem:s4+$0x10];
	[tilespmem:s28+$0x0] =	vst v4  }
0x1f4: {  	(v2sf) =	vpush v0, $0xB;
	v4 =	vld [tilespmem:s26+$0x10]  }
0x1f5: {  	(v2sf) =	vpush v1, $0xE  }
0x1f6: {  	(v2sf) =	vpush v5, $0x9  }
0x1f7: {  	[tilespmem:s24+$0x10] =	vst v2  }
0x1f8: {  	[tilespmem:s25+$0x10] =	vst v3;
	v2 =	vld [tilespmem:s15+$0x20]  }
0x1f9: {  	v3 =	vld [tilespmem:s4+$0x20];
	[tilespmem:s28+$0x10] =	vst v4  }
0x1fa: {  	v4 =	vld [tilespmem:s26+$0x20];
	_ =	sdelay $0x2  }
0x1fb: {  	[tilespmem:s24+$0x20] =	vst v2  }
0x1fc: {  	[tilespmem:s25+$0x20] =	vst v3;
	v2 =	vld [tilespmem:s15+$0x30]  }
0x1fd: {  	v3 =	vld [tilespmem:s4+$0x30];
	[tilespmem:s28+$0x20] =	vst v4  }
0x1fe: {  	v4 =	vld [tilespmem:s26+$0x30];
	_ =	sdelay $0x1  }
0x1ff: {  	[tilespmem:s23+$0x30] =	vst v8  }
0x200: {  	v8 =	vld [tilespmem:s12+$0x0];
	[tilespmem:s24+$0x30] =	vst v2;
	s4 =	spop (v2sf)  }
0x201: {  	[tilespmem:s25+$0x30] =	vst v3;
	v2 =	vld [tilespmem:s14+$0x0];
	s15 =	spop (v2sf)  }
0x202: {  	v3 =	vld [tilespmem:s20+$0x0];
	s26 =	spop (v2sf);
	[tilespmem:s28+$0x30] =	vst v4  }
0x203: {  	v4 =	vld [tilespmem:s26+$0x0];
	_ =	sdelay $0x1  }
0x204: {  	[tilespmem:s23+$0x40] =	vst v8  }
0x205: {  	v8 =	vld [tilespmem:s12+$0x10];
	[tilespmem:s24+$0x40] =	vst v2  }
0x206: {  	[tilespmem:s25+$0x40] =	vst v3;
	v2 =	vld [tilespmem:s14+$0x10]  }
0x207: {  	v3 =	vld [tilespmem:s20+$0x10];
	[tilespmem:s28+$0x40] =	vst v4  }
0x208: {  	(v2sf) =	vpush v0, $0xC;
	v4 =	vld [tilespmem:s26+$0x10]  }
0x209: {  	(v2sf) =	vpush v1, $0xF  }
0x20a: {  	[tilespmem:s23+$0x50] =	vst v8;
	(v2sf) =	vpush v5, $0xA  }
0x20b: {  	v1 =	vld [tilespmem:s12+$0x20];
	[tilespmem:s24+$0x50] =	vst v2  }
0x20c: {  	[tilespmem:s25+$0x50] =	vst v3;
	v2 =	vld [tilespmem:s14+$0x20]  }
0x20d: {  	v3 =	vld [tilespmem:s20+$0x20];
	[tilespmem:s28+$0x50] =	vst v4  }
0x20e: {  	v4 =	vld [tilespmem:s26+$0x20];
	_ =	sdelay $0x1  }
0x20f: {  	[tilespmem:s23+$0x60] =	vst v1  }
0x210: {  	v1 =	vld [tilespmem:s12+$0x30];
	[tilespmem:s24+$0x60] =	vst v2  }
0x211: {  	[tilespmem:s25+$0x60] =	vst v3;
	v2 =	vld [tilespmem:s14+$0x30]  }
0x212: {  	v3 =	vld [tilespmem:s20+$0x30];
	[tilespmem:s28+$0x60] =	vst v4  }
0x213: {  	v4 =	vld [tilespmem:s26+$0x30];
	_ =	sdelay $0x1  }
0x214: {  	[tilespmem:s23+$0x70] =	vst v1  }
0x215: {  	v1 =	vld [tilespmem:s13+$0x0];
	s14 =	spop (v2sf);
	[tilespmem:s24+$0x70] =	vst v2  }
0x216: {  	[tilespmem:s25+$0x70] =	vst v3;
	s12 =	spop (v2sf);
	v2 =	vld [tilespmem:s11+$0x0]  }
0x217: {  	v3 =	vld [tilespmem:s7+$0x0];
	s26 =	spop (v2sf);
	[tilespmem:s28+$0x70] =	vst v4  }
0x218: {  	v4 =	vld [tilespmem:s26+$0x0];
	_ =	sdelay $0x1  }
0x219: {  	[tilespmem:s23+$0x80] =	vst v1  }
0x21a: {  	v1 =	vld [tilespmem:s13+$0x10];
	[tilespmem:s24+$0x80] =	vst v2  }
0x21b: {  	[tilespmem:s25+$0x80] =	vst v3;
	v2 =	vld [tilespmem:s11+$0x10]  }
0x21c: {  	v3 =	vld [tilespmem:s7+$0x10];
	[tilespmem:s28+$0x80] =	vst v4  }
0x21d: {  	v4 =	vld [tilespmem:s26+$0x10]  }
0x21e: {  	(v2sf) =	vpush v0, $0xD  }
0x21f: {  	[tilespmem:s23+$0x90] =	vst v1;
	(v2sf) =	vpush v5, $0xB  }
0x220: {  	v1 =	vld [tilespmem:s13+$0x20];
	[tilespmem:s24+$0x90] =	vst v2  }
0x221: {  	[tilespmem:s25+$0x90] =	vst v3;
	v2 =	vld [tilespmem:s11+$0x20]  }
0x222: {  	v3 =	vld [tilespmem:s7+$0x20];
	[tilespmem:s28+$0x90] =	vst v4  }
0x223: {  	v4 =	vld [tilespmem:s26+$0x20];
	_ =	sdelay $0x1  }
0x224: {  	[tilespmem:s23+$0xA0] =	vst v1  }
0x225: {  	v1 =	vld [tilespmem:s13+$0x30];
	[tilespmem:s24+$0xA0] =	vst v2  }
0x226: {  	[tilespmem:s25+$0xA0] =	vst v3;
	v2 =	vld [tilespmem:s11+$0x30]  }
0x227: {  	v3 =	vld [tilespmem:s7+$0x30];
	[tilespmem:s28+$0xA0] =	vst v4  }
0x228: {  	v4 =	vld [tilespmem:s26+$0x30];
	_ =	sdelay $0x1  }
0x229: {  	[tilespmem:s23+$0xB0] =	vst v1  }
0x22a: {  	v1 =	vld [tilespmem:s18+$0x0];
	[tilespmem:s24+$0xB0] =	vst v2  }
0x22b: {  	[tilespmem:s25+$0xB0] =	vst v3;
	s20 =	spop (v2sf);
	v2 =	vld [tilespmem:s3+$0x0]  }
0x22c: {  	v3 =	vld [tilespmem:s4+$0x0];
	s26 =	spop (v2sf);
	[tilespmem:s28+$0xB0] =	vst v4  }
0x22d: {  	v4 =	vld [tilespmem:s26+$0x0];
	_ =	sdelay $0x1  }
0x22e: {  	v12 =	vld [tilespmem:s5+$0x10];
	[tilespmem:s23+$0xC0] =	vst v1  }
0x22f: {  	v1 =	vld [tilespmem:s18+$0x10];
	[tilespmem:s24+$0xC0] =	vst v2  }
0x230: {  	[tilespmem:s25+$0xC0] =	vst v3;
	v2 =	vld [tilespmem:s3+$0x10]  }
0x231: {  	v3 =	vld [tilespmem:s4+$0x10];
	[tilespmem:s28+$0xC0] =	vst v4  }
0x232: {  	v4 =	vld [tilespmem:s26+$0x10]  }
0x233: {  	[tilespmem:s22+$0xD0] =	vst v12;
	(v2sf) =	vpush v0, $0xE  }
0x234: {  	v7 =	vld [tilespmem:s5+$0x20];
	[tilespmem:s23+$0xD0] =	vst v1;
	(v2sf) =	vpush v5, $0xC  }
0x235: {  	v1 =	vld [tilespmem:s18+$0x20];
	[tilespmem:s24+$0xD0] =	vst v2  }
0x236: {  	[tilespmem:s25+$0xD0] =	vst v3;
	v2 =	vld [tilespmem:s3+$0x20]  }
0x237: {  	v3 =	vld [tilespmem:s4+$0x20];
	[tilespmem:s28+$0xD0] =	vst v4  }
0x238: {  	v4 =	vld [tilespmem:s26+$0x20]  }
0x239: {  	[tilespmem:s22+$0xE0] =	vst v7  }
0x23a: {  	v7 =	vld [tilespmem:s5+$0x30];
	[tilespmem:s23+$0xE0] =	vst v1  }
0x23b: {  	v1 =	vld [tilespmem:s18+$0x30];
	[tilespmem:s24+$0xE0] =	vst v2  }
0x23c: {  	[tilespmem:s25+$0xE0] =	vst v3;
	v2 =	vld [tilespmem:s3+$0x30]  }
0x23d: {  	v3 =	vld [tilespmem:s4+$0x30];
	[tilespmem:s28+$0xE0] =	vst v4  }
0x23e: {  	v4 =	vld [tilespmem:s26+$0x30]  }
0x23f: {  	[tilespmem:s22+$0xF0] =	vst v7  }
0x240: {  	v7 =	vld [tilespmem:s6+$0x0];
	[tilespmem:s23+$0xF0] =	vst v1  }
0x241: {  	v1 =	vld [tilespmem:s16+$0x0];
	[tilespmem:s24+$0xF0] =	vst v2  }
0x242: {  	[tilespmem:s25+$0xF0] =	vst v3;
	s7 =	spop (v2sf);
	v2 =	vld [tilespmem:s2+$0x0]  }
0x243: {  	v3 =	vld [tilespmem:s14+$0x0];
	s13 =	spop (v2sf);
	[tilespmem:s28+$0xF0] =	vst v4  }
0x244: {  	v4 =	vld [tilespmem:s13+$0x0]  }
0x245: {  	[tilespmem:s22+$0x100] =	vst v7  }
0x246: {  	v7 =	vld [tilespmem:s6+$0x10];
	[tilespmem:s23+$0x100] =	vst v1  }
0x247: {  	v1 =	vld [tilespmem:s16+$0x10];
	[tilespmem:s24+$0x100] =	vst v2  }
0x248: {  	[tilespmem:s25+$0x100] =	vst v3;
	v2 =	vld [tilespmem:s2+$0x10]  }
0x249: {  	v3 =	vld [tilespmem:s14+$0x10];
	[tilespmem:s28+$0x100] =	vst v4  }
0x24a: {  	v4 =	vld [tilespmem:s13+$0x10]  }
0x24b: {  	[tilespmem:s22+$0x110] =	vst v7;
	(v2sf) =	vpush v0, $0xF  }
0x24c: {  	v0 =	vld [tilespmem:s6+$0x20];
	(v2sf) =	vpush v5, $0xD;
	[tilespmem:s23+$0x110] =	vst v1  }
0x24d: {  	v1 =	vld [tilespmem:s16+$0x20];
	[tilespmem:s24+$0x110] =	vst v2  }
0x24e: {  	[tilespmem:s25+$0x110] =	vst v3;
	v2 =	vld [tilespmem:s2+$0x20]  }
0x24f: {  	v3 =	vld [tilespmem:s14+$0x20];
	[tilespmem:s28+$0x110] =	vst v4  }
0x250: {  	v4 =	vld [tilespmem:s13+$0x20]  }
0x251: {  	[tilespmem:s22+$0x120] =	vst v0  }
0x252: {  	v0 =	vld [tilespmem:s6+$0x30];
	[tilespmem:s23+$0x120] =	vst v1  }
0x253: {  	v1 =	vld [tilespmem:s16+$0x30];
	[tilespmem:s24+$0x120] =	vst v2  }
0x254: {  	[tilespmem:s25+$0x120] =	vst v3;
	v2 =	vld [tilespmem:s2+$0x30]  }
0x255: {  	v3 =	vld [tilespmem:s14+$0x30];
	[tilespmem:s28+$0x120] =	vst v4  }
0x256: {  	v4 =	vld [tilespmem:s13+$0x30]  }
0x257: {  	[tilespmem:s22+$0x130] =	vst v0  }
0x258: {  	v0 =	vld [tilespmem:s0+$0x0];
	[tilespmem:s23+$0x130] =	vst v1  }
0x259: {  	v1 =	vld [tilespmem:s9+$0x0];
	[tilespmem:s24+$0x130] =	vst v2  }
0x25a: {  	s14 =	spop (v2sf);
	[tilespmem:s25+$0x130] =	vst v3;
	v2 =	vld [tilespmem:s17+$0x0]  }
0x25b: {  	s16 =	spop (v2sf);
	v3 =	vld [tilespmem:s20+$0x0];
	[tilespmem:s28+$0x130] =	vst v4  }
0x25c: {  	v4 =	vld [tilespmem:s16+$0x0]  }
0x25d: {  	[tilespmem:s22+$0x140] =	vst v0  }
0x25e: {  	v0 =	vld [tilespmem:s0+$0x10];
	[tilespmem:s23+$0x140] =	vst v1  }
0x25f: {  	v1 =	vld [tilespmem:s9+$0x10];
	[tilespmem:s24+$0x140] =	vst v2  }
0x260: {  	[tilespmem:s25+$0x140] =	vst v3;
	v2 =	vld [tilespmem:s17+$0x10]  }
0x261: {  	v3 =	vld [tilespmem:s20+$0x10];
	[tilespmem:s28+$0x140] =	vst v4  }
0x262: {  	v4 =	vld [tilespmem:s16+$0x10]  }
0x263: {  	[tilespmem:s22+$0x150] =	vst v0  }
0x264: {  	(v2sf) =	vpush v5, $0xE;
	v0 =	vld [tilespmem:s0+$0x20];
	[tilespmem:s23+$0x150] =	vst v1  }
0x265: {  	v1 =	vld [tilespmem:s9+$0x20];
	[tilespmem:s24+$0x150] =	vst v2  }
0x266: {  	[tilespmem:s25+$0x150] =	vst v3;
	v2 =	vld [tilespmem:s17+$0x20]  }
0x267: {  	v3 =	vld [tilespmem:s20+$0x20];
	[tilespmem:s28+$0x150] =	vst v4  }
0x268: {  	v4 =	vld [tilespmem:s16+$0x20]  }
0x269: {  	[tilespmem:s22+$0x160] =	vst v0  }
0x26a: {  	v0 =	vld [tilespmem:s0+$0x30];
	[tilespmem:s23+$0x160] =	vst v1  }
0x26b: {  	v1 =	vld [tilespmem:s9+$0x30];
	[tilespmem:s24+$0x160] =	vst v2  }
0x26c: {  	[tilespmem:s25+$0x160] =	vst v3;
	v2 =	vld [tilespmem:s17+$0x30]  }
0x26d: {  	v3 =	vld [tilespmem:s20+$0x30];
	[tilespmem:s28+$0x160] =	vst v4  }
0x26e: {  	[tilespmem:s21+$0x170] =	vst v11;
	v4 =	vld [tilespmem:s16+$0x30]  }
0x26f: {  	v11 =	vld [tilespmem:s30+$0x0];
	[tilespmem:s22+$0x170] =	vst v0  }
0x270: {  	v0 =	vld [tilespmem:s1+$0x0];
	[tilespmem:s23+$0x170] =	vst v1  }
0x271: {  	v1 =	vld [tilespmem:s8+$0x0];
	[tilespmem:s24+$0x170] =	vst v2  }
0x272: {  	[tilespmem:s25+$0x170] =	vst v3;
	v2 =	vld [tilespmem:s15+$0x0]  }
0x273: {  	s18 =	spop (v2sf);
	v3 =	vld [tilespmem:s7+$0x0];
	[tilespmem:s28+$0x170] =	vst v4  }
0x274: {  	[tilespmem:s21+$0x180] =	vst v11;
	v4 =	vld [tilespmem:s18+$0x0]  }
0x275: {  	v6 =	vld [tilespmem:s30+$0x10];
	[tilespmem:s22+$0x180] =	vst v0  }
0x276: {  	v0 =	vld [tilespmem:s1+$0x10];
	[tilespmem:s23+$0x180] =	vst v1  }
0x277: {  	v1 =	vld [tilespmem:s8+$0x10];
	[tilespmem:s24+$0x180] =	vst v2  }
0x278: {  	[tilespmem:s25+$0x180] =	vst v3;
	v2 =	vld [tilespmem:s15+$0x10]  }
0x279: {  	v3 =	vld [tilespmem:s7+$0x10];
	[tilespmem:s28+$0x180] =	vst v4  }
0x27a: {  	[tilespmem:s21+$0x190] =	vst v6;
	v4 =	vld [tilespmem:s18+$0x10]  }
0x27b: {  	v6 =	vld [tilespmem:s30+$0x20];
	[tilespmem:s22+$0x190] =	vst v0  }
0x27c: {  	[tilespmem:s23+$0x190] =	vst v1;
	(v2sf) =	vpush v5, $0xF;
	v0 =	vld [tilespmem:s1+$0x20]  }
0x27d: {  	[tilespmem:s24+$0x190] =	vst v2;
	v1 =	vld [tilespmem:s8+$0x20]  }
0x27e: {  	[tilespmem:s25+$0x190] =	vst v3;
	v2 =	vld [tilespmem:s15+$0x20]  }
0x27f: {  	v3 =	vld [tilespmem:s7+$0x20];
	[tilespmem:s28+$0x190] =	vst v4  }
0x280: {  	[tilespmem:s21+$0x1A0] =	vst v6;
	v4 =	vld [tilespmem:s18+$0x20]  }
0x281: {  	v5 =	vld [tilespmem:s30+$0x30];
	[tilespmem:s22+$0x1A0] =	vst v0  }
0x282: {  	[tilespmem:s23+$0x1A0] =	vst v1;
	v0 =	vld [tilespmem:s1+$0x30]  }
0x283: {  	[tilespmem:s24+$0x1A0] =	vst v2;
	v1 =	vld [tilespmem:s8+$0x30]  }
0x284: {  	[tilespmem:s25+$0x1A0] =	vst v3;
	v2 =	vld [tilespmem:s15+$0x30]  }
0x285: {  	v3 =	vld [tilespmem:s7+$0x30];
	[tilespmem:s28+$0x1A0] =	vst v4  }
0x286: {  	[tilespmem:s21+$0x1B0] =	vst v5;
	v4 =	vld [tilespmem:s18+$0x30]  }
0x287: {  	v5 =	vld [tilespmem:s29+$0x0];
	[tilespmem:s22+$0x1B0] =	vst v0  }
0x288: {  	[tilespmem:s23+$0x1B0] =	vst v1;
	v0 =	vld [tilespmem:s31+$0x0]  }
0x289: {  	[tilespmem:s24+$0x1B0] =	vst v2;
	v1 =	vld [tilespmem:s10+$0x0]  }
0x28a: {  	[tilespmem:s25+$0x1B0] =	vst v3;
	v2 =	vld [tilespmem:s12+$0x0]  }
0x28b: {  	v3 =	vld [tilespmem:s14+$0x0];
	s20 =	spop (v2sf);
	[tilespmem:s28+$0x1B0] =	vst v4  }
0x28c: {  	[tilespmem:s21+$0x1C0] =	vst v5;
	v4 =	vld [tilespmem:s20+$0x0]  }
0x28d: {  	v5 =	vld [tilespmem:s29+$0x10];
	[tilespmem:s22+$0x1C0] =	vst v0  }
0x28e: {  	[tilespmem:s23+$0x1C0] =	vst v1;
	v0 =	vld [tilespmem:s31+$0x10]  }
0x28f: {  	[tilespmem:s24+$0x1C0] =	vst v2;
	v1 =	vld [tilespmem:s10+$0x10]  }
0x290: {  	[tilespmem:s25+$0x1C0] =	vst v3;
	v2 =	vld [tilespmem:s12+$0x10]  }
0x291: {  	v3 =	vld [tilespmem:s14+$0x10];
	[tilespmem:s28+$0x1C0] =	vst v4  }
0x292: {  	[tilespmem:s21+$0x1D0] =	vst v5;
	v4 =	vld [tilespmem:s20+$0x10]  }
0x293: {  	v5 =	vld [tilespmem:s29+$0x20];
	[tilespmem:s22+$0x1D0] =	vst v0  }
0x294: {  	[tilespmem:s23+$0x1D0] =	vst v1;
	v0 =	vld [tilespmem:s31+$0x20]  }
0x295: {  	[tilespmem:s24+$0x1D0] =	vst v2;
	v1 =	vld [tilespmem:s10+$0x20]  }
0x296: {  	[tilespmem:s25+$0x1D0] =	vst v3;
	v2 =	vld [tilespmem:s12+$0x20]  }
0x297: {  	v3 =	vld [tilespmem:s14+$0x20];
	[tilespmem:s28+$0x1D0] =	vst v4  }
0x298: {  	[tilespmem:s21+$0x1E0] =	vst v5;
	v4 =	vld [tilespmem:s20+$0x20]  }
0x299: {  	v5 =	vld [tilespmem:s29+$0x30];
	[tilespmem:s22+$0x1E0] =	vst v0  }
0x29a: {  	[tilespmem:s23+$0x1E0] =	vst v1;
	v0 =	vld [tilespmem:s31+$0x30]  }
0x29b: {  	[tilespmem:s24+$0x1E0] =	vst v2;
	v1 =	vld [tilespmem:s10+$0x30]  }
0x29c: {  	[tilespmem:s25+$0x1E0] =	vst v3;
	v2 =	vld [tilespmem:s12+$0x30]  }
0x29d: {  	[tilespmem:s28+$0x1E0] =	vst v4  }
0x29e: {  	[tilespmem:s21+$0x1F0] =	vst v5  }
0x29f: {  	v3 =	vld [tilespmem:s14+$0x30];
	[tilespmem:s22+$0x1F0] =	vst v0  }
0x2a0: {  	v4 =	vld [tilespmem:s20+$0x30];
	[tilespmem:s23+$0x1F0] =	vst v1  }
0x2a1: {  	[tilespmem:s24+$0x1F0] =	vst v2  }
0x2a2: {  	s26 =	rddreg [dreg:$0xa]  }
0x2a3: {  	s0 =	smul.u32 $0x1400, s26  }
0x2a4: {  	s29 =	rddreg [dreg:$0x2];
	[tilespmem:s25+$0x1F0] =	vst v3  }
0x2a5: {  	s30 =	simm.s32 $0x0;
	s31 =	simm.s32 $0x900;
	s0 =	sadd.s32 s29, s0;
	[tilespmem:s28+$0x1F0] =	vst v4  }
0x2a6: {  	[hbm4b:s0+s30] =	stream.linear.scatter [tilespmem:s31], [sflag:$0x1], $0xA000, $0x38;
	[tilespmem:$0x14900] =	vst v63  }
0x2a7: {  	s1 =	rddreg [dreg:$0x6]  }
0x2a8: {  	s2 =	rddreg [dreg:$0xb]  }
0x2a9: {  	s0 =	sadd.s32 s1, s2  }
0x2aa: {  	s3 =	simm.s32 $0x4;
	[dreg:$0x9] =	wrdreg s0  }
0x2ab: {  	p0 =	seq.s32 s19, $0x13;
	_ =	swait.ge [sflag:s3], $0x280  }
0x2ac: {  	s0 =	smul.u32 @!p0 $0x280, s0;
	[sflag:s3] =	ssyncset.done $0x0  }
0x2ad: {  	[sflag:s3] =	ssyncadd.s32 $0xFFFFFD80  }
0x2ae: {  	s0 =	sshrl.u32 @!p0 s0, $0x3;
	s1 =	rddreg [dreg:$0x1]  }
0x2af: {  	p1 =	seq.s32 @!p0 s19, $0x0;
	s0 =	sadd.s32 @!p0 s1, s0  }
0x2b0: {  	s2 =	simm.s32 @!p0 $0x400;
	s1 =	simm.s32 @!p0 $0x0;
	s0 =	sadd.s32 @!p0 $0x50, s0  }
0x2b1: {  	[tilespmem:s2], [sflag:$0x3] =	stream.linear.gather @!p0 [hbm4b:s0+s1], $0x280, $0x38;
	[tilespmem:$0x14900] =	vst v63  }
0x2b2: {  	p0 =	por p0, !p1  }
0x2b3: {  	s0 =	simm.s32 @p0 $0x2  }
0x2b4: {  	_ =	swait.ge @p0 [sflag:s0], $0xA000  }
0x2b5: {  	[sflag:s0] =	ssyncset.done @p0 $0x0  }
0x2b6: {  	s4 =	simm.s32 $0x680;
	[sflag:s0] =	ssyncadd.s32 @p0 $0xFFFF6000  }
0x2b7: {  	v0 =	vld [tilespmem:s4+$0x0];
	_ =	sdelay $0x4  }
0x2b8: {  	v4 =	vshll.u32 v0, $0x6  }
0x2b9: {  	(v2sf) =	vpush v4, $0x0;
	_ =	sdelay $0xe  }
0x2ba: {  	s5 =	spop (v2sf)  }
0x2bb: {  	v0 =	vld [tilespmem:s5+$0x0];
	_ =	sdelay $0x3  }
0x2bc: {  	s21 =	simm.s32 $0xAB00  }
0x2bd: {  	[tilespmem:s21+$0xFFFFFE00] =	vst v0  }
0x2be: {  	v0 =	vld [tilespmem:s5+$0x10];
	_ =	sdelay $0x1  }
0x2bf: {  	(v2sf) =	vpush v4, $0x1;
	_ =	sdelay $0x2  }
0x2c0: {  	[tilespmem:s21+$0xFFFFFE10] =	vst v0  }
0x2c1: {  	v0 =	vld [tilespmem:s5+$0x20];
	_ =	sdelay $0x4  }
0x2c2: {  	[tilespmem:s21+$0xFFFFFE20] =	vst v0  }
0x2c3: {  	v0 =	vld [tilespmem:s5+$0x30];
	_ =	sdelay $0x4  }
0x2c4: {  	s6 =	spop (v2sf);
	[tilespmem:s21+$0xFFFFFE30] =	vst v0  }
0x2c5: {  	v0 =	vld [tilespmem:s6+$0x0];
	_ =	sdelay $0x4  }
0x2c6: {  	[tilespmem:s21+$0xFFFFFE40] =	vst v0  }
0x2c7: {  	v0 =	vld [tilespmem:s6+$0x10];
	_ =	sdelay $0x1  }
0x2c8: {  	(v2sf) =	vpush v4, $0x2;
	_ =	sdelay $0x2  }
0x2c9: {  	[tilespmem:s21+$0xFFFFFE50] =	vst v0  }
0x2ca: {  	v0 =	vld [tilespmem:s6+$0x20];
	_ =	sdelay $0x4  }
0x2cb: {  	[tilespmem:s21+$0xFFFFFE60] =	vst v0  }
0x2cc: {  	s7 =	simm.s32 $0x690;
	v0 =	vld [tilespmem:s6+$0x30]  }
0x2cd: {  	v1 =	vld [tilespmem:s7+$0x0];
	_ =	sdelay $0x3  }
0x2ce: {  	s8 =	spop (v2sf);
	[tilespmem:s21+$0xFFFFFE70] =	vst v0  }
0x2cf: {  	v3 =	vshll.u32 v1, $0x6;
	v0 =	vld [tilespmem:s8+$0x0]  }
0x2d0: {  	(v2sf) =	vpush v3, $0x0;
	_ =	sdelay $0x3  }
0x2d1: {  	[tilespmem:s21+$0xFFFFFE80] =	vst v0  }
0x2d2: {  	v0 =	vld [tilespmem:s8+$0x10];
	_ =	sdelay $0x1  }
0x2d3: {  	(v2sf) =	vpush v4, $0x3;
	_ =	sdelay $0x2  }
0x2d4: {  	[tilespmem:s21+$0xFFFFFE90] =	vst v0  }
0x2d5: {  	v0 =	vld [tilespmem:s8+$0x20];
	_ =	sdelay $0x3  }
0x2d6: {  	s9 =	spop (v2sf)  }
0x2d7: {  	v1 =	vld [tilespmem:s9+$0x0];
	[tilespmem:s21+$0xFFFFFEA0] =	vst v0  }
0x2d8: {  	v0 =	vld [tilespmem:s8+$0x30];
	_ =	sdelay $0x2  }
0x2d9: {  	s22 =	simm.s32 $0xAF00  }
0x2da: {  	[tilespmem:s22+$0xFFFFFE00] =	vst v1  }
0x2db: {  	s10 =	spop (v2sf);
	v1 =	vld [tilespmem:s9+$0x10];
	[tilespmem:s21+$0xFFFFFEB0] =	vst v0  }
0x2dc: {  	v0 =	vld [tilespmem:s10+$0x0]  }
0x2dd: {  	(v2sf) =	vpush v3, $0x1;
	_ =	sdelay $0x2  }
0x2de: {  	[tilespmem:s22+$0xFFFFFE10] =	vst v1  }
0x2df: {  	v1 =	vld [tilespmem:s9+$0x20];
	[tilespmem:s21+$0xFFFFFEC0] =	vst v0  }
0x2e0: {  	v0 =	vld [tilespmem:s10+$0x10];
	_ =	sdelay $0x1  }
0x2e1: {  	(v2sf) =	vpush v4, $0x4;
	_ =	sdelay $0x1  }
0x2e2: {  	[tilespmem:s22+$0xFFFFFE20] =	vst v1  }
0x2e3: {  	v1 =	vld [tilespmem:s9+$0x30];
	[tilespmem:s21+$0xFFFFFED0] =	vst v0  }
0x2e4: {  	v0 =	vld [tilespmem:s10+$0x20];
	_ =	sdelay $0x3  }
0x2e5: {  	s11 =	spop (v2sf);
	[tilespmem:s22+$0xFFFFFE30] =	vst v1  }
0x2e6: {  	v1 =	vld [tilespmem:s11+$0x0];
	[tilespmem:s21+$0xFFFFFEE0] =	vst v0  }
0x2e7: {  	v0 =	vld [tilespmem:s10+$0x30];
	_ =	sdelay $0x3  }
0x2e8: {  	[tilespmem:s22+$0xFFFFFE40] =	vst v1  }
0x2e9: {  	s12 =	spop (v2sf);
	v1 =	vld [tilespmem:s11+$0x10];
	[tilespmem:s21+$0xFFFFFEF0] =	vst v0  }
0x2ea: {  	v0 =	vld [tilespmem:s12+$0x0]  }
0x2eb: {  	(v2sf) =	vpush v3, $0x2;
	_ =	sdelay $0x2  }
0x2ec: {  	[tilespmem:s22+$0xFFFFFE50] =	vst v1  }
0x2ed: {  	v1 =	vld [tilespmem:s11+$0x20];
	[tilespmem:s21+$0xFFFFFF00] =	vst v0  }
0x2ee: {  	v0 =	vld [tilespmem:s12+$0x10];
	_ =	sdelay $0x1  }
0x2ef: {  	s13 =	simm.s32 $0x6A0;
	(v2sf) =	vpush v4, $0x5  }
0x2f0: {  	v2 =	vld [tilespmem:s13+$0x0]  }
0x2f1: {  	[tilespmem:s22+$0xFFFFFE60] =	vst v1  }
0x2f2: {  	v1 =	vld [tilespmem:s11+$0x30];
	[tilespmem:s21+$0xFFFFFF10] =	vst v0  }
0x2f3: {  	v0 =	vld [tilespmem:s12+$0x20];
	_ =	sdelay $0x1  }
0x2f4: {  	v2 =	vshll.u32 v2, $0x6  }
0x2f5: {  	(v2sf) =	vpush v2, $0x0  }
0x2f6: {  	s14 =	spop (v2sf);
	[tilespmem:s22+$0xFFFFFE70] =	vst v1  }
0x2f7: {  	v1 =	vld [tilespmem:s14+$0x0];
	[tilespmem:s21+$0xFFFFFF20] =	vst v0  }
0x2f8: {  	v0 =	vld [tilespmem:s12+$0x30];
	_ =	sdelay $0x3  }
0x2f9: {  	[tilespmem:s22+$0xFFFFFE80] =	vst v1  }
0x2fa: {  	s15 =	spop (v2sf);
	v1 =	vld [tilespmem:s14+$0x10];
	[tilespmem:s21+$0xFFFFFF30] =	vst v0  }
0x2fb: {  	v0 =	vld [tilespmem:s15+$0x0]  }
0x2fc: {  	(v2sf) =	vpush v3, $0x3;
	_ =	sdelay $0x2  }
0x2fd: {  	[tilespmem:s22+$0xFFFFFE90] =	vst v1  }
0x2fe: {  	v1 =	vld [tilespmem:s14+$0x20];
	[tilespmem:s21+$0xFFFFFF40] =	vst v0  }
0x2ff: {  	s16 =	spop (v2sf);
	v0 =	vld [tilespmem:s15+$0x10]  }
0x300: {  	v5 =	vld [tilespmem:s16+$0x0]  }
0x301: {  	(v2sf) =	vpush v4, $0x6;
	_ =	sdelay $0x1  }
0x302: {  	[tilespmem:s22+$0xFFFFFEA0] =	vst v1  }
0x303: {  	s23 =	simm.s32 $0xB300;
	v1 =	vld [tilespmem:s14+$0x30];
	[tilespmem:s21+$0xFFFFFF50] =	vst v0  }
0x304: {  	[tilespmem:s23+$0xFFFFFE00] =	vst v5;
	v0 =	vld [tilespmem:s15+$0x20]  }
0x305: {  	v5 =	vld [tilespmem:s16+$0x10];
	_ =	sdelay $0x1  }
0x306: {  	(v2sf) =	vpush v2, $0x1  }
0x307: {  	s17 =	spop (v2sf);
	[tilespmem:s22+$0xFFFFFEB0] =	vst v1  }
0x308: {  	v1 =	vld [tilespmem:s17+$0x0];
	[tilespmem:s21+$0xFFFFFF60] =	vst v0  }
0x309: {  	[tilespmem:s23+$0xFFFFFE10] =	vst v5;
	v0 =	vld [tilespmem:s15+$0x30]  }
0x30a: {  	v5 =	vld [tilespmem:s16+$0x20];
	_ =	sdelay $0x2  }
0x30b: {  	[tilespmem:s22+$0xFFFFFEC0] =	vst v1  }
0x30c: {  	s18 =	spop (v2sf);
	v1 =	vld [tilespmem:s17+$0x10];
	[tilespmem:s21+$0xFFFFFF70] =	vst v0  }
0x30d: {  	[tilespmem:s23+$0xFFFFFE20] =	vst v5;
	v0 =	vld [tilespmem:s18+$0x0]  }
0x30e: {  	(v2sf) =	vpush v3, $0x4;
	v5 =	vld [tilespmem:s16+$0x30];
	_ =	sdelay $0x2  }
0x30f: {  	[tilespmem:s22+$0xFFFFFED0] =	vst v1  }
0x310: {  	v1 =	vld [tilespmem:s17+$0x20];
	[tilespmem:s21+$0xFFFFFF80] =	vst v0  }
0x311: {  	s20 =	spop (v2sf);
	[tilespmem:s23+$0xFFFFFE30] =	vst v5;
	v0 =	vld [tilespmem:s18+$0x10]  }
0x312: {  	v5 =	vld [tilespmem:s20+$0x0]  }
0x313: {  	(v2sf) =	vpush v4, $0x7;
	_ =	sdelay $0x1  }
0x314: {  	[tilespmem:s22+$0xFFFFFEE0] =	vst v1  }
0x315: {  	v1 =	vld [tilespmem:s17+$0x30];
	[tilespmem:s21+$0xFFFFFF90] =	vst v0  }
0x316: {  	[tilespmem:s23+$0xFFFFFE40] =	vst v5;
	v0 =	vld [tilespmem:s18+$0x20]  }
0x317: {  	v5 =	vld [tilespmem:s20+$0x10];
	_ =	sdelay $0x1  }
0x318: {  	(v2sf) =	vpush v2, $0x2  }
0x319: {  	s24 =	spop (v2sf);
	[tilespmem:s22+$0xFFFFFEF0] =	vst v1  }
0x31a: {  	v1 =	vld [tilespmem:s24+$0x0];
	[tilespmem:s21+$0xFFFFFFA0] =	vst v0  }
0x31b: {  	[tilespmem:s23+$0xFFFFFE50] =	vst v5;
	v0 =	vld [tilespmem:s18+$0x30]  }
0x31c: {  	v5 =	vld [tilespmem:s20+$0x20];
	_ =	sdelay $0x2  }
0x31d: {  	[tilespmem:s22+$0xFFFFFF00] =	vst v1  }
0x31e: {  	s25 =	spop (v2sf);
	v1 =	vld [tilespmem:s24+$0x10];
	[tilespmem:s21+$0xFFFFFFB0] =	vst v0  }
0x31f: {  	[tilespmem:s23+$0xFFFFFE60] =	vst v5;
	v0 =	vld [tilespmem:s25+$0x0]  }
0x320: {  	(v2sf) =	vpush v3, $0x5;
	v5 =	vld [tilespmem:s20+$0x30];
	_ =	sdelay $0x1  }
0x321: {  	s26 =	simm.s32 $0x6B0  }
0x322: {  	v6 =	vld [tilespmem:s26+$0x0];
	[tilespmem:s22+$0xFFFFFF10] =	vst v1  }
0x323: {  	v7 =	vld [tilespmem:s24+$0x20];
	[tilespmem:s21+$0xFFFFFFC0] =	vst v0  }
0x324: {  	s28 =	spop (v2sf);
	[tilespmem:s23+$0xFFFFFE70] =	vst v5;
	v0 =	vld [tilespmem:s25+$0x10]  }
0x325: {  	v5 =	vld [tilespmem:s28+$0x0]  }
0x326: {  	(v2sf) =	vpush v4, $0x8;
	_ =	sdelay $0x1  }
0x327: {  	v1 =	vshll.u32 v6, $0x6;
	[tilespmem:s22+$0xFFFFFF20] =	vst v7  }
0x328: {  	(v2sf) =	vpush v1, $0x0;
	v6 =	vld [tilespmem:s24+$0x30];
	[tilespmem:s21+$0xFFFFFFD0] =	vst v0  }
0x329: {  	[tilespmem:s23+$0xFFFFFE80] =	vst v5;
	v0 =	vld [tilespmem:s25+$0x20]  }
0x32a: {  	v5 =	vld [tilespmem:s28+$0x10];
	_ =	sdelay $0x1  }
0x32b: {  	(v2sf) =	vpush v2, $0x3  }
0x32c: {  	s29 =	spop (v2sf);
	[tilespmem:s22+$0xFFFFFF30] =	vst v6  }
0x32d: {  	v6 =	vld [tilespmem:s29+$0x0];
	[tilespmem:s21+$0xFFFFFFE0] =	vst v0  }
0x32e: {  	[tilespmem:s23+$0xFFFFFE90] =	vst v5;
	v0 =	vld [tilespmem:s25+$0x30]  }
0x32f: {  	v5 =	vld [tilespmem:s28+$0x20];
	_ =	sdelay $0x2  }
0x330: {  	[tilespmem:s22+$0xFFFFFF40] =	vst v6  }
0x331: {  	s30 =	spop (v2sf);
	v6 =	vld [tilespmem:s29+$0x10];
	[tilespmem:s21+$0xFFFFFFF0] =	vst v0  }
0x332: {  	[tilespmem:s23+$0xFFFFFEA0] =	vst v5;
	(v2sf) =	vpush v3, $0x6;
	v0 =	vld [tilespmem:s30+$0x0]  }
0x333: {  	v5 =	vld [tilespmem:s28+$0x30]  }
0x334: {  	s31 =	spop (v2sf)  }
0x335: {  	v7 =	vld [tilespmem:s31+$0x0]  }
0x336: {  	[tilespmem:s22+$0xFFFFFF50] =	vst v6  }
0x337: {  	v6 =	vld [tilespmem:s29+$0x20];
	[tilespmem:s21+$0x0] =	vst v0  }
0x338: {  	[tilespmem:s23+$0xFFFFFEB0] =	vst v5;
	s4 =	spop (v2sf);
	v0 =	vld [tilespmem:s30+$0x10]  }
0x339: {  	s24 =	simm.s32 $0xB700;
	v5 =	vld [tilespmem:s4+$0x0]  }
0x33a: {  	(v2sf) =	vpush v4, $0x9;
	[tilespmem:s24+$0xFFFFFE00] =	vst v7  }
0x33b: {  	v7 =	vld [tilespmem:s31+$0x10]  }
0x33c: {  	[tilespmem:s22+$0xFFFFFF60] =	vst v6  }
0x33d: {  	(v2sf) =	vpush v1, $0x1;
	v6 =	vld [tilespmem:s29+$0x30];
	[tilespmem:s21+$0x10] =	vst v0  }
0x33e: {  	[tilespmem:s23+$0xFFFFFEC0] =	vst v5;
	v0 =	vld [tilespmem:s30+$0x20]  }
0x33f: {  	v5 =	vld [tilespmem:s4+$0x10]  }
0x340: {  	[tilespmem:s24+$0xFFFFFE10] =	vst v7  }
0x341: {  	s5 =	spop (v2sf);
	(v2sf) =	vpush v2, $0x4;
	v7 =	vld [tilespmem:s31+$0x20]  }
0x342: {  	[tilespmem:s22+$0xFFFFFF70] =	vst v6  }
0x343: {  	v6 =	vld [tilespmem:s5+$0x0];
	[tilespmem:s21+$0x20] =	vst v0  }
0x344: {  	[tilespmem:s23+$0xFFFFFED0] =	vst v5;
	v0 =	vld [tilespmem:s30+$0x30]  }
0x345: {  	v5 =	vld [tilespmem:s4+$0x20]  }
0x346: {  	[tilespmem:s24+$0xFFFFFE20] =	vst v7  }
0x347: {  	v7 =	vld [tilespmem:s31+$0x30]  }
0x348: {  	[tilespmem:s22+$0xFFFFFF80] =	vst v6  }
0x349: {  	s6 =	spop (v2sf);
	v6 =	vld [tilespmem:s5+$0x10];
	[tilespmem:s21+$0x30] =	vst v0  }
0x34a: {  	(v2sf) =	vpush v3, $0x7;
	[tilespmem:s23+$0xFFFFFEE0] =	vst v5;
	v0 =	vld [tilespmem:s6+$0x0]  }
0x34b: {  	v5 =	vld [tilespmem:s4+$0x30]  }
0x34c: {  	s7 =	spop (v2sf);
	[tilespmem:s24+$0xFFFFFE30] =	vst v7  }
0x34d: {  	v7 =	vld [tilespmem:s7+$0x0]  }
0x34e: {  	[tilespmem:s22+$0xFFFFFF90] =	vst v6  }
0x34f: {  	v6 =	vld [tilespmem:s5+$0x20];
	[tilespmem:s21+$0x40] =	vst v0  }
0x350: {  	s8 =	spop (v2sf);
	[tilespmem:s23+$0xFFFFFEF0] =	vst v5;
	v0 =	vld [tilespmem:s6+$0x10]  }
0x351: {  	v5 =	vld [tilespmem:s8+$0x0]  }
0x352: {  	(v2sf) =	vpush v4, $0xA;
	[tilespmem:s24+$0xFFFFFE40] =	vst v7  }
0x353: {  	v7 =	vld [tilespmem:s7+$0x10]  }
0x354: {  	[tilespmem:s22+$0xFFFFFFA0] =	vst v6  }
0x355: {  	(v2sf) =	vpush v1, $0x2;
	v6 =	vld [tilespmem:s5+$0x30];
	[tilespmem:s21+$0x50] =	vst v0  }
0x356: {  	[tilespmem:s23+$0xFFFFFF00] =	vst v5;
	v0 =	vld [tilespmem:s6+$0x20]  }
0x357: {  	v5 =	vld [tilespmem:s8+$0x10]  }
0x358: {  	[tilespmem:s24+$0xFFFFFE50] =	vst v7  }
0x359: {  	s9 =	spop (v2sf);
	(v2sf) =	vpush v2, $0x5;
	v7 =	vld [tilespmem:s7+$0x20]  }
0x35a: {  	[tilespmem:s22+$0xFFFFFFB0] =	vst v6  }
0x35b: {  	v6 =	vld [tilespmem:s9+$0x0];
	[tilespmem:s21+$0x60] =	vst v0  }
0x35c: {  	[tilespmem:s23+$0xFFFFFF10] =	vst v5;
	v0 =	vld [tilespmem:s6+$0x30]  }
0x35d: {  	v5 =	vld [tilespmem:s8+$0x20]  }
0x35e: {  	[tilespmem:s24+$0xFFFFFE60] =	vst v7  }
0x35f: {  	s10 =	simm.s32 $0x6C0;
	v7 =	vld [tilespmem:s7+$0x30]  }
0x360: {  	v8 =	vld [tilespmem:s10+$0x0];
	[tilespmem:s22+$0xFFFFFFC0] =	vst v6  }
0x361: {  	s11 =	spop (v2sf);
	v6 =	vld [tilespmem:s9+$0x10];
	[tilespmem:s21+$0x70] =	vst v0  }
0x362: {  	(v2sf) =	vpush v3, $0x8;
	[tilespmem:s23+$0xFFFFFF20] =	vst v5;
	v9 =	vld [tilespmem:s11+$0x0]  }
0x363: {  	v5 =	vld [tilespmem:s8+$0x30]  }
0x364: {  	s12 =	spop (v2sf);
	[tilespmem:s24+$0xFFFFFE70] =	vst v7  }
0x365: {  	v7 =	vld [tilespmem:s12+$0x0];
	v0 =	vshll.u32 v8, $0x6  }
0x366: {  	[tilespmem:s22+$0xFFFFFFD0] =	vst v6;
	(v2sf) =	vpush v0, $0x0  }
0x367: {  	v6 =	vld [tilespmem:s9+$0x20];
	[tilespmem:s21+$0x80] =	vst v9  }
0x368: {  	s13 =	spop (v2sf);
	[tilespmem:s23+$0xFFFFFF30] =	vst v5;
	v8 =	vld [tilespmem:s11+$0x10]  }
0x369: {  	v5 =	vld [tilespmem:s13+$0x0]  }
0x36a: {  	[tilespmem:s24+$0xFFFFFE80] =	vst v7;
	(v2sf) =	vpush v4, $0xB  }
0x36b: {  	v7 =	vld [tilespmem:s12+$0x10]  }
0x36c: {  	[tilespmem:s22+$0xFFFFFFE0] =	vst v6  }
0x36d: {  	v6 =	vld [tilespmem:s9+$0x30];
	(v2sf) =	vpush v1, $0x3;
	[tilespmem:s21+$0x90] =	vst v8  }
0x36e: {  	[tilespmem:s23+$0xFFFFFF40] =	vst v5;
	v8 =	vld [tilespmem:s11+$0x20]  }
0x36f: {  	v5 =	vld [tilespmem:s13+$0x10]  }
0x370: {  	[tilespmem:s24+$0xFFFFFE90] =	vst v7  }
0x371: {  	s14 =	spop (v2sf);
	v7 =	vld [tilespmem:s12+$0x20];
	(v2sf) =	vpush v2, $0x6  }
0x372: {  	[tilespmem:s22+$0xFFFFFFF0] =	vst v6  }
0x373: {  	v6 =	vld [tilespmem:s14+$0x0];
	[tilespmem:s21+$0xA0] =	vst v8  }
0x374: {  	[tilespmem:s23+$0xFFFFFF50] =	vst v5;
	v8 =	vld [tilespmem:s11+$0x30]  }
0x375: {  	v5 =	vld [tilespmem:s13+$0x20];
	s15 =	spop (v2sf)  }
0x376: {  	[tilespmem:s24+$0xFFFFFEA0] =	vst v7;
	v9 =	vld [tilespmem:s15+$0x0]  }
0x377: {  	v7 =	vld [tilespmem:s12+$0x30];
	(v2sf) =	vpush v3, $0x9  }
0x378: {  	[tilespmem:s22+$0x0] =	vst v6  }
0x379: {  	v6 =	vld [tilespmem:s14+$0x10];
	s16 =	spop (v2sf);
	[tilespmem:s21+$0xB0] =	vst v8  }
0x37a: {  	s25 =	simm.s32 $0xBB00;
	[tilespmem:s23+$0xFFFFFF60] =	vst v5;
	v8 =	vld [tilespmem:s16+$0x0]  }
0x37b: {  	v5 =	vld [tilespmem:s13+$0x30];
	[tilespmem:s25+$0xFFFFFE00] =	vst v9  }
0x37c: {  	[tilespmem:s24+$0xFFFFFEB0] =	vst v7;
	s17 =	spop (v2sf);
	v9 =	vld [tilespmem:s15+$0x10]  }
0x37d: {  	v7 =	vld [tilespmem:s17+$0x0]  }
0x37e: {  	[tilespmem:s22+$0x10] =	vst v6;
	(v2sf) =	vpush v0, $0x1  }
0x37f: {  	v6 =	vld [tilespmem:s14+$0x20];
	[tilespmem:s21+$0xC0] =	vst v8  }
0x380: {  	[tilespmem:s23+$0xFFFFFF70] =	vst v5;
	s18 =	spop (v2sf);
	v8 =	vld [tilespmem:s16+$0x10]  }
0x381: {  	v5 =	vld [tilespmem:s18+$0x0];
	[tilespmem:s25+$0xFFFFFE10] =	vst v9  }
0x382: {  	(v2sf) =	vpush v4, $0xC;
	[tilespmem:s24+$0xFFFFFEC0] =	vst v7;
	v9 =	vld [tilespmem:s15+$0x20]  }
0x383: {  	v7 =	vld [tilespmem:s17+$0x10]  }
0x384: {  	[tilespmem:s22+$0x20] =	vst v6;
	(v2sf) =	vpush v1, $0x4  }
0x385: {  	v6 =	vld [tilespmem:s14+$0x30];
	[tilespmem:s21+$0xD0] =	vst v8  }
0x386: {  	[tilespmem:s23+$0xFFFFFF80] =	vst v5;
	s20 =	spop (v2sf);
	(v2sf) =	vpush v2, $0x7;
	v8 =	vld [tilespmem:s16+$0x20]  }
0x387: {  	v5 =	vld [tilespmem:s18+$0x10];
	[tilespmem:s25+$0xFFFFFE20] =	vst v9  }
0x388: {  	[tilespmem:s24+$0xFFFFFED0] =	vst v7;
	v9 =	vld [tilespmem:s15+$0x30]  }
0x389: {  	v7 =	vld [tilespmem:s17+$0x20]  }
0x38a: {  	[tilespmem:s22+$0x30] =	vst v6  }
0x38b: {  	v6 =	vld [tilespmem:s20+$0x0];
	[tilespmem:s21+$0xE0] =	vst v8  }
0x38c: {  	[tilespmem:s23+$0xFFFFFF90] =	vst v5;
	v8 =	vld [tilespmem:s16+$0x30]  }
0x38d: {  	v5 =	vld [tilespmem:s18+$0x20];
	s26 =	spop (v2sf);
	[tilespmem:s25+$0xFFFFFE30] =	vst v9  }
0x38e: {  	[tilespmem:s24+$0xFFFFFEE0] =	vst v7;
	v9 =	vld [tilespmem:s26+$0x0]  }
0x38f: {  	v7 =	vld [tilespmem:s17+$0x30]  }
0x390: {  	[tilespmem:s22+$0x40] =	vst v6  }
0x391: {  	s28 =	spop (v2sf);
	v6 =	vld [tilespmem:s20+$0x10];
	[tilespmem:s21+$0xF0] =	vst v8  }
0x392: {  	(v2sf) =	vpush v3, $0xA;
	[tilespmem:s23+$0xFFFFFFA0] =	vst v5;
	v8 =	vld [tilespmem:s28+$0x0]  }
0x393: {  	s29 =	spop (v2sf);
	(v2sf) =	vpush v0, $0x2;
	v5 =	vld [tilespmem:s18+$0x30];
	[tilespmem:s25+$0xFFFFFE40] =	vst v9  }
0x394: {  	(v2sf) =	vpush v4, $0xD;
	[tilespmem:s24+$0xFFFFFEF0] =	vst v7;
	v9 =	vld [tilespmem:s26+$0x10]  }
0x395: {  	v7 =	vld [tilespmem:s29+$0x0];
	s30 =	spop (v2sf);
	(v2sf) =	vpush v1, $0x5  }
0x396: {  	[tilespmem:s22+$0x50] =	vst v6  }
0x397: {  	v6 =	vld [tilespmem:s20+$0x20];
	[tilespmem:s21+$0x100] =	vst v8  }
0x398: {  	[tilespmem:s23+$0xFFFFFFB0] =	vst v5;
	v8 =	vld [tilespmem:s28+$0x10]  }
0x399: {  	v5 =	vld [tilespmem:s30+$0x0];
	[tilespmem:s25+$0xFFFFFE50] =	vst v9  }
0x39a: {  	[tilespmem:s24+$0xFFFFFF00] =	vst v7;
	v9 =	vld [tilespmem:s26+$0x20]  }
0x39b: {  	s31 =	simm.s32 $0x6D0;
	v7 =	vld [tilespmem:s29+$0x10]  }
0x39c: {  	v10 =	vld [tilespmem:s31+$0x0];
	[tilespmem:s22+$0x60] =	vst v6  }
0x39d: {  	v6 =	vld [tilespmem:s20+$0x30];
	[tilespmem:s21+$0x110] =	vst v8  }
0x39e: {  	[tilespmem:s23+$0xFFFFFFC0] =	vst v5;
	v8 =	vld [tilespmem:s28+$0x20]  }
0x39f: {  	v5 =	vld [tilespmem:s30+$0x10];
	[tilespmem:s25+$0xFFFFFE60] =	vst v9  }
0x3a0: {  	[tilespmem:s24+$0xFFFFFF10] =	vst v7;
	v9 =	vld [tilespmem:s26+$0x30]  }
0x3a1: {  	s3 =	spop (v2sf);
	v7 =	vld [tilespmem:s29+$0x20]  }
0x3a2: {  	s8 =	spop (v2sf);
	[tilespmem:s22+$0x70] =	vst v6  }
0x3a3: {  	s6 =	spop (v2sf);
	v6 =	vld [tilespmem:s3+$0x0];
	[tilespmem:s21+$0x120] =	vst v8  }
0x3a4: {  	[tilespmem:s23+$0xFFFFFFD0] =	vst v5;
	s2 =	spop (v2sf);
	(v2sf) =	vpush v2, $0x8;
	v8 =	vld [tilespmem:s28+$0x30]  }
0x3a5: {  	[tilespmem:s25+$0xFFFFFE70] =	vst v9  }
0x3a6: {  	v5 =	vshll.u32 v10, $0x6;
	[tilespmem:s24+$0xFFFFFF20] =	vst v7;
	v9 =	vld [tilespmem:s8+$0x0]  }
0x3a7: {  	v11 =	vld [tilespmem:s29+$0x30];
	(v2sf) =	vpush v5, $0x0  }
0x3a8: {  	v62 =	vld [tilespmem:s30+$0x20];
	[tilespmem:s22+$0x80] =	vst v6  }
0x3a9: {  	v6 =	vld [tilespmem:s3+$0x10];
	[tilespmem:s21+$0x130] =	vst v8  }
0x3aa: {  	v63 =	vld [tilespmem:s6+$0x0]  }
0x3ab: {  	(v2sf) =	vpush v3, $0xB;
	[tilespmem:s25+$0xFFFFFE80] =	vst v9  }
0x3ac: {  	[tilespmem:s24+$0xFFFFFF30] =	vst v11;
	v7 =	vld [tilespmem:s8+$0x10]  }
0x3ad: {  	[tilespmem:s23+$0xFFFFFFE0] =	vst v62;
	v9 =	vld [tilespmem:s2+$0x0]  }
0x3ae: {  	(v2sf) =	vpush v0, $0x3;
	v10 =	vld [tilespmem:s30+$0x30];
	[tilespmem:s22+$0x90] =	vst v6  }
0x3af: {  	v8 =	vld [tilespmem:s3+$0x20];
	[tilespmem:s21+$0x140] =	vst v63  }
0x3b0: {  	s1 =	simm.s32 $0x6E0;
	s0 =	simm.s32 $0x50;
	v11 =	vld [tilespmem:s6+$0x10]  }
.LBB2_5:
0x3b1: {  	v6 =	vld [tilespmem:s1+$0x0];
	[tilespmem:s25+$0xFFFFFE90] =	vst v7;
	s5 =	smov.u32 s23;
	s23 =	smov.u32 s24;
	s24 =	smov.u32 s25  }
0x3b2: {  	v7 =	vld [tilespmem:s8+$0x20];
	[tilespmem:s23+$0xFFFFFF40] =	vst v9;
	(v2sf) =	vpush v4, $0xE  }
0x3b3: {  	v9 =	vld [tilespmem:s2+$0x10];
	[tilespmem:s5+$0xFFFFFFF0] =	vst v10;
	s9 =	spop (v2sf)  }
0x3b4: {  	v10 =	vld [tilespmem:s9+$0x0];
	[tilespmem:s22+$0xA0] =	vst v8  }
0x3b5: {  	(v2sf) =	vpush v1, $0x6;
	v8 =	vld [tilespmem:s3+$0x30];
	[tilespmem:s21+$0x150] =	vst v11  }
0x3b6: {  	s7 =	spop (v2sf);
	v11 =	vld [tilespmem:s6+$0x20]  }
0x3b7: {  	v12 =	vld [tilespmem:s7+$0x0];
	[tilespmem:s25+$0xFFFFFEA0] =	vst v7  }
0x3b8: {  	v7 =	vld [tilespmem:s8+$0x30];
	[tilespmem:s23+$0xFFFFFF50] =	vst v9  }
0x3b9: {  	v9 =	vld [tilespmem:s2+$0x20];
	[tilespmem:s5+$0x0] =	vst v10  }
0x3ba: {  	v10 =	vld [tilespmem:s9+$0x10];
	[tilespmem:s22+$0xB0] =	vst v8;
	s3 =	spop (v2sf)  }
0x3bb: {  	s25 =	sadd.s32 $0x400, s25;
	v8 =	vld [tilespmem:s3+$0x0];
	[tilespmem:s21+$0x160] =	vst v11  }
0x3bc: {  	[tilespmem:s25+$0xFFFFFE00] =	vst v12;
	(v2sf) =	vpush v2, $0x9;
	v11 =	vld [tilespmem:s6+$0x30]  }
0x3bd: {  	v12 =	vld [tilespmem:s7+$0x10];
	[tilespmem:s24+$0xFFFFFEB0] =	vst v7;
	s4 =	spop (v2sf)  }
0x3be: {  	v7 =	vld [tilespmem:s4+$0x0];
	[tilespmem:s23+$0xFFFFFF60] =	vst v9  }
0x3bf: {  	(v2sf) =	vpush v5, $0x1;
	v9 =	vld [tilespmem:s2+$0x30];
	[tilespmem:s5+$0x10] =	vst v10  }
0x3c0: {  	v10 =	vld [tilespmem:s9+$0x20];
	[tilespmem:s22+$0xC0] =	vst v8  }
0x3c1: {  	v8 =	vld [tilespmem:s3+$0x10];
	[tilespmem:s21+$0x170] =	vst v11;
	s2 =	spop (v2sf)  }
0x3c2: {  	[tilespmem:s25+$0xFFFFFE10] =	vst v12;
	v11 =	vld [tilespmem:s2+$0x0]  }
0x3c3: {  	v12 =	vld [tilespmem:s7+$0x20];
	[tilespmem:s24+$0xFFFFFEC0] =	vst v7;
	(v2sf) =	vpush v3, $0xC  }
0x3c4: {  	v7 =	vld [tilespmem:s4+$0x10];
	[tilespmem:s23+$0xFFFFFF70] =	vst v9;
	s6 =	spop (v2sf)  }
0x3c5: {  	v9 =	vld [tilespmem:s6+$0x0];
	[tilespmem:s5+$0x20] =	vst v10  }
0x3c6: {  	(v2sf) =	vpush v0, $0x4;
	v10 =	vld [tilespmem:s9+$0x30];
	[tilespmem:s22+$0xD0] =	vst v8  }
0x3c7: {  	v8 =	vld [tilespmem:s3+$0x20];
	[tilespmem:s21+$0x180] =	vst v11  }
0x3c8: {  	[tilespmem:s25+$0xFFFFFE20] =	vst v12;
	v11 =	vld [tilespmem:s2+$0x10]  }
0x3c9: {  	v12 =	vld [tilespmem:s7+$0x30];
	[tilespmem:s24+$0xFFFFFED0] =	vst v7  }
0x3ca: {  	v7 =	vld [tilespmem:s4+$0x20];
	[tilespmem:s23+$0xFFFFFF80] =	vst v9;
	(v2sf) =	vpush v4, $0xF;
	v4 =	vmovc v3;
	v3 =	vmovc v2;
	v2 =	vmov v1;
	v1 =	vmov v0  }
0x3cb: {  	v0 =	vmov v5;
	v9 =	vld [tilespmem:s6+$0x10];
	[tilespmem:s5+$0x30] =	vst v10;
	s8 =	spop (v2sf)  }
0x3cc: {  	v5 =	vld [tilespmem:s8+$0x0];
	[tilespmem:s22+$0xE0] =	vst v8  }
0x3cd: {  	(v2sf) =	vpush v2, $0x7;
	v8 =	vld [tilespmem:s3+$0x30];
	[tilespmem:s21+$0x190] =	vst v11  }
0x3ce: {  	[tilespmem:s25+$0xFFFFFE30] =	vst v12;
	s3 =	spop (v2sf);
	v10 =	vld [tilespmem:s2+$0x20]  }
0x3cf: {  	v11 =	vld [tilespmem:s3+$0x0];
	[tilespmem:s24+$0xFFFFFEE0] =	vst v7  }
0x3d0: {  	v7 =	vld [tilespmem:s4+$0x30];
	[tilespmem:s23+$0xFFFFFF90] =	vst v9  }
0x3d1: {  	v9 =	vld [tilespmem:s6+$0x20];
	[tilespmem:s5+$0x40] =	vst v5  }
0x3d2: {  	v5 =	vld [tilespmem:s8+$0x10];
	[tilespmem:s22+$0xF0] =	vst v8;
	s9 =	spop (v2sf)  }
0x3d3: {  	v8 =	vld [tilespmem:s9+$0x0];
	[tilespmem:s21+$0x1A0] =	vst v10  }
0x3d4: {  	[tilespmem:s25+$0xFFFFFE40] =	vst v11;
	(v2sf) =	vpush v3, $0xA;
	v10 =	vld [tilespmem:s2+$0x30]  }
0x3d5: {  	v11 =	vld [tilespmem:s3+$0x10];
	[tilespmem:s24+$0xFFFFFEF0] =	vst v7;
	s4 =	spop (v2sf)  }
0x3d6: {  	v7 =	vld [tilespmem:s4+$0x0];
	[tilespmem:s23+$0xFFFFFFA0] =	vst v9  }
0x3d7: {  	(v2sf) =	vpush v0, $0x2;
	v9 =	vld [tilespmem:s6+$0x30];
	[tilespmem:s5+$0x50] =	vst v5  }
0x3d8: {  	v5 =	vld [tilespmem:s8+$0x20];
	[tilespmem:s22+$0x100] =	vst v8  }
0x3d9: {  	v8 =	vld [tilespmem:s9+$0x10];
	[tilespmem:s21+$0x1B0] =	vst v10;
	s2 =	spop (v2sf)  }
0x3da: {  	[tilespmem:s25+$0xFFFFFE50] =	vst v11;
	v10 =	vld [tilespmem:s2+$0x0]  }
0x3db: {  	v11 =	vld [tilespmem:s3+$0x20];
	[tilespmem:s24+$0xFFFFFF00] =	vst v7;
	(v2sf) =	vpush v4, $0xD  }
0x3dc: {  	v7 =	vld [tilespmem:s4+$0x10];
	[tilespmem:s23+$0xFFFFFFB0] =	vst v9;
	s7 =	spop (v2sf)  }
0x3dd: {  	v9 =	vld [tilespmem:s7+$0x0];
	[tilespmem:s5+$0x60] =	vst v5  }
0x3de: {  	(v2sf) =	vpush v1, $0x5;
	v5 =	vld [tilespmem:s8+$0x30];
	[tilespmem:s22+$0x110] =	vst v8  }
0x3df: {  	v8 =	vld [tilespmem:s9+$0x20];
	[tilespmem:s21+$0x1C0] =	vst v10  }
0x3e0: {  	[tilespmem:s25+$0xFFFFFE60] =	vst v11;
	v10 =	vld [tilespmem:s2+$0x10]  }
0x3e1: {  	v11 =	vld [tilespmem:s3+$0x30];
	[tilespmem:s24+$0xFFFFFF10] =	vst v7  }
0x3e2: {  	s0 =	sadd.s32 $0x10, s0;
	v7 =	vld [tilespmem:s4+$0x20];
	[tilespmem:s23+$0xFFFFFFC0] =	vst v9  }
0x3e3: {  	p0 =	slt.u32 s0, $0x270;
	v9 =	vld [tilespmem:s7+$0x10];
	[tilespmem:s5+$0x70] =	vst v5;
	s3 =	spop (v2sf)  }
0x3e4: {  	v12 =	vld [tilespmem:s3+$0x0];
	[tilespmem:s22+$0x120] =	vst v8  }
0x3e5: {  	(v2sf) =	vpush v2, $0x8;
	v8 =	vld [tilespmem:s9+$0x30];
	[tilespmem:s21+$0x1D0] =	vst v10  }
0x3e6: {  	[tilespmem:s25+$0xFFFFFE70] =	vst v11;
	s8 =	spop (v2sf);
	v10 =	vld [tilespmem:s2+$0x20]  }
0x3e7: {  	v5 =	vshll.u32 v6, $0x6;
	v6 =	vld [tilespmem:s8+$0x0];
	[tilespmem:s24+$0xFFFFFF20] =	vst v7  }
0x3e8: {  	(v2sf) =	vpush v5, $0x0;
	v11 =	vld [tilespmem:s4+$0x30];
	[tilespmem:s23+$0xFFFFFFD0] =	vst v9  }
0x3e9: {  	v13 =	vld [tilespmem:s7+$0x20];
	[tilespmem:s5+$0x80] =	vst v12  }
0x3ea: {  	v12 =	vld [tilespmem:s3+$0x10];
	[tilespmem:s22+$0x130] =	vst v8;
	s6 =	spop (v2sf)  }
0x3eb: {  	v14 =	vld [tilespmem:s6+$0x0];
	[tilespmem:s21+$0x1E0] =	vst v10  }
0x3ec: {  	[tilespmem:s25+$0xFFFFFE80] =	vst v6;
	(v2sf) =	vpush v3, $0xB;
	v6 =	vld [tilespmem:s2+$0x30]  }
.Ltmp1:
0x3ed: {  	v7 =	vld [tilespmem:s8+$0x10];
	[tilespmem:s24+$0xFFFFFF30] =	vst v11;
	s2 =	spop (v2sf);
	(pc) =	sbr.rel @p0 .LBB2_5-.Ltmp1, $4  }
0x3ee: {  	v9 =	vld [tilespmem:s2+$0x0];
	[tilespmem:s23+$0xFFFFFFE0] =	vst v13  }
0x3ef: {  	(v2sf) =	vpush v0, $0x3;
	v10 =	vld [tilespmem:s7+$0x30];
	[tilespmem:s5+$0x90] =	vst v12  }
0x3f0: {  	v8 =	vld [tilespmem:s3+$0x20];
	[tilespmem:s22+$0x140] =	vst v14  }
0x3f1: {  	s1 =	sadd.s32 $0x10, s1;
	v11 =	vld [tilespmem:s6+$0x10];
	[tilespmem:s21+$0x1F0] =	vst v6;
	s21 =	smov.u32 s22;
	s22 =	smov.u32 s5  }
0x3f2: {  	_ =	sdelay $0x3  }
0x3f3: {  	s1 =	spop (v2sf)  }
0x3f4: {  	s4 =	spop (v2sf)  }
0x3f5: {  	[tilespmem:s25+$0xFFFFFE90] =	vst v7;
	v51 =	vld [tilespmem:s4+$0x0]  }
0x3f6: {  	(v2sf) =	vpush v4, $0xE;
	v6 =	vld [tilespmem:s8+$0x20];
	[tilespmem:s24+$0xFFFFFF40] =	vst v9  }
0x3f7: {  	v48 =	vld [tilespmem:s2+$0x10];
	[tilespmem:s23+$0xFFFFFFF0] =	vst v10  }
0x3f8: {  	v49 =	vld [tilespmem:s1+$0x0];
	[tilespmem:s22+$0xA0] =	vst v8  }
0x3f9: {  	s26 =	sadd.s32 $0x400, s25;
	(v2sf) =	vpush v1, $0x6;
	v8 =	vld [tilespmem:s3+$0x30];
	[tilespmem:s21+$0x150] =	vst v11  }
0x3fa: {  	v50 =	vld [tilespmem:s6+$0x20];
	[tilespmem:s26+$0xFFFFFE00] =	vst v51  }
0x3fb: {  	[tilespmem:s25+$0xFFFFFEA0] =	vst v6;
	v11 =	vld [tilespmem:s4+$0x10]  }
0x3fc: {  	v6 =	vld [tilespmem:s8+$0x30];
	[tilespmem:s24+$0xFFFFFF50] =	vst v48  }
0x3fd: {  	v7 =	vld [tilespmem:s2+$0x20];
	[tilespmem:s23+$0x0] =	vst v49;
	s5 =	spop (v2sf);
	(v2sf) =	vpush v2, $0x9  }
0x3fe: {  	v9 =	vld [tilespmem:s1+$0x10];
	[tilespmem:s22+$0xB0] =	vst v8;
	(v2sf) =	vpush v5, $0x1  }
0x3ff: {  	v8 =	vld [tilespmem:s5+$0x0];
	[tilespmem:s21+$0x160] =	vst v50  }
0x400: {  	v10 =	vld [tilespmem:s6+$0x30];
	[tilespmem:s26+$0xFFFFFE10] =	vst v11  }
0x401: {  	[tilespmem:s25+$0xFFFFFEB0] =	vst v6;
	s6 =	spop (v2sf);
	v11 =	vld [tilespmem:s4+$0x20]  }
0x402: {  	v6 =	vld [tilespmem:s6+$0x0];
	[tilespmem:s24+$0xFFFFFF60] =	vst v7  }
0x403: {  	v7 =	vld [tilespmem:s2+$0x30];
	[tilespmem:s23+$0x10] =	vst v9  }
0x404: {  	v9 =	vld [tilespmem:s1+$0x20];
	[tilespmem:s22+$0xC0] =	vst v8  }
0x405: {  	s29 =	spop (v2sf);
	v12 =	vld [tilespmem:s5+$0x10];
	[tilespmem:s21+$0x170] =	vst v10  }
0x406: {  	v10 =	vld [tilespmem:s29+$0x0];
	[tilespmem:s26+$0xFFFFFE20] =	vst v11  }
0x407: {  	[tilespmem:s25+$0xFFFFFEC0] =	vst v6;
	v55 =	vld [tilespmem:s4+$0x30]  }
0x408: {  	s0 =	spop (v2sf);
	v13 =	vld [tilespmem:s6+$0x10];
	[tilespmem:s24+$0xFFFFFF70] =	vst v7  }
0x409: {  	v14 =	vld [tilespmem:s0+$0x0];
	[tilespmem:s23+$0x20] =	vst v9  }
0x40a: {  	v52 =	vld [tilespmem:s1+$0x30];
	[tilespmem:s22+$0xD0] =	vst v12  }
0x40b: {  	(v2sf) =	vpush v3, $0xC;
	v53 =	vld [tilespmem:s5+$0x20];
	[tilespmem:s21+$0x180] =	vst v10  }
0x40c: {  	(v2sf) =	vpush v0, $0x4;
	v54 =	vld [tilespmem:s29+$0x10];
	s12 =	spop (v2sf);
	[tilespmem:s26+$0xFFFFFE30] =	vst v55  }
0x40d: {  	s7 =	spop (v2sf)  }
0x40e: {  	v9 =	vld [tilespmem:s7+$0x0];
	_ =	sdelay $0x4  }
0x40f: {  	(v2sf) =	vpush v4, $0xF;
	[tilespmem:s26+$0xFFFFFE40] =	vst v9  }
0x410: {  	(v2sf) =	vpush v1, $0x7;
	v56 =	vld [tilespmem:s7+$0x10]  }
0x411: {  	(v2sf) =	vpush v2, $0xA  }
0x412: {  	(v2sf) =	vpush v5, $0x2;
	_ =	sdelay $0x2  }
0x413: {  	[tilespmem:s26+$0xFFFFFE50] =	vst v56  }
0x414: {  	v4 =	vld [tilespmem:s7+$0x20];
	_ =	sdelay $0x4  }
0x415: {  	[tilespmem:s26+$0xFFFFFE60] =	vst v4  }
0x416: {  	s10 =	spop (v2sf);
	v4 =	vld [tilespmem:s7+$0x30]  }
0x417: {  	s8 =	spop (v2sf)  }
0x418: {  	s28 =	spop (v2sf)  }
0x419: {  	s14 =	spop (v2sf)  }
0x41a: {  	s18 =	spop (v2sf)  }
0x41b: {  	s16 =	spop (v2sf);
	[tilespmem:s26+$0xFFFFFE70] =	vst v4  }
0x41c: {  	v4 =	vld [tilespmem:s16+$0x0];
	_ =	sdelay $0x3  }
0x41d: {  	(v2sf) =	vpush v3, $0xD  }
0x41e: {  	(v2sf) =	vpush v0, $0x5;
	[tilespmem:s26+$0xFFFFFE80] =	vst v4  }
0x41f: {  	(v2sf) =	vpush v1, $0x8;
	v4 =	vld [tilespmem:s16+$0x10]  }
0x420: {  	(v2sf) =	vpush v2, $0xB  }
0x421: {  	(v2sf) =	vpush v5, $0x3;
	_ =	sdelay $0x2  }
0x422: {  	[tilespmem:s26+$0xFFFFFE90] =	vst v4  }
0x423: {  	v4 =	vld [tilespmem:s16+$0x20];
	_ =	sdelay $0x4  }
0x424: {  	[tilespmem:s26+$0xFFFFFEA0] =	vst v4  }
0x425: {  	v4 =	vld [tilespmem:s16+$0x30]  }
0x426: {  	s1 =	spop (v2sf)  }
0x427: {  	s4 =	spop (v2sf)  }
0x428: {  	s13 =	spop (v2sf)  }
0x429: {  	s16 =	spop (v2sf)  }
0x42a: {  	s17 =	spop (v2sf);
	[tilespmem:s26+$0xFFFFFEB0] =	vst v4  }
0x42b: {  	v4 =	vld [tilespmem:s17+$0x0];
	_ =	sdelay $0x3  }
0x42c: {  	(v2sf) =	vpush v3, $0xE  }
0x42d: {  	(v2sf) =	vpush v0, $0x6;
	[tilespmem:s26+$0xFFFFFEC0] =	vst v4  }
0x42e: {  	(v2sf) =	vpush v1, $0x9;
	v4 =	vld [tilespmem:s17+$0x10]  }
0x42f: {  	(v2sf) =	vpush v2, $0xC  }
0x430: {  	(v2sf) =	vpush v5, $0x4  }
0x431: {  	[tilespmem:s25+$0xFFFFFED0] =	vst v13  }
0x432: {  	v57 =	vld [tilespmem:s6+$0x20]  }
0x433: {  	[tilespmem:s26+$0xFFFFFED0] =	vst v4  }
0x434: {  	v4 =	vld [tilespmem:s17+$0x20];
	_ =	sdelay $0x2  }
0x435: {  	[tilespmem:s25+$0xFFFFFEE0] =	vst v57  }
0x436: {  	v9 =	vld [tilespmem:s6+$0x30]  }
0x437: {  	[tilespmem:s26+$0xFFFFFEE0] =	vst v4  }
0x438: {  	v4 =	vld [tilespmem:s17+$0x30]  }
0x439: {  	s31 =	spop (v2sf)  }
0x43a: {  	s20 =	spop (v2sf)  }
0x43b: {  	[tilespmem:s25+$0xFFFFFEF0] =	vst v9;
	s11 =	spop (v2sf)  }
0x43c: {  	v9 =	vld [tilespmem:s8+$0x0];
	s9 =	spop (v2sf)  }
0x43d: {  	s15 =	spop (v2sf);
	[tilespmem:s26+$0xFFFFFEF0] =	vst v4  }
0x43e: {  	v4 =	vld [tilespmem:s15+$0x0];
	_ =	sdelay $0x2  }
0x43f: {  	[tilespmem:s25+$0xFFFFFF00] =	vst v9  }
0x440: {  	v58 =	vld [tilespmem:s8+$0x10];
	(v2sf) =	vpush v3, $0xF  }
0x441: {  	(v2sf) =	vpush v0, $0x7;
	[tilespmem:s26+$0xFFFFFF00] =	vst v4  }
0x442: {  	(v2sf) =	vpush v1, $0xA;
	v4 =	vld [tilespmem:s15+$0x10]  }
0x443: {  	(v2sf) =	vpush v2, $0xD  }
0x444: {  	(v2sf) =	vpush v5, $0x5  }
0x445: {  	[tilespmem:s25+$0xFFFFFF10] =	vst v58  }
0x446: {  	v3 =	vld [tilespmem:s8+$0x20]  }
0x447: {  	[tilespmem:s26+$0xFFFFFF10] =	vst v4  }
0x448: {  	v4 =	vld [tilespmem:s15+$0x20];
	_ =	sdelay $0x2  }
0x449: {  	[tilespmem:s25+$0xFFFFFF20] =	vst v3  }
0x44a: {  	v3 =	vld [tilespmem:s8+$0x30]  }
0x44b: {  	[tilespmem:s26+$0xFFFFFF20] =	vst v4  }
0x44c: {  	v4 =	vld [tilespmem:s15+$0x30]  }
0x44d: {  	s30 =	spop (v2sf)  }
0x44e: {  	s7 =	spop (v2sf)  }
0x44f: {  	[tilespmem:s25+$0xFFFFFF30] =	vst v3;
	s3 =	spop (v2sf)  }
0x450: {  	v3 =	vld [tilespmem:s4+$0x0];
	s8 =	spop (v2sf)  }
0x451: {  	s17 =	spop (v2sf);
	[tilespmem:s26+$0xFFFFFF30] =	vst v4  }
0x452: {  	v4 =	vld [tilespmem:s17+$0x0];
	_ =	sdelay $0x2  }
0x453: {  	[tilespmem:s25+$0xFFFFFF40] =	vst v3  }
0x454: {  	v3 =	vld [tilespmem:s4+$0x10]  }
0x455: {  	(v2sf) =	vpush v0, $0x8;
	[tilespmem:s26+$0xFFFFFF40] =	vst v4  }
0x456: {  	(v2sf) =	vpush v1, $0xB;
	v4 =	vld [tilespmem:s17+$0x10]  }
0x457: {  	(v2sf) =	vpush v2, $0xE  }
0x458: {  	(v2sf) =	vpush v5, $0x6  }
0x459: {  	[tilespmem:s25+$0xFFFFFF50] =	vst v3  }
0x45a: {  	v3 =	vld [tilespmem:s4+$0x20]  }
0x45b: {  	[tilespmem:s26+$0xFFFFFF50] =	vst v4  }
0x45c: {  	v4 =	vld [tilespmem:s17+$0x20];
	_ =	sdelay $0x2  }
0x45d: {  	[tilespmem:s25+$0xFFFFFF60] =	vst v3  }
0x45e: {  	v3 =	vld [tilespmem:s4+$0x30]  }
0x45f: {  	[tilespmem:s26+$0xFFFFFF60] =	vst v4  }
0x460: {  	v4 =	vld [tilespmem:s17+$0x30];
	_ =	sdelay $0x1  }
0x461: {  	s4 =	spop (v2sf)  }
0x462: {  	[tilespmem:s25+$0xFFFFFF70] =	vst v3;
	s17 =	spop (v2sf)  }
0x463: {  	v3 =	vld [tilespmem:s20+$0x0];
	s6 =	spop (v2sf)  }
0x464: {  	s15 =	spop (v2sf);
	[tilespmem:s26+$0xFFFFFF70] =	vst v4  }
0x465: {  	v4 =	vld [tilespmem:s15+$0x0]  }
0x466: {  	[tilespmem:s24+$0xFFFFFF80] =	vst v14  }
0x467: {  	v59 =	vld [tilespmem:s0+$0x10]  }
0x468: {  	[tilespmem:s25+$0xFFFFFF80] =	vst v3  }
0x469: {  	v3 =	vld [tilespmem:s20+$0x10]  }
0x46a: {  	(v2sf) =	vpush v0, $0x9;
	[tilespmem:s26+$0xFFFFFF80] =	vst v4  }
0x46b: {  	(v2sf) =	vpush v1, $0xC;
	v4 =	vld [tilespmem:s15+$0x10]  }
0x46c: {  	[tilespmem:s24+$0xFFFFFF90] =	vst v59;
	(v2sf) =	vpush v2, $0xF  }
0x46d: {  	v60 =	vld [tilespmem:s0+$0x20];
	(v2sf) =	vpush v5, $0x7  }
0x46e: {  	[tilespmem:s25+$0xFFFFFF90] =	vst v3  }
0x46f: {  	v3 =	vld [tilespmem:s20+$0x20]  }
0x470: {  	[tilespmem:s26+$0xFFFFFF90] =	vst v4  }
0x471: {  	v4 =	vld [tilespmem:s15+$0x20]  }
0x472: {  	[tilespmem:s24+$0xFFFFFFA0] =	vst v60  }
0x473: {  	v2 =	vld [tilespmem:s0+$0x30]  }
0x474: {  	[tilespmem:s25+$0xFFFFFFA0] =	vst v3  }
0x475: {  	v3 =	vld [tilespmem:s20+$0x30]  }
0x476: {  	[tilespmem:s26+$0xFFFFFFA0] =	vst v4  }
0x477: {  	v4 =	vld [tilespmem:s15+$0x30]  }
0x478: {  	[tilespmem:s24+$0xFFFFFFB0] =	vst v2  }
0x479: {  	s20 =	spop (v2sf);
	v2 =	vld [tilespmem:s14+$0x0]  }
0x47a: {  	[tilespmem:s25+$0xFFFFFFB0] =	vst v3;
	s2 =	spop (v2sf)  }
0x47b: {  	v3 =	vld [tilespmem:s7+$0x0];
	s0 =	spop (v2sf)  }
0x47c: {  	s15 =	spop (v2sf);
	[tilespmem:s26+$0xFFFFFFB0] =	vst v4  }
0x47d: {  	v4 =	vld [tilespmem:s15+$0x0]  }
0x47e: {  	[tilespmem:s24+$0xFFFFFFC0] =	vst v2  }
0x47f: {  	v2 =	vld [tilespmem:s14+$0x10]  }
0x480: {  	[tilespmem:s25+$0xFFFFFFC0] =	vst v3  }
0x481: {  	v3 =	vld [tilespmem:s7+$0x10]  }
0x482: {  	[tilespmem:s26+$0xFFFFFFC0] =	vst v4  }
0x483: {  	(v2sf) =	vpush v0, $0xA;
	v4 =	vld [tilespmem:s15+$0x10]  }
0x484: {  	(v2sf) =	vpush v1, $0xD;
	[tilespmem:s24+$0xFFFFFFD0] =	vst v2  }
0x485: {  	(v2sf) =	vpush v5, $0x8;
	v2 =	vld [tilespmem:s14+$0x20]  }
0x486: {  	[tilespmem:s25+$0xFFFFFFD0] =	vst v3  }
0x487: {  	v3 =	vld [tilespmem:s7+$0x20]  }
0x488: {  	[tilespmem:s26+$0xFFFFFFD0] =	vst v4  }
0x489: {  	v4 =	vld [tilespmem:s15+$0x20]  }
0x48a: {  	[tilespmem:s24+$0xFFFFFFE0] =	vst v2  }
0x48b: {  	v2 =	vld [tilespmem:s14+$0x30]  }
0x48c: {  	[tilespmem:s25+$0xFFFFFFE0] =	vst v3  }
0x48d: {  	v3 =	vld [tilespmem:s7+$0x30]  }
0x48e: {  	[tilespmem:s26+$0xFFFFFFE0] =	vst v4  }
0x48f: {  	v4 =	vld [tilespmem:s15+$0x30]  }
0x490: {  	[tilespmem:s24+$0xFFFFFFF0] =	vst v2  }
0x491: {  	v2 =	vld [tilespmem:s13+$0x0]  }
0x492: {  	[tilespmem:s25+$0xFFFFFFF0] =	vst v3;
	s7 =	spop (v2sf)  }
0x493: {  	v3 =	vld [tilespmem:s4+$0x0];
	s15 =	spop (v2sf)  }
0x494: {  	s14 =	spop (v2sf);
	[tilespmem:s26+$0xFFFFFFF0] =	vst v4  }
0x495: {  	v4 =	vld [tilespmem:s14+$0x0]  }
0x496: {  	[tilespmem:s24+$0x0] =	vst v2  }
0x497: {  	v2 =	vld [tilespmem:s13+$0x10]  }
0x498: {  	[tilespmem:s25+$0x0] =	vst v3  }
0x499: {  	v3 =	vld [tilespmem:s4+$0x10]  }
0x49a: {  	[tilespmem:s26+$0x0] =	vst v4  }
0x49b: {  	(v2sf) =	vpush v0, $0xB;
	v4 =	vld [tilespmem:s14+$0x10]  }
0x49c: {  	[tilespmem:s24+$0x10] =	vst v2;
	(v2sf) =	vpush v1, $0xE  }
0x49d: {  	v2 =	vld [tilespmem:s13+$0x20];
	(v2sf) =	vpush v5, $0x9  }
0x49e: {  	[tilespmem:s25+$0x10] =	vst v3  }
0x49f: {  	v3 =	vld [tilespmem:s4+$0x20]  }
0x4a0: {  	[tilespmem:s26+$0x10] =	vst v4  }
0x4a1: {  	v4 =	vld [tilespmem:s14+$0x20]  }
0x4a2: {  	[tilespmem:s24+$0x20] =	vst v2  }
0x4a3: {  	v2 =	vld [tilespmem:s13+$0x30]  }
0x4a4: {  	[tilespmem:s25+$0x20] =	vst v3  }
0x4a5: {  	v3 =	vld [tilespmem:s4+$0x30]  }
0x4a6: {  	[tilespmem:s26+$0x20] =	vst v4  }
0x4a7: {  	[tilespmem:s23+$0x30] =	vst v52;
	v4 =	vld [tilespmem:s14+$0x30]  }
0x4a8: {  	v8 =	vld [tilespmem:s12+$0x0];
	[tilespmem:s24+$0x30] =	vst v2  }
0x4a9: {  	v2 =	vld [tilespmem:s11+$0x0]  }
0x4aa: {  	[tilespmem:s25+$0x30] =	vst v3;
	s4 =	spop (v2sf)  }
0x4ab: {  	v3 =	vld [tilespmem:s20+$0x0];
	s13 =	spop (v2sf)  }
0x4ac: {  	s14 =	spop (v2sf);
	[tilespmem:s26+$0x30] =	vst v4  }
0x4ad: {  	[tilespmem:s23+$0x40] =	vst v8;
	v4 =	vld [tilespmem:s14+$0x0]  }
0x4ae: {  	v8 =	vld [tilespmem:s12+$0x10];
	[tilespmem:s24+$0x40] =	vst v2  }
0x4af: {  	v2 =	vld [tilespmem:s11+$0x10]  }
0x4b0: {  	[tilespmem:s25+$0x40] =	vst v3  }
0x4b1: {  	v3 =	vld [tilespmem:s20+$0x10]  }
0x4b2: {  	[tilespmem:s26+$0x40] =	vst v4  }
0x4b3: {  	[tilespmem:s23+$0x50] =	vst v8;
	(v2sf) =	vpush v0, $0xC;
	v4 =	vld [tilespmem:s14+$0x10]  }
0x4b4: {  	v61 =	vld [tilespmem:s12+$0x20];
	(v2sf) =	vpush v1, $0xF;
	[tilespmem:s24+$0x50] =	vst v2  }
0x4b5: {  	v2 =	vld [tilespmem:s11+$0x20];
	(v2sf) =	vpush v5, $0xA  }
0x4b6: {  	[tilespmem:s25+$0x50] =	vst v3  }
0x4b7: {  	v3 =	vld [tilespmem:s20+$0x20]  }
0x4b8: {  	[tilespmem:s26+$0x50] =	vst v4  }
0x4b9: {  	[tilespmem:s23+$0x60] =	vst v61;
	v4 =	vld [tilespmem:s14+$0x20]  }
0x4ba: {  	v1 =	vld [tilespmem:s12+$0x30];
	[tilespmem:s24+$0x60] =	vst v2  }
0x4bb: {  	v2 =	vld [tilespmem:s11+$0x30]  }
0x4bc: {  	[tilespmem:s25+$0x60] =	vst v3  }
0x4bd: {  	v3 =	vld [tilespmem:s20+$0x30]  }
0x4be: {  	[tilespmem:s26+$0x60] =	vst v4  }
0x4bf: {  	[tilespmem:s23+$0x70] =	vst v1;
	v4 =	vld [tilespmem:s14+$0x30]  }
0x4c0: {  	v1 =	vld [tilespmem:s18+$0x0];
	[tilespmem:s24+$0x70] =	vst v2  }
0x4c1: {  	v2 =	vld [tilespmem:s3+$0x0]  }
0x4c2: {  	[tilespmem:s25+$0x70] =	vst v3;
	s14 =	spop (v2sf)  }
0x4c3: {  	v3 =	vld [tilespmem:s7+$0x0];
	s12 =	spop (v2sf)  }
0x4c4: {  	s20 =	spop (v2sf);
	[tilespmem:s26+$0x70] =	vst v4  }
0x4c5: {  	[tilespmem:s23+$0x80] =	vst v1;
	v4 =	vld [tilespmem:s20+$0x0]  }
0x4c6: {  	v1 =	vld [tilespmem:s18+$0x10];
	[tilespmem:s24+$0x80] =	vst v2  }
0x4c7: {  	v2 =	vld [tilespmem:s3+$0x10]  }
0x4c8: {  	[tilespmem:s25+$0x80] =	vst v3  }
0x4c9: {  	v3 =	vld [tilespmem:s7+$0x10]  }
0x4ca: {  	[tilespmem:s26+$0x80] =	vst v4  }
0x4cb: {  	[tilespmem:s23+$0x90] =	vst v1;
	v4 =	vld [tilespmem:s20+$0x10]  }
0x4cc: {  	v1 =	vld [tilespmem:s18+$0x20];
	[tilespmem:s24+$0x90] =	vst v2;
	(v2sf) =	vpush v0, $0xD  }
0x4cd: {  	v2 =	vld [tilespmem:s3+$0x20];
	(v2sf) =	vpush v5, $0xB  }
0x4ce: {  	[tilespmem:s25+$0x90] =	vst v3  }
0x4cf: {  	v3 =	vld [tilespmem:s7+$0x20]  }
0x4d0: {  	[tilespmem:s26+$0x90] =	vst v4  }
0x4d1: {  	[tilespmem:s23+$0xA0] =	vst v1;
	v4 =	vld [tilespmem:s20+$0x20]  }
0x4d2: {  	v1 =	vld [tilespmem:s18+$0x30];
	[tilespmem:s24+$0xA0] =	vst v2  }
0x4d3: {  	v2 =	vld [tilespmem:s3+$0x30]  }
0x4d4: {  	[tilespmem:s25+$0xA0] =	vst v3  }
0x4d5: {  	v3 =	vld [tilespmem:s7+$0x30]  }
0x4d6: {  	[tilespmem:s26+$0xA0] =	vst v4  }
0x4d7: {  	[tilespmem:s23+$0xB0] =	vst v1;
	v4 =	vld [tilespmem:s20+$0x30]  }
0x4d8: {  	v1 =	vld [tilespmem:s16+$0x0];
	[tilespmem:s24+$0xB0] =	vst v2  }
0x4d9: {  	v2 =	vld [tilespmem:s17+$0x0]  }
0x4da: {  	[tilespmem:s25+$0xB0] =	vst v3  }
0x4db: {  	v3 =	vld [tilespmem:s4+$0x0];
	s18 =	spop (v2sf)  }
0x4dc: {  	s20 =	spop (v2sf);
	[tilespmem:s26+$0xB0] =	vst v4  }
0x4dd: {  	[tilespmem:s23+$0xC0] =	vst v1;
	v4 =	vld [tilespmem:s20+$0x0]  }
0x4de: {  	v1 =	vld [tilespmem:s16+$0x10];
	[tilespmem:s24+$0xC0] =	vst v2  }
0x4df: {  	v2 =	vld [tilespmem:s17+$0x10]  }
0x4e0: {  	[tilespmem:s25+$0xC0] =	vst v3  }
0x4e1: {  	v3 =	vld [tilespmem:s4+$0x10]  }
0x4e2: {  	[tilespmem:s26+$0xC0] =	vst v4  }
0x4e3: {  	[tilespmem:s23+$0xD0] =	vst v1;
	v4 =	vld [tilespmem:s20+$0x10]  }
0x4e4: {  	v1 =	vld [tilespmem:s16+$0x20];
	(v2sf) =	vpush v0, $0xE;
	[tilespmem:s24+$0xD0] =	vst v2  }
0x4e5: {  	v2 =	vld [tilespmem:s17+$0x20];
	(v2sf) =	vpush v5, $0xC  }
0x4e6: {  	[tilespmem:s25+$0xD0] =	vst v3  }
0x4e7: {  	[tilespmem:s22+$0xE0] =	vst v53;
	v3 =	vld [tilespmem:s4+$0x20]  }
0x4e8: {  	v7 =	vld [tilespmem:s5+$0x30];
	[tilespmem:s26+$0xD0] =	vst v4  }
0x4e9: {  	[tilespmem:s23+$0xE0] =	vst v1;
	v4 =	vld [tilespmem:s20+$0x20]  }
0x4ea: {  	v1 =	vld [tilespmem:s16+$0x30];
	[tilespmem:s24+$0xE0] =	vst v2  }
0x4eb: {  	v2 =	vld [tilespmem:s17+$0x30]  }
0x4ec: {  	[tilespmem:s25+$0xE0] =	vst v3  }
0x4ed: {  	[tilespmem:s22+$0xF0] =	vst v7;
	v3 =	vld [tilespmem:s4+$0x30]  }
0x4ee: {  	v7 =	vld [tilespmem:s10+$0x0];
	[tilespmem:s26+$0xE0] =	vst v4  }
0x4ef: {  	[tilespmem:s23+$0xF0] =	vst v1;
	v4 =	vld [tilespmem:s20+$0x30]  }
0x4f0: {  	v1 =	vld [tilespmem:s9+$0x0];
	[tilespmem:s24+$0xF0] =	vst v2  }
0x4f1: {  	v2 =	vld [tilespmem:s2+$0x0]  }
0x4f2: {  	[tilespmem:s25+$0xF0] =	vst v3  }
0x4f3: {  	[tilespmem:s22+$0x100] =	vst v7;
	v3 =	vld [tilespmem:s14+$0x0];
	s5 =	spop (v2sf)  }
0x4f4: {  	v7 =	vld [tilespmem:s10+$0x10];
	s7 =	spop (v2sf);
	[tilespmem:s26+$0xF0] =	vst v4  }
0x4f5: {  	[tilespmem:s23+$0x100] =	vst v1;
	v4 =	vld [tilespmem:s7+$0x0]  }
0x4f6: {  	v1 =	vld [tilespmem:s9+$0x10];
	[tilespmem:s24+$0x100] =	vst v2  }
0x4f7: {  	v2 =	vld [tilespmem:s2+$0x10]  }
0x4f8: {  	[tilespmem:s25+$0x100] =	vst v3  }
0x4f9: {  	[tilespmem:s22+$0x110] =	vst v7;
	v3 =	vld [tilespmem:s14+$0x10]  }
0x4fa: {  	v62 =	vld [tilespmem:s10+$0x20];
	[tilespmem:s26+$0x100] =	vst v4  }
0x4fb: {  	[tilespmem:s23+$0x110] =	vst v1;
	v4 =	vld [tilespmem:s7+$0x10]  }
0x4fc: {  	(v2sf) =	vpush v0, $0xF;
	v1 =	vld [tilespmem:s9+$0x20];
	[tilespmem:s24+$0x110] =	vst v2  }
0x4fd: {  	(v2sf) =	vpush v5, $0xD;
	v2 =	vld [tilespmem:s2+$0x20]  }
0x4fe: {  	[tilespmem:s25+$0x110] =	vst v3  }
0x4ff: {  	[tilespmem:s22+$0x120] =	vst v62;
	v3 =	vld [tilespmem:s14+$0x20]  }
0x500: {  	v0 =	vld [tilespmem:s10+$0x30];
	[tilespmem:s26+$0x110] =	vst v4  }
0x501: {  	[tilespmem:s23+$0x120] =	vst v1;
	v4 =	vld [tilespmem:s7+$0x20]  }
0x502: {  	v1 =	vld [tilespmem:s9+$0x30];
	[tilespmem:s24+$0x120] =	vst v2  }
0x503: {  	v2 =	vld [tilespmem:s2+$0x30]  }
0x504: {  	[tilespmem:s25+$0x120] =	vst v3  }
0x505: {  	v3 =	vld [tilespmem:s14+$0x30];
	[tilespmem:s22+$0x130] =	vst v0  }
0x506: {  	v0 =	vld [tilespmem:s1+$0x0];
	[tilespmem:s26+$0x120] =	vst v4  }
0x507: {  	[tilespmem:s23+$0x130] =	vst v1;
	v4 =	vld [tilespmem:s7+$0x30]  }
0x508: {  	v1 =	vld [tilespmem:s8+$0x0];
	[tilespmem:s24+$0x130] =	vst v2  }
0x509: {  	v2 =	vld [tilespmem:s15+$0x0]  }
0x50a: {  	[tilespmem:s25+$0x130] =	vst v3  }
0x50b: {  	v3 =	vld [tilespmem:s18+$0x0];
	[tilespmem:s22+$0x140] =	vst v0;
	s16 =	spop (v2sf)  }
0x50c: {  	v0 =	vld [tilespmem:s1+$0x10];
	s17 =	spop (v2sf);
	[tilespmem:s26+$0x130] =	vst v4  }
0x50d: {  	[tilespmem:s23+$0x140] =	vst v1;
	v4 =	vld [tilespmem:s17+$0x0]  }
0x50e: {  	v1 =	vld [tilespmem:s8+$0x10];
	[tilespmem:s24+$0x140] =	vst v2  }
0x50f: {  	v2 =	vld [tilespmem:s15+$0x10]  }
0x510: {  	[tilespmem:s25+$0x140] =	vst v3  }
0x511: {  	v3 =	vld [tilespmem:s18+$0x10];
	[tilespmem:s22+$0x150] =	vst v0  }
0x512: {  	v0 =	vld [tilespmem:s1+$0x20];
	[tilespmem:s26+$0x140] =	vst v4  }
0x513: {  	[tilespmem:s23+$0x150] =	vst v1;
	v4 =	vld [tilespmem:s17+$0x10]  }
0x514: {  	v1 =	vld [tilespmem:s8+$0x20];
	[tilespmem:s24+$0x150] =	vst v2  }
0x515: {  	(v2sf) =	vpush v5, $0xE;
	v2 =	vld [tilespmem:s15+$0x20]  }
0x516: {  	[tilespmem:s25+$0x150] =	vst v3  }
0x517: {  	v3 =	vld [tilespmem:s18+$0x20];
	[tilespmem:s22+$0x160] =	vst v0  }
0x518: {  	v0 =	vld [tilespmem:s1+$0x30];
	[tilespmem:s26+$0x150] =	vst v4  }
0x519: {  	[tilespmem:s23+$0x160] =	vst v1;
	v4 =	vld [tilespmem:s17+$0x20]  }
0x51a: {  	v1 =	vld [tilespmem:s8+$0x30];
	[tilespmem:s24+$0x160] =	vst v2  }
0x51b: {  	v2 =	vld [tilespmem:s15+$0x30]  }
0x51c: {  	[tilespmem:s25+$0x160] =	vst v3  }
0x51d: {  	v3 =	vld [tilespmem:s18+$0x30];
	[tilespmem:s22+$0x170] =	vst v0  }
0x51e: {  	v0 =	vld [tilespmem:s31+$0x0];
	[tilespmem:s26+$0x160] =	vst v4  }
0x51f: {  	[tilespmem:s23+$0x170] =	vst v1;
	v4 =	vld [tilespmem:s17+$0x30]  }
0x520: {  	v1 =	vld [tilespmem:s6+$0x0];
	[tilespmem:s24+$0x170] =	vst v2  }
0x521: {  	v2 =	vld [tilespmem:s13+$0x0]  }
0x522: {  	[tilespmem:s25+$0x170] =	vst v3  }
0x523: {  	v3 =	vld [tilespmem:s5+$0x0];
	[tilespmem:s22+$0x180] =	vst v0  }
0x524: {  	s18 =	spop (v2sf);
	v0 =	vld [tilespmem:s31+$0x10];
	[tilespmem:s26+$0x170] =	vst v4  }
0x525: {  	[tilespmem:s23+$0x180] =	vst v1;
	v4 =	vld [tilespmem:s18+$0x0]  }
0x526: {  	v1 =	vld [tilespmem:s6+$0x10];
	[tilespmem:s24+$0x180] =	vst v2  }
0x527: {  	[tilespmem:s21+$0x190] =	vst v54;
	v2 =	vld [tilespmem:s13+$0x10]  }
0x528: {  	v6 =	vld [tilespmem:s29+$0x20];
	[tilespmem:s25+$0x180] =	vst v3  }
0x529: {  	v3 =	vld [tilespmem:s5+$0x10];
	[tilespmem:s22+$0x190] =	vst v0  }
0x52a: {  	v0 =	vld [tilespmem:s31+$0x20];
	[tilespmem:s26+$0x180] =	vst v4  }
0x52b: {  	[tilespmem:s23+$0x190] =	vst v1;
	v4 =	vld [tilespmem:s18+$0x10]  }
0x52c: {  	v1 =	vld [tilespmem:s6+$0x20];
	[tilespmem:s24+$0x190] =	vst v2  }
0x52d: {  	[tilespmem:s21+$0x1A0] =	vst v6;
	(v2sf) =	vpush v5, $0xF;
	v2 =	vld [tilespmem:s13+$0x20]  }
0x52e: {  	v63 =	vld [tilespmem:s29+$0x30];
	[tilespmem:s25+$0x190] =	vst v3  }
0x52f: {  	v3 =	vld [tilespmem:s5+$0x20];
	[tilespmem:s22+$0x1A0] =	vst v0  }
0x530: {  	v0 =	vld [tilespmem:s31+$0x30];
	[tilespmem:s26+$0x190] =	vst v4  }
0x531: {  	[tilespmem:s23+$0x1A0] =	vst v1;
	v4 =	vld [tilespmem:s18+$0x20]  }
0x532: {  	v1 =	vld [tilespmem:s6+$0x30];
	[tilespmem:s24+$0x1A0] =	vst v2  }
0x533: {  	[tilespmem:s21+$0x1B0] =	vst v63;
	v2 =	vld [tilespmem:s13+$0x30]  }
0x534: {  	v5 =	vld [tilespmem:s28+$0x0];
	[tilespmem:s25+$0x1A0] =	vst v3  }
0x535: {  	v3 =	vld [tilespmem:s5+$0x30];
	[tilespmem:s22+$0x1B0] =	vst v0  }
0x536: {  	v0 =	vld [tilespmem:s30+$0x0];
	[tilespmem:s26+$0x1A0] =	vst v4  }
0x537: {  	[tilespmem:s23+$0x1B0] =	vst v1;
	v4 =	vld [tilespmem:s18+$0x30]  }
0x538: {  	v1 =	vld [tilespmem:s0+$0x0];
	[tilespmem:s24+$0x1B0] =	vst v2  }
0x539: {  	[tilespmem:s21+$0x1C0] =	vst v5;
	v2 =	vld [tilespmem:s12+$0x0]  }
0x53a: {  	v5 =	vld [tilespmem:s28+$0x10];
	[tilespmem:s25+$0x1B0] =	vst v3  }
0x53b: {  	v3 =	vld [tilespmem:s16+$0x0];
	[tilespmem:s22+$0x1C0] =	vst v0  }
0x53c: {  	s20 =	spop (v2sf);
	v0 =	vld [tilespmem:s30+$0x10];
	[tilespmem:s26+$0x1B0] =	vst v4  }
0x53d: {  	[tilespmem:s23+$0x1C0] =	vst v1;
	v4 =	vld [tilespmem:s20+$0x0]  }
0x53e: {  	v1 =	vld [tilespmem:s0+$0x10];
	[tilespmem:s24+$0x1C0] =	vst v2  }
0x53f: {  	[tilespmem:s21+$0x1D0] =	vst v5;
	v2 =	vld [tilespmem:s12+$0x10]  }
0x540: {  	v5 =	vld [tilespmem:s28+$0x20];
	[tilespmem:s25+$0x1C0] =	vst v3  }
0x541: {  	v3 =	vld [tilespmem:s16+$0x10];
	[tilespmem:s22+$0x1D0] =	vst v0  }
0x542: {  	v0 =	vld [tilespmem:s30+$0x20];
	[tilespmem:s26+$0x1C0] =	vst v4  }
0x543: {  	[tilespmem:s23+$0x1D0] =	vst v1;
	v4 =	vld [tilespmem:s20+$0x10]  }
0x544: {  	v1 =	vld [tilespmem:s0+$0x20];
	[tilespmem:s24+$0x1D0] =	vst v2  }
0x545: {  	[tilespmem:s21+$0x1E0] =	vst v5;
	v2 =	vld [tilespmem:s12+$0x20]  }
0x546: {  	v5 =	vld [tilespmem:s28+$0x30];
	[tilespmem:s25+$0x1D0] =	vst v3  }
0x547: {  	v3 =	vld [tilespmem:s16+$0x20];
	[tilespmem:s22+$0x1E0] =	vst v0  }
0x548: {  	v0 =	vld [tilespmem:s30+$0x30];
	[tilespmem:s26+$0x1D0] =	vst v4  }
0x549: {  	[tilespmem:s23+$0x1E0] =	vst v1;
	v4 =	vld [tilespmem:s20+$0x20]  }
0x54a: {  	v1 =	vld [tilespmem:s0+$0x30];
	[tilespmem:s24+$0x1E0] =	vst v2  }
0x54b: {  	[tilespmem:s21+$0x1F0] =	vst v5;
	v2 =	vld [tilespmem:s12+$0x30]  }
0x54c: {  	[tilespmem:s25+$0x1E0] =	vst v3  }
0x54d: {  	[tilespmem:s22+$0x1F0] =	vst v0  }
0x54e: {  	v3 =	vld [tilespmem:s16+$0x30];
	[tilespmem:s26+$0x1E0] =	vst v4  }
0x54f: {  	s19 =	sadd.s32 $0x1, s19;
	[tilespmem:s23+$0x1F0] =	vst v1;
	v4 =	vld [tilespmem:s20+$0x30]  }
0x550: {  	p0 =	sne.s32 s19, $0x14;
	[tilespmem:s24+$0x1F0] =	vst v2  }
.Ltmp2:
0x551: {  	s29 =	rddreg [dreg:$0x9];
	(pc) =	sbr.rel @p0 .LBB2_2-.Ltmp2, $4  }
0x552: {  	s0 =	smul.u32 $0x1400, s29  }
0x553: {  	s30 =	rddreg [dreg:$0x2];
	[tilespmem:s25+$0x1F0] =	vst v3  }
0x554: {  	s31 =	simm.s32 $0xA900;
	s6 =	simm.s32 $0x0;
	s0 =	sadd.s32 s30, s0;
	[tilespmem:s26+$0x1F0] =	vst v4  }
0x555: {  	[hbm4b:s0+s6] =	stream.linear.scatter [tilespmem:s31], [sflag:$0x2], $0xA000, $0x38;
	[tilespmem:$0x14900] =	vst v63  }
0x556: {  	s0 =	simm.s32 $0x1  }
0x557: {  	_ =	swait.ge [sflag:s0], $0xA000  }
0x558: {  	[sflag:s0] =	ssyncset.done $0x0  }
0x559: {  	s1 =	simm.s32 $0x2;
	[sflag:s0] =	ssyncadd.s32 $0xFFFF6000  }
0x55a: {  	_ =	swait.ge [sflag:s1], $0xA000  }
0x55b: {  	s2 =	rddreg [dreg:$0x8]  }
0x55c: {  	s31 =	rddreg [dreg:$0x7];
	s2 =	sadd.s32 $0x1, s2  }
0x55d: {  	p0 =	sne.s32 s2, s31  }
.Ltmp3:
0x55e: {  	_ = 	snop;
	(pc) =	sbr.rel @p0 .LBB2_1-.Ltmp3, $3  }
0x55f: {  	_ =	sdelay $0x1  }
0x560: {  	[sflag:s1] =	ssyncset.done $0x0  }
0x561: {  	[sflag:s1] =	ssyncadd.s32 $0xFFFF6000  }
0x562: {  	_ =	sfence.sel $0x180000  }
0x563: {  	[bflag:$0x0] =	sbarrier.arrive $0xFFFF  }
0x564: {  	_ =	strace $0x90000047  }
0x565: {  	s0 =	stileid.u32;
	[bflag:$0x2] =	sbarrier.arrive $0xFFFF  }
0x566: {  	p0 =	sne.s32 s0, $0x0;
	s0 =	rddreg [dreg:$0x3]  }
0x567: {  	s0 =	sadd.s32 @!p0 $0x100000, s0  }
0x568: {  	[sflag:s0] =	ssyncadd.tile.s32 @!p0 $0x1;
	_ =	shalt  }
.Lfunc_end2:
_tile_overlayer_lowered:
.L_overlay_start_2:
0x569: {  	(tag) =	ssettag $0x2  }
0x56a: {  	s0 =	rddreg [dreg:$0x0];
	s2 =	stileid.u32  }
0x56b: {  	s1 =	rddreg [dreg:$0x1];
	p0 =	sne.s32 s2, $0x0  }
0x56c: {  	s3 =	rddreg [dreg:$0x2];
	[bflag:$0x3] =	sbarrier.arrive $0xFFFF;
	s2 =	simm.s32 @!p0 $0x1C05  }
0x56d: {  	[timem:s3], [sflag:s2] =	dma.local @!p0 [hbm:s0], s1  }
0x56e: {  	s0 =	simm.s32 @!p0 $0x5  }
0x56f: {  	_ =	swait.ge @!p0 [sflag:s0], s1  }
0x570: {  	s1 =	ssub.s32 @!p0 $0x0, s1;
	[sflag:s0] =	ssyncset.done @!p0 $0x0  }
0x571: {  	[sflag:s0] =	ssyncadd.s32 @!p0 s1  }
0x572: {  	[bflag:$0x3] =	sbarrier.arrive $0xFFFF  }
0x573: {  	_ =	shalt  }

// kernel: sparse-core-data-format-call.cloned.1.call-start
scs
called_computation_lowered:
.L_overlay_start_0:
0x0: {  	s2 =	sld [smem:$0x3FD9]  }
0x1: {  	s3 =	sld [smem:$0x3FFE];
	_ =	sdelay $0x1  }
0x2: {  	s1 =	srdreg.scid  }
0x3: {  	s0 =	sand.u32 $0x1, s1  }
0x4: {  	s18 =	sshll.u32 s0, $0xA;
	s2 =	sadd.s32 s3, s2  }
0x5: {  	s2 =	sadd.s32 s2, s18  }
0x6: {  	[smem:$0x3FC1] =	sst s2  }
0x7: {  	_ = 	snop  }
0x8: {  	s2 =	sld [smem:$0x3FD0];
	(tm) =	ssettm $0x1  }
0x9: {  	s19 =	sld [smem:$0x3FFB];
	_ =	sdelay $0x3  }
0xa: {  	_ =	strace s19  }
0xb: {  	s3 =	sld [smem:$0x3FFC];
	_ =	sdelay $0x3  }
0xc: {  	_ =	strace s3  }
0xd: {  	s3 =	sld [smem:$0x3FFD];
	_ =	sdelay $0x3  }
0xe: {  	_ =	strace s3  }
0xf: {  	_ =	strace $0x8FFFFFFF  }
0x10: {  	s20 =	sld [smem:$0x3FDB];
	_ =	sdelay $0x1  }
0x11: {  	s4 =	simm.s32 $_scs_section_size  }
0x12: {  	s5 =	simm.s32 $_size__tile_overlayer_lowered;
	s6 =	simm.s32 $_tile_overlayer_lowered  }
0x13: {  	s23 =	simm.s32 $0x1BFF;
	s22 =	sshll.u32 s6, $0x1;
	s3 =	sadd.s32 s4, s20  }
0x14: {  	s7 =	simm.s32 $0x0;
	s21 =	sshll.u32 s5, $0x1;
	s5 =	sadd.s32 s22, s3  }
0x15: {  	[timem:s7], [sflag:s23] =	dma.local [hbm:s5], s21  }
0x16: {  	_ =	swait.ge [sflag:s23], s21  }
0x17: {  	s4 =	ssub.s32 $0x0, s21;
	[sflag:s23] =	ssyncset.done $0x0  }
0x18: {  	[sflag:s23] =	ssyncadd.s32 s4;
	_ =	sdelay $0x1  }
0x19: {  	s24 =	simm.s32 $0x1B8B  }
0x1a: {  	_ =	swait.ge [sflag:s24], $0x1  }
0x1b: {  	[sflag:s24] =	ssyncset.done $0x0  }
0x1c: {  	s26 =	simm.s32 $0x1B8E;
	s25 =	sld [smem:$0x3FFE];
	[sflag:s24] =	ssyncadd.s32 $0xFFFFFFFF  }
0x1d: {  	s27 =	simm.s32 $execute0_lowered;
	[smem:$0x3FD2] =	sst s26  }
0x1e: {  	s5 =	sshll.u32 s27, $0x1;
	_ =	strace $0x80000049;
	[dreg:$0x1] =	wrdreg $0xFFFFFFFF  }
0x1f: {  	s28 =	simm.s32 $_size_execute0_lowered;
	s3 =	sadd.s32 s3, s5;
	[dreg:$0x0] =	wrdreg $0x0  }
0x20: {  	s5 =	sshll.u32 s28, $0x1;
	[dreg:$0x2] =	wrdreg s3  }
0x21: {  	[dreg:$0x3] =	wrdreg s5  }
0x22: {  	[dreg:$0x4] =	wrdreg $0xC0  }
0x23: {  	_ =	task [dreg:s7], $0x5FFFF  }
0x24: {  	[dreg:$0x1] =	wrdreg $0xFFFFFFFF  }
0x25: {  	[dreg:$0x0] =	wrdreg $0x60  }
0x26: {  	[dreg:$0x2] =	wrdreg s25  }
0x27: {  	[dreg:$0x3] =	wrdreg s2  }
0x28: {  	[dreg:$0x4] =	wrdreg $0x9  }
0x29: {  	_ =	task.clear_ibuf [dreg:s7], $0x5FFFF;
	_ =	strace $0x90000049  }
0x2a: {  	s29 =	simm.s32 $0x9;
	_ =	strace $0x8000004B  }
0x2b: {  	_ =	swait.ge [sflag:s29], $0x1  }
0x2c: {  	[sflag:s29] =	ssyncadd.s32 $0xFFFFFFFF  }
0x2d: {  	_ =	strace $0x9000004B  }
0x2e: {  	_ =	sfence  }
0x2f: {  	s30 =	sld [smem:$0x0];
	_ =	sdelay $0x2  }
0x30: {  	s31 =	sshll.u32 s1, $0xD;
	s1 =	sshrl.u32 s1, $0x2  }
0x31: {  	s3 =	sand.u32 $0x4000, s31;
	s1 =	sadd.s32 s1, s30  }
0x32: {  	s0 =	sor.u32 s3, s0;
	s1 =	sshll.u32 s1, $0x11  }
0x33: {  	s0 =	sor.u32 s1, s0  }
0x34: {  	s0 =	sadd.s32 $0x8F2B, s0  }
0x35: {  	[sflag:s0] =	ssyncadd.remote.s32 $0x1  }
0x36: {  	_ =	sfence.sel $0xFFFF  }
0x37: {  	[dreg:$0x0] =	wrdreg $0xFFFFFFFF;
	(pc) =	sbr.abs _section_cstart, $3  }
0x38: {  	[dreg:$0x1] =	wrdreg $0xFFFFFFFF  }
0x39: {  	_ =	task.clear_ibuf [dreg:s7], $0x2FFFF;
	_ =	strace $0x9FFFFFFF  }
0x3a: {  	(tm) =	ssettm $0x7FFFFFFF  }
0x3b: {  	_ =	shalt  }
tec
execute0_lowered:
.L_overlay_start_1:
0x0: {  	(tag) =	ssettag $0x1  }
0x1: {  	s0 =	srdreg.scid  }
0x2: {  	s1 =	sshll.u32 s0, $0x4  }
0x3: {  	s4 =	rddreg [dreg:$0x0];
	s0 =	stileid.u32;
	s1 =	sand.u32 $0x10, s1  }
0x4: {  	s2 =	rddreg [dreg:$0x1];
	s7 =	simm.s32 $0x1;
	s1 =	sor.u32 s0, s1  }
0x5: {  	s8 =	simm.s32 $0x2;
	s11 =	simm.s32 $0x0;
	s3 =	sshll.u32 s1, $0x7  }
0x6: {  	s10 =	simm.s32 $0x0;
	s4 =	sadd.s32 $0x1600, s4;
	s6 =	ssub.s32 $0xC8000, s3  }
.Ltmp0:
0x7: {  	s1 =	rddreg [dreg:$0x2];
	s5 =	sand.u32 $0xF80, s6;
	(pc) =	sbr.rel .LBB1_1-.Ltmp0, $4  }
0x8: {  	_ =	strace $0x8000004A;
	s9 =	smov.u32 s3;
	p0 =	sne.s32 s5, $0x0  }
0x9: {  	s6 =	sshrl.u32 s6, $0xC;
	s5 =	simm.s32 $0x1;
	s7 =	simm.s32 @!p0 $0x0  }
0xa: {  	[sflag:s5] =	ssyncpa.u1 $0x0;
	p0 =	por $0x0, $0x0;
	s6 =	sadd.s32 s7, s6  }
0xb: {  	[sflag:s8] =	ssyncpa.u1 $0x0;
	s8 =	simm.s32 $0x640000;
	s7 =	sadd.s32 $0x1, s6  }
.LBB1_4:
0xc: {  	s14 =	sshll.u32 s11, $0x3  }
0xd: {  	s30 =	sand.u32 $0x7F, s11;
	s15 =	sand.u32 $0xFFFFFC00, s14  }
0xe: {  	s11 =	sor.u32 s30, s15  }
0xf: {  	s15 =	smulhi.u32 $0x51EB851F, s11  }
0x10: {  	s14 =	smulhi.u32 $0x51EB851F, s14  }
0x11: {  	s15 =	sshrl.u32 s15, $0x12  }
0x12: {  	s14 =	sshrl.u32 s14, $0x12;
	s15 =	smul.u32 $0xC8000, s15  }
0x13: {  	s14 =	sand.u32 $0x3F, s14  }
0x14: {  	s14 =	smul.u32 $0x19000, s14;
	s11 =	ssub.s32 s11, s15  }
0x15: {  	[tilespmem:s13+$0x810 ss:$0x81] =	vst.msk $0xffff, v2;
	s15 =	sand.u32 $0x7, s11  }
0x16: {  	[tilespmem:s13+$0x1020 ss:$0x81] =	vst.msk $0xffff, v0;
	s14 =	sadd.s32 s2, s14;
	s11 =	sshrl.u32 s11, $0x3;
	s15 =	sshll.u32 s15, $0x12  }
0x17: {  	[tilespmem:s13+$0x0 ss:$0x81] =	vst.msk $0xffff, v1;
	s11 =	sadd.s32 s11, s14;
	s31 =	sor.u32 $0x400, s15  }
0x18: {  	[hbm4b:s11+s31] =	stream.strided.scatter [tilespmem:s12], [sflag:$0x2], $0x2000, s8, s31, $0x20;
	[tilespmem:$0x8080] =	vst v63  }
.LBB1_5:
0x19: {  	s13 =	sadd.s32 $0x1000, s9  }
0x1a: {  	p2 =	sgt.s32 s13, $0xC7FFF  }
0x1b: {  	s13 =	smov.u32 @p2 s3;
	p2 =	sne.s32 s10, s7  }
.Ltmp1:
0x1c: {  	p1 =	slt.u32 s10, $0x2;
	(pc) =	sbr.rel @!p2 .LBB1_6-.Ltmp1, $4  }
0x1d: {  	s12 =	simm.s32 @!p1 $0x2  }
0x1e: {  	s14 =	sadd.s32 $0x1, s10;
	_ =	swait.ge @!p1 [sflag:s12], $0x2000  }
0x1f: {  	s11 =	smov.u32 s9;
	p0 =	por !p0, !p0;
	[sflag:s12] =	ssyncset.done @!p1 $0x0  }
0x20: {  	s10 =	smov.u32 s14;
	s9 =	smov.u32 s13;
	[sflag:s12] =	ssyncadd.s32 @!p1 $0xFFFFE000  }
.LBB1_1:
0x21: {  	p1 =	sge.u32 s10, s6  }
0x22: {  	s12 =	sand.u32 @!p1 $0x1FFFFFF, s9  }
0x23: {  	s13 =	smulhi.u32 @!p1 $0x147AE15, s12;
	_ =	sdelay $0x1  }
0x24: {  	s13 =	sshrl.u32 @!p1 s13, $0xC  }
0x25: {  	s13 =	smul.u32 @!p1 $0xC8000, s13;
	_ =	sdelay $0x1  }
0x26: {  	s31 =	sadd.s32 $0xFFFFFFFF, s10;
	s14 =	sxor.u32 @!p1 $0xFFFFFFFF, s10;
	s12 =	ssub.s32 @!p1 s12, s13  }
0x27: {  	s15 =	simm.s32 @!p1 $0x80;
	s14 =	sshll.u32 @!p1 s14, $0xD;
	s12 =	sshll.u32 @!p1 s12, $0x4  }
0x28: {  	s13 =	sand.u32 @!p1 $0x2000, s14;
	s14 =	simm.s32 @!p1 $0x40;
	s12 =	sadd.s32 @!p1 s4, s12  }
0x29: {  	[tilespmem:s13], [sflag:$0x1] =	stream.strided.gather @!p1 [hbm4b:s12+s14], $0x2000, s15, s14, $0x38;
	[tilespmem:$0x8080] =	vst v63  }
0x2a: {  	p1 =	sge.u32 s31, s6  }
.Ltmp2:
0x2b: {  	_ = 	snop;
	(pc) =	sbr.rel @p1 .LBB1_5-.Ltmp2, $1  }
0x2c: {  	_ =	sdelay $0x3  }
0x2d: {  	s12 =	simm.s32 $0x1  }
0x2e: {  	_ =	swait.ge [sflag:s5], $0x2000;
	s12 =	simm.s32 @!p0 $0x0  }
0x2f: {  	[sflag:s5] =	ssyncset.done $0x0;
	s13 =	sshll.u32 s12, $0xD  }
0x30: {  	[sflag:s5] =	ssyncadd.s32 $0xFFFFE000;
	s16 =	sor.u32 $0x20, s13  }
0x31: {  	s12 =	smul.u32 $0x8100, s12;
	v3 =	vld [tilespmem:s16+$0x10]  }
0x32: {  	s30 =	sand.u32 $0x1, s10;
	v2 =	vld [tilespmem:s16+$0xFFFFFFF0]  }
0x33: {  	s13 =	smul.u32 $0x8100, s30;
	s12 =	sshrl.u32 s12, $0x2;
	v0 =	vld [tilespmem:s16+$0x0]  }
0x34: {  	v1 =	vld [tilespmem:s16+$0xFFFFFFE0];
	s14 =	sor.u32 $0x4000, s12  }
0x35: {  	s31 =	sshrl.u32 s13, $0x2;
	s13 =	sadd.s32 $0x0, s14  }
0x36: {  	s15 =	simm.s32 $0x4;
	s16 =	sadd.s32 $0x40, s16;
	s12 =	sor.u32 $0x4000, s31;
	[tilespmem:s13+$0x1830 ss:$0x81] =	vst.msk $0xffff, v3  }
.LBB1_3:
0x37: {  	v3 =	vld [tilespmem:s16+$0x10];
	p1 =	sne.s32 s15, $0x1FC;
	[tilespmem:s13+$0x810 ss:$0x81] =	vst.msk $0xffff, v2;
	s17 =	smov.u32 s15;
	s15 =	sadd.s32 $0x4, s15  }
.Ltmp3:
0x38: {  	v2 =	vld [tilespmem:s16+$0xFFFFFFF0];
	[tilespmem:s13+$0x1020 ss:$0x81] =	vst.msk $0xffff, v0;
	(pc) =	sbr.rel @p1 .LBB1_3-.Ltmp3, $4  }
0x39: {  	v0 =	vld [tilespmem:s16+$0x0];
	[tilespmem:s13+$0x0 ss:$0x81] =	vst.msk $0xffff, v1  }
0x3a: {  	s13 =	sshra.s32 s17, $0x2;
	v1 =	vld [tilespmem:s16+$0xFFFFFFE0]  }
0x3b: {  	s13 =	sadd.s32 s13, s14  }
0x3c: {  	s16 =	sadd.s32 $0x40, s16;
	[tilespmem:s13+$0x1830 ss:$0x81] =	vst.msk $0xffff, v3  }
.Ltmp4:
0x3d: {  	_ = 	snop;
	(pc) =	sbr.rel .LBB1_4-.Ltmp4, $1  }
0x3e: {  	_ =	sdelay $0x3  }
.LBB1_6:
0x3f: {  	_ =	sfence.sel $0x180000  }
0x40: {  	s2 =	simm.s32 $0x1;
	[bflag:$0x0] =	sbarrier.arrive $0xFFFF  }
0x41: {  	s31 =	simm.s32 $0x2;
	[sflag:s2] =	ssyncpa.u1 $0x1  }
0x42: {  	[sflag:s31] =	ssyncpa.u1 $0x1  }
0x43: {  	p0 =	sne.s32 s0, $0x0;
	_ =	strace $0x9000004A  }
0x44: {  	s0 =	sadd.s32 @!p0 $0x100000, s1;
	[bflag:$0x2] =	sbarrier.arrive $0xFFFF  }
0x45: {  	[sflag:s0] =	ssyncadd.tile.s32 @!p0 $0x1;
	_ =	shalt  }
.Lfunc_end1:
_tile_overlayer_lowered:
.L_overlay_start_2:
0x46: {  	(tag) =	ssettag $0x2  }
0x47: {  	s0 =	rddreg [dreg:$0x0];
	s2 =	stileid.u32  }
0x48: {  	s1 =	rddreg [dreg:$0x1];
	p0 =	sne.s32 s2, $0x0  }
0x49: {  	s3 =	rddreg [dreg:$0x2];
	[bflag:$0x3] =	sbarrier.arrive $0xFFFF;
	s2 =	simm.s32 @!p0 $0x1C01  }
0x4a: {  	[timem:s3], [sflag:s2] =	dma.local @!p0 [hbm:s0], s1  }
0x4b: {  	s0 =	simm.s32 @!p0 $0x1  }
0x4c: {  	_ =	swait.ge @!p0 [sflag:s0], s1  }
0x4d: {  	s1 =	ssub.s32 @!p0 $0x0, s1;
	[sflag:s0] =	ssyncset.done @!p0 $0x0  }
0x4e: {  	[sflag:s0] =	ssyncadd.s32 @!p0 s1  }
0x4f: {  	[bflag:$0x3] =	sbarrier.arrive $0xFFFF  }
0x50: {  	_ =	shalt  }

</sc_bundles>
